<compile_context>
chip_gen: v7x
topology: tpu7x:2x2x1
jax: 0.10.2.dev20260603
libtpu: 0.0.44.dev20260713+nightly
codegen_flags: <defaults>
</compile_context>

<pallas_src>
import functools

import jax
import jax.numpy as jnp
from jax import lax
from jax.experimental import pallas as pl
from jax.experimental.pallas import tpu as pltpu
from jax.experimental.pallas import tpu_sc as plsc

NUM_CORES = 2
NUM_SUBCORES = 16
NUM_WORKERS = NUM_CORES * NUM_SUBCORES
NBUF = 8
SBUF = 4


@functools.partial(jax.jit, static_argnames=("chunk",))
def _sc_gather(idx_flat, W, chunk=80):
    B = idx_flat.shape[0]
    D = W.shape[1]
    b_per_w = B // NUM_WORKERS
    n_chunks = b_per_w // chunk
    assert b_per_w % chunk == 0 and chunk % 8 == 0
    assert n_chunks % NBUF == 0 and NBUF % SBUF == 0
    n_laps = n_chunks // NBUF
    assert n_laps >= 3

    mesh = plsc.VectorSubcoreMesh(
        core_axis_name="c", subcore_axis_name="s",
        num_cores=NUM_CORES, num_subcores=NUM_SUBCORES,
    )

    scratch = (
        [pltpu.VMEM((b_per_w,), jnp.int32)]
        + [pltpu.VMEM_SHARED((NUM_SUBCORES, SBUF, chunk, D), jnp.float32)]
        + [pltpu.VMEM((chunk, D), jnp.float32) for _ in range(NBUF)]
        + [pltpu.SemaphoreType.DMA for _ in range(2 * NBUF + SBUF)]
    )

    @functools.partial(
        pl.kernel,
        mesh=mesh,
        out_type=jax.ShapeDtypeStruct((B, D), jnp.float32),
        scratch_types=scratch,
    )
    def k(idx_hbm, table_hbm, out_hbm, idx_v, spmem_v, *refs):
        rows_v = refs[:NBUF]
        gsem = refs[NBUF:2 * NBUF]
        wsem = refs[2 * NBUF:3 * NBUF]
        dsem = refs[3 * NBUF:]

        sid = lax.axis_index("s")
        wid = sid * NUM_CORES + lax.axis_index("c")
        base = wid * b_per_w

        pltpu.sync_copy(idx_hbm.at[pl.ds(base, b_per_w)], idx_v)

        def start_gather(c, b):
            pltpu.async_copy(
                table_hbm.at[idx_v.at[pl.ds(c * chunk, chunk)]],
                rows_v[b], gsem[b])

        def wait_gather(c, b):
            pltpu.make_async_copy(
                table_hbm.at[idx_v.at[pl.ds(c * chunk, chunk)]],
                rows_v[b], gsem[b]).wait()

        def hop_to_spmem(b):
            s = b % SBUF
            pltpu.async_copy(rows_v[b], spmem_v.at[sid, s], wsem[b])
            pltpu.make_async_copy(
                rows_v[b], spmem_v.at[sid, s], wsem[b]).wait()

        def start_dma_out(c, b):
            off = base + c * chunk
            pltpu.async_copy(
                spmem_v.at[sid, b % SBUF],
                out_hbm.at[pl.ds(off, chunk)], dsem[b % SBUF])

        def wait_dma_out(c, b):
            off = base + c * chunk
            pltpu.make_async_copy(
                spmem_v.at[sid, b % SBUF],
                out_hbm.at[pl.ds(off, chunk)], dsem[b % SBUF]).wait()

        for b in range(NBUF):
            start_gather(b, b)

        for b in range(NBUF):
            wait_gather(b, b)
            if b >= SBUF:
                wait_dma_out(b - SBUF, b - SBUF)
            hop_to_spmem(b)
            start_gather(b + NBUF, b)
            start_dma_out(b, b)

        def body(j, carry):
            i = j + 1
            for b in range(NBUF):
                c = i * NBUF + b
                wait_gather(c, b)
                wait_dma_out(c - SBUF, b - SBUF)
                hop_to_spmem(b)
                start_gather(c + NBUF, b)
                start_dma_out(c, b)
            return carry

        lax.fori_loop(0, n_laps - 2, body, 0)

        for b in range(NBUF):
            c = n_chunks - NBUF + b
            wait_gather(c, b)
            wait_dma_out(c - SBUF, b - SBUF)
            hop_to_spmem(b)
            start_dma_out(c, b)

        for b in range(NBUF - SBUF, NBUF):
            c = n_chunks - NBUF + b
            wait_dma_out(c, b)

    return k(idx_flat, W)


def kernel(token_ids, W):
    S, T = token_ids.shape
    D = W.shape[1]
    idx_t = jnp.swapaxes(token_ids, 0, 1).reshape(S * T).astype(jnp.int32)
    out = _sc_gather(idx_t, W)
    return jnp.transpose(out.reshape(T, S, D), (1, 0, 2))

# --- scband reference (transcript-rebuilt; emitter-appended) ---
"""Pipeline reference for scband-embedding-module-45810121179352 (READ-ONLY COPY).

The authoritative reference and input builder live on the scoring server;
editing this copy changes nothing except your own understanding.
"""

import jax, jax.numpy as jnp
import numpy as np

NUM_EMB = 100000
EMB_DIM = 128

def setup_inputs(seed: int = 0) -> dict:
    key = jax.random.key(seed)
    k1, k2 = jax.random.split(key)
    token_ids = jax.random.randint(k1, (4096, 50), 0, NUM_EMB, dtype=jnp.int64 if jax.config.jax_enable_x64 else jnp.int32)
    std = 2.0 / (NUM_EMB + EMB_DIM) ** 0.5
    # truncated normal in [-3, 3] (absolute bounds, matching torch.nn.init.trunc_normal_ with a=-3, b=3)
    W = jax.random.truncated_normal(k2, -3.0 / std, 3.0 / std, (NUM_EMB, EMB_DIM), dtype=jnp.float32) * std
    return {"token_ids": token_ids, "W": W}

def reference(token_ids, W):
    # Faithful translation of: return self.W[token_ids]
    return jnp.take(W, token_ids, axis=0)

if __name__ == "__main__":
    import jax
    _d = setup_inputs()
    print(jax.jit(kernel)(*tuple(_d.values())))

</pallas_src>

<mosaic_0001>
#map = affine_map<(d0, d1) -> (0)>
#map1 = affine_map<(d0, d1) -> (0, 0)>
module attributes {stable_mosaic.version = 14 : i64} {
  func.func @k(%arg0: i32, %arg1: i32, %arg2: memref<204800xi32, #tpu.memory_space<hbm>>, %arg3: memref<100000x128xf32, #tpu.memory_space<hbm>>, %arg4: memref<204800x128xf32, #tpu.memory_space<hbm>>, %arg5: memref<6400xi32, #tpu.memory_space<vmem>>, %arg6: memref<16x4x80x128xf32, #tpu.memory_space<vmem_shared>>, %arg7: memref<80x128xf32, #tpu.memory_space<vmem>>, %arg8: memref<80x128xf32, #tpu.memory_space<vmem>>, %arg9: memref<80x128xf32, #tpu.memory_space<vmem>>, %arg10: memref<80x128xf32, #tpu.memory_space<vmem>>, %arg11: memref<80x128xf32, #tpu.memory_space<vmem>>, %arg12: memref<80x128xf32, #tpu.memory_space<vmem>>, %arg13: memref<80x128xf32, #tpu.memory_space<vmem>>, %arg14: memref<80x128xf32, #tpu.memory_space<vmem>>, %arg15: memref<!tpu.dma_semaphore, #tpu.memory_space<semaphore_mem>>, %arg16: memref<!tpu.dma_semaphore, #tpu.memory_space<semaphore_mem>>, %arg17: memref<!tpu.dma_semaphore, #tpu.memory_space<semaphore_mem>>, %arg18: memref<!tpu.dma_semaphore, #tpu.memory_space<semaphore_mem>>, %arg19: memref<!tpu.dma_semaphore, #tpu.memory_space<semaphore_mem>>, %arg20: memref<!tpu.dma_semaphore, #tpu.memory_space<semaphore_mem>>, %arg21: memref<!tpu.dma_semaphore, #tpu.memory_space<semaphore_mem>>, %arg22: memref<!tpu.dma_semaphore, #tpu.memory_space<semaphore_mem>>, %arg23: memref<!tpu.dma_semaphore, #tpu.memory_space<semaphore_mem>>, %arg24: memref<!tpu.dma_semaphore, #tpu.memory_space<semaphore_mem>>, %arg25: memref<!tpu.dma_semaphore, #tpu.memory_space<semaphore_mem>>, %arg26: memref<!tpu.dma_semaphore, #tpu.memory_space<semaphore_mem>>, %arg27: memref<!tpu.dma_semaphore, #tpu.memory_space<semaphore_mem>>, %arg28: memref<!tpu.dma_semaphore, #tpu.memory_space<semaphore_mem>>, %arg29: memref<!tpu.dma_semaphore, #tpu.memory_space<semaphore_mem>>, %arg30: memref<!tpu.dma_semaphore, #tpu.memory_space<semaphore_mem>>, %arg31: memref<!tpu.dma_semaphore, #tpu.memory_space<semaphore_mem>>, %arg32: memref<!tpu.dma_semaphore, #tpu.memory_space<semaphore_mem>>, %arg33: memref<!tpu.dma_semaphore, #tpu.memory_space<semaphore_mem>>, %arg34: memref<!tpu.dma_semaphore, #tpu.memory_space<semaphore_mem>>) attributes {dimension_semantics = [#tpu.dimension_semantics<core_parallel>, #tpu.dimension_semantics<subcore_parallel>], iteration_bounds = array<i64: 2, 16>, scalar_prefetch = 0 : i64, scratch_operands = 30 : i64, tpu.core_type = #tpu.core_type<sc_vector_subcore>, window_params = [{transform_indices = #map}, {transform_indices = #map1}, {transform_indices = #map1}]} {
    %mul3A = arith.constant 2 : i32
    %mul3A_0 = arith.muli %arg1, %mul3A : i32
    %add3A = arith.addi %mul3A_0, %arg0 : i32
    %mul3A_1 = arith.constant 6400 : i32
    %mul3A_2 = arith.muli %add3A, %mul3A_1 : i32
    "tpu.region"() ({
      %run_scoped3A = tpu.sem_alloc : memref<!tpu.dma_semaphore, #tpu.memory_space<semaphore_mem>>
      %dma_start3A_742 = tpu.memref_slice %arg2[%mul3A_2] : memref<204800xi32, #tpu.memory_space<hbm>> -> memref<6400xi32, #tpu.memory_space<hbm>>
      %dma_start3A_743 = tpu.memref_slice %arg2[%mul3A_2] : memref<204800xi32, #tpu.memory_space<hbm>> -> memref<6400xi32, #tpu.memory_space<hbm>>
      tpu.enqueue_dma source(%dma_start3A_743 : memref<6400xi32, #tpu.memory_space<hbm>>) target(%arg5 : memref<6400xi32, #tpu.memory_space<vmem>>) target_semaphore(%run_scoped3A : memref<!tpu.dma_semaphore, #tpu.memory_space<semaphore_mem>>)
      %dma_wait3A_744 = tpu.memref_slice %arg2[%mul3A_2] : memref<204800xi32, #tpu.memory_space<hbm>> -> memref<6400xi32, #tpu.memory_space<hbm>>
      %dma_wait3A_745 = tpu.memref_slice %arg2[%mul3A_2] : memref<204800xi32, #tpu.memory_space<hbm>> -> memref<6400xi32, #tpu.memory_space<hbm>>
      tpu.wait_dma2 semaphore(%run_scoped3A : memref<!tpu.dma_semaphore, #tpu.memory_space<semaphore_mem>>) src(%dma_wait3A_745 : memref<6400xi32, #tpu.memory_space<hbm>>) dst(%arg5 : memref<6400xi32, #tpu.memory_space<vmem>>)
      tpu.yield
    }) : () -> ()
    %dma_start3A = arith.constant 0 : i32
    %dma_start3A_3 = tpu.memref_slice %arg5[%dma_start3A] : memref<6400xi32, #tpu.memory_space<vmem>> -> memref<80xi32, #tpu.memory_space<vmem>>
    %dma_start3A_4 = arith.constant 0 : i32
    %dma_start3A_5 = arith.constant 0 : i32
    %dma_start3A_6 = tpu.memref_slice %arg3[%dma_start3A_4, %dma_start3A_5] : memref<100000x128xf32, #tpu.memory_space<hbm>> -> memref<100000x128xf32, #tpu.memory_space<hbm>>
    tpu.enqueue_indirect_dma source(%dma_start3A_6 : memref<100000x128xf32, #tpu.memory_space<hbm>>) target(%arg7 : memref<80x128xf32, #tpu.memory_space<vmem>>) offsets(%dma_start3A_3 : memref<80xi32, #tpu.memory_space<vmem>>) semaphore(%arg15 : memref<!tpu.dma_semaphore, #tpu.memory_space<semaphore_mem>>)
    %dma_start3A_7 = arith.constant 80 : i32
    %dma_start3A_8 = tpu.memref_slice %arg5[%dma_start3A_7] : memref<6400xi32, #tpu.memory_space<vmem>> -> memref<80xi32, #tpu.memory_space<vmem>>
    %dma_start3A_9 = arith.constant 0 : i32
    %dma_start3A_10 = arith.constant 0 : i32
    %dma_start3A_11 = tpu.memref_slice %arg3[%dma_start3A_9, %dma_start3A_10] : memref<100000x128xf32, #tpu.memory_space<hbm>> -> memref<100000x128xf32, #tpu.memory_space<hbm>>
    tpu.enqueue_indirect_dma source(%dma_start3A_11 : memref<100000x128xf32, #tpu.memory_space<hbm>>) target(%arg8 : memref<80x128xf32, #tpu.memory_space<vmem>>) offsets(%dma_start3A_8 : memref<80xi32, #tpu.memory_space<vmem>>) semaphore(%arg16 : memref<!tpu.dma_semaphore, #tpu.memory_space<semaphore_mem>>)
    %dma_start3A_12 = arith.constant 160 : i32
    %dma_start3A_13 = tpu.memref_slice %arg5[%dma_start3A_12] : memref<6400xi32, #tpu.memory_space<vmem>> -> memref<80xi32, #tpu.memory_space<vmem>>
    %dma_start3A_14 = arith.constant 0 : i32
    %dma_start3A_15 = arith.constant 0 : i32
    %dma_start3A_16 = tpu.memref_slice %arg3[%dma_start3A_14, %dma_start3A_15] : memref<100000x128xf32, #tpu.memory_space<hbm>> -> memref<100000x128xf32, #tpu.memory_space<hbm>>
    tpu.enqueue_indirect_dma source(%dma_start3A_16 : memref<100000x128xf32, #tpu.memory_space<hbm>>) target(%arg9 : memref<80x128xf32, #tpu.memory_space<vmem>>) offsets(%dma_start3A_13 : memref<80xi32, #tpu.memory_space<vmem>>) semaphore(%arg17 : memref<!tpu.dma_semaphore, #tpu.memory_space<semaphore_mem>>)
    %dma_start3A_17 = arith.constant 240 : i32
    %dma_start3A_18 = tpu.memref_slice %arg5[%dma_start3A_17] : memref<6400xi32, #tpu.memory_space<vmem>> -> memref<80xi32, #tpu.memory_space<vmem>>
    %dma_start3A_19 = arith.constant 0 : i32
    %dma_start3A_20 = arith.constant 0 : i32
    %dma_start3A_21 = tpu.memref_slice %arg3[%dma_start3A_19, %dma_start3A_20] : memref<100000x128xf32, #tpu.memory_space<hbm>> -> memref<100000x128xf32, #tpu.memory_space<hbm>>
    tpu.enqueue_indirect_dma source(%dma_start3A_21 : memref<100000x128xf32, #tpu.memory_space<hbm>>) target(%arg10 : memref<80x128xf32, #tpu.memory_space<vmem>>) offsets(%dma_start3A_18 : memref<80xi32, #tpu.memory_space<vmem>>) semaphore(%arg18 : memref<!tpu.dma_semaphore, #tpu.memory_space<semaphore_mem>>)
    %dma_start3A_22 = arith.constant 320 : i32
    %dma_start3A_23 = tpu.memref_slice %arg5[%dma_start3A_22] : memref<6400xi32, #tpu.memory_space<vmem>> -> memref<80xi32, #tpu.memory_space<vmem>>
    %dma_start3A_24 = arith.constant 0 : i32
    %dma_start3A_25 = arith.constant 0 : i32
    %dma_start3A_26 = tpu.memref_slice %arg3[%dma_start3A_24, %dma_start3A_25] : memref<100000x128xf32, #tpu.memory_space<hbm>> -> memref<100000x128xf32, #tpu.memory_space<hbm>>
    tpu.enqueue_indirect_dma source(%dma_start3A_26 : memref<100000x128xf32, #tpu.memory_space<hbm>>) target(%arg11 : memref<80x128xf32, #tpu.memory_space<vmem>>) offsets(%dma_start3A_23 : memref<80xi32, #tpu.memory_space<vmem>>) semaphore(%arg19 : memref<!tpu.dma_semaphore, #tpu.memory_space<semaphore_mem>>)
    %dma_start3A_27 = arith.constant 400 : i32
    %dma_start3A_28 = tpu.memref_slice %arg5[%dma_start3A_27] : memref<6400xi32, #tpu.memory_space<vmem>> -> memref<80xi32, #tpu.memory_space<vmem>>
    %dma_start3A_29 = arith.constant 0 : i32
    %dma_start3A_30 = arith.constant 0 : i32
    %dma_start3A_31 = tpu.memref_slice %arg3[%dma_start3A_29, %dma_start3A_30] : memref<100000x128xf32, #tpu.memory_space<hbm>> -> memref<100000x128xf32, #tpu.memory_space<hbm>>
    tpu.enqueue_indirect_dma source(%dma_start3A_31 : memref<100000x128xf32, #tpu.memory_space<hbm>>) target(%arg12 : memref<80x128xf32, #tpu.memory_space<vmem>>) offsets(%dma_start3A_28 : memref<80xi32, #tpu.memory_space<vmem>>) semaphore(%arg20 : memref<!tpu.dma_semaphore, #tpu.memory_space<semaphore_mem>>)
    %dma_start3A_32 = arith.constant 480 : i32
    %dma_start3A_33 = tpu.memref_slice %arg5[%dma_start3A_32] : memref<6400xi32, #tpu.memory_space<vmem>> -> memref<80xi32, #tpu.memory_space<vmem>>
    %dma_start3A_34 = arith.constant 0 : i32
    %dma_start3A_35 = arith.constant 0 : i32
    %dma_start3A_36 = tpu.memref_slice %arg3[%dma_start3A_34, %dma_start3A_35] : memref<100000x128xf32, #tpu.memory_space<hbm>> -> memref<100000x128xf32, #tpu.memory_space<hbm>>
    tpu.enqueue_indirect_dma source(%dma_start3A_36 : memref<100000x128xf32, #tpu.memory_space<hbm>>) target(%arg13 : memref<80x128xf32, #tpu.memory_space<vmem>>) offsets(%dma_start3A_33 : memref<80xi32, #tpu.memory_space<vmem>>) semaphore(%arg21 : memref<!tpu.dma_semaphore, #tpu.memory_space<semaphore_mem>>)
    %dma_start3A_37 = arith.constant 560 : i32
    %dma_start3A_38 = tpu.memref_slice %arg5[%dma_start3A_37] : memref<6400xi32, #tpu.memory_space<vmem>> -> memref<80xi32, #tpu.memory_space<vmem>>
    %dma_start3A_39 = arith.constant 0 : i32
    %dma_start3A_40 = arith.constant 0 : i32
    %dma_start3A_41 = tpu.memref_slice %arg3[%dma_start3A_39, %dma_start3A_40] : memref<100000x128xf32, #tpu.memory_space<hbm>> -> memref<100000x128xf32, #tpu.memory_space<hbm>>
    tpu.enqueue_indirect_dma source(%dma_start3A_41 : memref<100000x128xf32, #tpu.memory_space<hbm>>) target(%arg14 : memref<80x128xf32, #tpu.memory_space<vmem>>) offsets(%dma_start3A_38 : memref<80xi32, #tpu.memory_space<vmem>>) semaphore(%arg22 : memref<!tpu.dma_semaphore, #tpu.memory_space<semaphore_mem>>)
    %dma_wait3A = arith.constant 0 : i32
    %dma_wait3A_42 = tpu.memref_slice %arg5[%dma_wait3A] : memref<6400xi32, #tpu.memory_space<vmem>> -> memref<80xi32, #tpu.memory_space<vmem>>
    %dma_wait3A_43 = arith.constant 0 : i32
    %dma_wait3A_44 = arith.constant 0 : i32
    %dma_wait3A_45 = tpu.memref_slice %arg3[%dma_wait3A_43, %dma_wait3A_44] : memref<100000x128xf32, #tpu.memory_space<hbm>> -> memref<100000x128xf32, #tpu.memory_space<hbm>>
    tpu.wait_indirect_dma semaphore(%arg15 : memref<!tpu.dma_semaphore, #tpu.memory_space<semaphore_mem>>) src(%dma_wait3A_45 : memref<100000x128xf32, #tpu.memory_space<hbm>>) dst(%arg7 : memref<80x128xf32, #tpu.memory_space<vmem>>)
    %dma_start3A_46 = arith.constant 0 : i32
    %dma_start3A_47 = arith.constant 0 : i32
    %dma_start3A_48 = arith.constant 0 : i32
    %dma_start3A_49 = tpu.memref_slice %arg6[%arg1, %dma_start3A_46, %dma_start3A_47, %dma_start3A_48] : memref<16x4x80x128xf32, #tpu.memory_space<vmem_shared>> -> memref<1x1x80x128xf32, #tpu.memory_space<vmem_shared>>
    %dma_start3A_50 = tpu.memref_squeeze %dma_start3A_49 : memref<1x1x80x128xf32, #tpu.memory_space<vmem_shared>> -> memref<80x128xf32, #tpu.memory_space<vmem_shared>>
    %dma_start3A_51 = arith.constant 0 : i32
    %dma_start3A_52 = arith.constant 0 : i32
    %dma_start3A_53 = tpu.memref_slice %arg6[%arg1, %dma_start3A_46, %dma_start3A_51, %dma_start3A_52] : memref<16x4x80x128xf32, #tpu.memory_space<vmem_shared>> -> memref<1x1x80x128xf32, #tpu.memory_space<vmem_shared>>
    %dma_start3A_54 = tpu.memref_squeeze %dma_start3A_53 : memref<1x1x80x128xf32, #tpu.memory_space<vmem_shared>> -> memref<80x128xf32, #tpu.memory_space<vmem_shared>>
    tpu.enqueue_dma source(%arg7 : memref<80x128xf32, #tpu.memory_space<vmem>>) target(%dma_start3A_54 : memref<80x128xf32, #tpu.memory_space<vmem_shared>>) target_semaphore(%arg23 : memref<!tpu.dma_semaphore, #tpu.memory_space<semaphore_mem>>)
    %dma_wait3A_55 = arith.constant 0 : i32
    %dma_wait3A_56 = arith.constant 0 : i32
    %dma_wait3A_57 = arith.constant 0 : i32
    %dma_wait3A_58 = tpu.memref_slice %arg6[%arg1, %dma_wait3A_55, %dma_wait3A_56, %dma_wait3A_57] : memref<16x4x80x128xf32, #tpu.memory_space<vmem_shared>> -> memref<1x1x80x128xf32, #tpu.memory_space<vmem_shared>>
    %dma_wait3A_59 = tpu.memref_squeeze %dma_wait3A_58 : memref<1x1x80x128xf32, #tpu.memory_space<vmem_shared>> -> memref<80x128xf32, #tpu.memory_space<vmem_shared>>
    %dma_wait3A_60 = arith.constant 0 : i32
    %dma_wait3A_61 = arith.constant 0 : i32
    %dma_wait3A_62 = tpu.memref_slice %arg6[%arg1, %dma_wait3A_55, %dma_wait3A_60, %dma_wait3A_61] : memref<16x4x80x128xf32, #tpu.memory_space<vmem_shared>> -> memref<1x1x80x128xf32, #tpu.memory_space<vmem_shared>>
    %dma_wait3A_63 = tpu.memref_squeeze %dma_wait3A_62 : memref<1x1x80x128xf32, #tpu.memory_space<vmem_shared>> -> memref<80x128xf32, #tpu.memory_space<vmem_shared>>
    tpu.wait_dma2 semaphore(%arg23 : memref<!tpu.dma_semaphore, #tpu.memory_space<semaphore_mem>>) src(%arg7 : memref<80x128xf32, #tpu.memory_space<vmem>>) dst(%dma_wait3A_63 : memref<80x128xf32, #tpu.memory_space<vmem_shared>>)
    %dma_start3A_64 = arith.constant 640 : i32
    %dma_start3A_65 = tpu.memref_slice %arg5[%dma_start3A_64] : memref<6400xi32, #tpu.memory_space<vmem>> -> memref<80xi32, #tpu.memory_space<vmem>>
    %dma_start3A_66 = arith.constant 0 : i32
    %dma_start3A_67 = arith.constant 0 : i32
    %dma_start3A_68 = tpu.memref_slice %arg3[%dma_start3A_66, %dma_start3A_67] : memref<100000x128xf32, #tpu.memory_space<hbm>> -> memref<100000x128xf32, #tpu.memory_space<hbm>>
    tpu.enqueue_indirect_dma source(%dma_start3A_68 : memref<100000x128xf32, #tpu.memory_space<hbm>>) target(%arg7 : memref<80x128xf32, #tpu.memory_space<vmem>>) offsets(%dma_start3A_65 : memref<80xi32, #tpu.memory_space<vmem>>) semaphore(%arg15 : memref<!tpu.dma_semaphore, #tpu.memory_space<semaphore_mem>>)
    %add3A_69 = arith.constant 0 : i32
    %add3A_70 = arith.addi %mul3A_2, %add3A_69 : i32
    %dma_start3A_71 = arith.constant 0 : i32
    %dma_start3A_72 = arith.constant 0 : i32
    %dma_start3A_73 = tpu.memref_slice %arg4[%add3A_70, %dma_start3A_72] : memref<204800x128xf32, #tpu.memory_space<hbm>> -> memref<80x128xf32, #tpu.memory_space<hbm>>
    %dma_start3A_74 = arith.constant 0 : i32
    %dma_start3A_75 = arith.constant 0 : i32
    %dma_start3A_76 = tpu.memref_slice %arg6[%arg1, %dma_start3A_71, %dma_start3A_74, %dma_start3A_75] : memref<16x4x80x128xf32, #tpu.memory_space<vmem_shared>> -> memref<1x1x80x128xf32, #tpu.memory_space<vmem_shared>>
    %dma_start3A_77 = tpu.memref_squeeze %dma_start3A_76 : memref<1x1x80x128xf32, #tpu.memory_space<vmem_shared>> -> memref<80x128xf32, #tpu.memory_space<vmem_shared>>
    tpu.enqueue_dma source(%dma_start3A_77 : memref<80x128xf32, #tpu.memory_space<vmem_shared>>) target(%dma_start3A_73 : memref<80x128xf32, #tpu.memory_space<hbm>>) target_semaphore(%arg31 : memref<!tpu.dma_semaphore, #tpu.memory_space<semaphore_mem>>)
    %dma_wait3A_78 = arith.constant 80 : i32
    %dma_wait3A_79 = tpu.memref_slice %arg5[%dma_wait3A_78] : memref<6400xi32, #tpu.memory_space<vmem>> -> memref<80xi32, #tpu.memory_space<vmem>>
    %dma_wait3A_80 = arith.constant 0 : i32
    %dma_wait3A_81 = arith.constant 0 : i32
    %dma_wait3A_82 = tpu.memref_slice %arg3[%dma_wait3A_80, %dma_wait3A_81] : memref<100000x128xf32, #tpu.memory_space<hbm>> -> memref<100000x128xf32, #tpu.memory_space<hbm>>
    tpu.wait_indirect_dma semaphore(%arg16 : memref<!tpu.dma_semaphore, #tpu.memory_space<semaphore_mem>>) src(%dma_wait3A_82 : memref<100000x128xf32, #tpu.memory_space<hbm>>) dst(%arg8 : memref<80x128xf32, #tpu.memory_space<vmem>>)
    %dma_start3A_83 = arith.constant 1 : i32
    %dma_start3A_84 = arith.constant 0 : i32
    %dma_start3A_85 = arith.constant 0 : i32
    %dma_start3A_86 = tpu.memref_slice %arg6[%arg1, %dma_start3A_83, %dma_start3A_84, %dma_start3A_85] : memref<16x4x80x128xf32, #tpu.memory_space<vmem_shared>> -> memref<1x1x80x128xf32, #tpu.memory_space<vmem_shared>>
    %dma_start3A_87 = tpu.memref_squeeze %dma_start3A_86 : memref<1x1x80x128xf32, #tpu.memory_space<vmem_shared>> -> memref<80x128xf32, #tpu.memory_space<vmem_shared>>
    %dma_start3A_88 = arith.constant 0 : i32
    %dma_start3A_89 = arith.constant 0 : i32
    %dma_start3A_90 = tpu.memref_slice %arg6[%arg1, %dma_start3A_83, %dma_start3A_88, %dma_start3A_89] : memref<16x4x80x128xf32, #tpu.memory_space<vmem_shared>> -> memref<1x1x80x128xf32, #tpu.memory_space<vmem_shared>>
    %dma_start3A_91 = tpu.memref_squeeze %dma_start3A_90 : memref<1x1x80x128xf32, #tpu.memory_space<vmem_shared>> -> memref<80x128xf32, #tpu.memory_space<vmem_shared>>
    tpu.enqueue_dma source(%arg8 : memref<80x128xf32, #tpu.memory_space<vmem>>) target(%dma_start3A_91 : memref<80x128xf32, #tpu.memory_space<vmem_shared>>) target_semaphore(%arg24 : memref<!tpu.dma_semaphore, #tpu.memory_space<semaphore_mem>>)
    %dma_wait3A_92 = arith.constant 1 : i32
    %dma_wait3A_93 = arith.constant 0 : i32
    %dma_wait3A_94 = arith.constant 0 : i32
    %dma_wait3A_95 = tpu.memref_slice %arg6[%arg1, %dma_wait3A_92, %dma_wait3A_93, %dma_wait3A_94] : memref<16x4x80x128xf32, #tpu.memory_space<vmem_shared>> -> memref<1x1x80x128xf32, #tpu.memory_space<vmem_shared>>
    %dma_wait3A_96 = tpu.memref_squeeze %dma_wait3A_95 : memref<1x1x80x128xf32, #tpu.memory_space<vmem_shared>> -> memref<80x128xf32, #tpu.memory_space<vmem_shared>>
    %dma_wait3A_97 = arith.constant 0 : i32
    %dma_wait3A_98 = arith.constant 0 : i32
    %dma_wait3A_99 = tpu.memref_slice %arg6[%arg1, %dma_wait3A_92, %dma_wait3A_97, %dma_wait3A_98] : memref<16x4x80x128xf32, #tpu.memory_space<vmem_shared>> -> memref<1x1x80x128xf32, #tpu.memory_space<vmem_shared>>
    %dma_wait3A_100 = tpu.memref_squeeze %dma_wait3A_99 : memref<1x1x80x128xf32, #tpu.memory_space<vmem_shared>> -> memref<80x128xf32, #tpu.memory_space<vmem_shared>>
    tpu.wait_dma2 semaphore(%arg24 : memref<!tpu.dma_semaphore, #tpu.memory_space<semaphore_mem>>) src(%arg8 : memref<80x128xf32, #tpu.memory_space<vmem>>) dst(%dma_wait3A_100 : memref<80x128xf32, #tpu.memory_space<vmem_shared>>)
    %dma_start3A_101 = arith.constant 720 : i32
    %dma_start3A_102 = tpu.memref_slice %arg5[%dma_start3A_101] : memref<6400xi32, #tpu.memory_space<vmem>> -> memref<80xi32, #tpu.memory_space<vmem>>
    %dma_start3A_103 = arith.constant 0 : i32
    %dma_start3A_104 = arith.constant 0 : i32
    %dma_start3A_105 = tpu.memref_slice %arg3[%dma_start3A_103, %dma_start3A_104] : memref<100000x128xf32, #tpu.memory_space<hbm>> -> memref<100000x128xf32, #tpu.memory_space<hbm>>
    tpu.enqueue_indirect_dma source(%dma_start3A_105 : memref<100000x128xf32, #tpu.memory_space<hbm>>) target(%arg8 : memref<80x128xf32, #tpu.memory_space<vmem>>) offsets(%dma_start3A_102 : memref<80xi32, #tpu.memory_space<vmem>>) semaphore(%arg16 : memref<!tpu.dma_semaphore, #tpu.memory_space<semaphore_mem>>)
    %add3A_106 = arith.constant 80 : i32
    %add3A_107 = arith.addi %mul3A_2, %add3A_106 : i32
    %dma_start3A_108 = arith.constant 1 : i32
    %dma_start3A_109 = arith.constant 0 : i32
    %dma_start3A_110 = tpu.memref_slice %arg4[%add3A_107, %dma_start3A_109] : memref<204800x128xf32, #tpu.memory_space<hbm>> -> memref<80x128xf32, #tpu.memory_space<hbm>>
    %dma_start3A_111 = arith.constant 0 : i32
    %dma_start3A_112 = arith.constant 0 : i32
    %dma_start3A_113 = tpu.memref_slice %arg6[%arg1, %dma_start3A_108, %dma_start3A_111, %dma_start3A_112] : memref<16x4x80x128xf32, #tpu.memory_space<vmem_shared>> -> memref<1x1x80x128xf32, #tpu.memory_space<vmem_shared>>
    %dma_start3A_114 = tpu.memref_squeeze %dma_start3A_113 : memref<1x1x80x128xf32, #tpu.memory_space<vmem_shared>> -> memref<80x128xf32, #tpu.memory_space<vmem_shared>>
    tpu.enqueue_dma source(%dma_start3A_114 : memref<80x128xf32, #tpu.memory_space<vmem_shared>>) target(%dma_start3A_110 : memref<80x128xf32, #tpu.memory_space<hbm>>) target_semaphore(%arg32 : memref<!tpu.dma_semaphore, #tpu.memory_space<semaphore_mem>>)
    %dma_wait3A_115 = arith.constant 160 : i32
    %dma_wait3A_116 = tpu.memref_slice %arg5[%dma_wait3A_115] : memref<6400xi32, #tpu.memory_space<vmem>> -> memref<80xi32, #tpu.memory_space<vmem>>
    %dma_wait3A_117 = arith.constant 0 : i32
    %dma_wait3A_118 = arith.constant 0 : i32
    %dma_wait3A_119 = tpu.memref_slice %arg3[%dma_wait3A_117, %dma_wait3A_118] : memref<100000x128xf32, #tpu.memory_space<hbm>> -> memref<100000x128xf32, #tpu.memory_space<hbm>>
    tpu.wait_indirect_dma semaphore(%arg17 : memref<!tpu.dma_semaphore, #tpu.memory_space<semaphore_mem>>) src(%dma_wait3A_119 : memref<100000x128xf32, #tpu.memory_space<hbm>>) dst(%arg9 : memref<80x128xf32, #tpu.memory_space<vmem>>)
    %dma_start3A_120 = arith.constant 2 : i32
    %dma_start3A_121 = arith.constant 0 : i32
    %dma_start3A_122 = arith.constant 0 : i32
    %dma_start3A_123 = tpu.memref_slice %arg6[%arg1, %dma_start3A_120, %dma_start3A_121, %dma_start3A_122] : memref<16x4x80x128xf32, #tpu.memory_space<vmem_shared>> -> memref<1x1x80x128xf32, #tpu.memory_space<vmem_shared>>
    %dma_start3A_124 = tpu.memref_squeeze %dma_start3A_123 : memref<1x1x80x128xf32, #tpu.memory_space<vmem_shared>> -> memref<80x128xf32, #tpu.memory_space<vmem_shared>>
    %dma_start3A_125 = arith.constant 0 : i32
    %dma_start3A_126 = arith.constant 0 : i32
    %dma_start3A_127 = tpu.memref_slice %arg6[%arg1, %dma_start3A_120, %dma_start3A_125, %dma_start3A_126] : memref<16x4x80x128xf32, #tpu.memory_space<vmem_shared>> -> memref<1x1x80x128xf32, #tpu.memory_space<vmem_shared>>
    %dma_start3A_128 = tpu.memref_squeeze %dma_start3A_127 : memref<1x1x80x128xf32, #tpu.memory_space<vmem_shared>> -> memref<80x128xf32, #tpu.memory_space<vmem_shared>>
    tpu.enqueue_dma source(%arg9 : memref<80x128xf32, #tpu.memory_space<vmem>>) target(%dma_start3A_128 : memref<80x128xf32, #tpu.memory_space<vmem_shared>>) target_semaphore(%arg25 : memref<!tpu.dma_semaphore, #tpu.memory_space<semaphore_mem>>)
    %dma_wait3A_129 = arith.constant 2 : i32
    %dma_wait3A_130 = arith.constant 0 : i32
    %dma_wait3A_131 = arith.constant 0 : i32
    %dma_wait3A_132 = tpu.memref_slice %arg6[%arg1, %dma_wait3A_129, %dma_wait3A_130, %dma_wait3A_131] : memref<16x4x80x128xf32, #tpu.memory_space<vmem_shared>> -> memref<1x1x80x128xf32, #tpu.memory_space<vmem_shared>>
    %dma_wait3A_133 = tpu.memref_squeeze %dma_wait3A_132 : memref<1x1x80x128xf32, #tpu.memory_space<vmem_shared>> -> memref<80x128xf32, #tpu.memory_space<vmem_shared>>
    %dma_wait3A_134 = arith.constant 0 : i32
    %dma_wait3A_135 = arith.constant 0 : i32
    %dma_wait3A_136 = tpu.memref_slice %arg6[%arg1, %dma_wait3A_129, %dma_wait3A_134, %dma_wait3A_135] : memref<16x4x80x128xf32, #tpu.memory_space<vmem_shared>> -> memref<1x1x80x128xf32, #tpu.memory_space<vmem_shared>>
    %dma_wait3A_137 = tpu.memref_squeeze %dma_wait3A_136 : memref<1x1x80x128xf32, #tpu.memory_space<vmem_shared>> -> memref<80x128xf32, #tpu.memory_space<vmem_shared>>
    tpu.wait_dma2 semaphore(%arg25 : memref<!tpu.dma_semaphore, #tpu.memory_space<semaphore_mem>>) src(%arg9 : memref<80x128xf32, #tpu.memory_space<vmem>>) dst(%dma_wait3A_137 : memref<80x128xf32, #tpu.memory_space<vmem_shared>>)
    %dma_start3A_138 = arith.constant 800 : i32
    %dma_start3A_139 = tpu.memref_slice %arg5[%dma_start3A_138] : memref<6400xi32, #tpu.memory_space<vmem>> -> memref<80xi32, #tpu.memory_space<vmem>>
    %dma_start3A_140 = arith.constant 0 : i32
    %dma_start3A_141 = arith.constant 0 : i32
    %dma_start3A_142 = tpu.memref_slice %arg3[%dma_start3A_140, %dma_start3A_141] : memref<100000x128xf32, #tpu.memory_space<hbm>> -> memref<100000x128xf32, #tpu.memory_space<hbm>>
    tpu.enqueue_indirect_dma source(%dma_start3A_142 : memref<100000x128xf32, #tpu.memory_space<hbm>>) target(%arg9 : memref<80x128xf32, #tpu.memory_space<vmem>>) offsets(%dma_start3A_139 : memref<80xi32, #tpu.memory_space<vmem>>) semaphore(%arg17 : memref<!tpu.dma_semaphore, #tpu.memory_space<semaphore_mem>>)
    %add3A_143 = arith.constant 160 : i32
    %add3A_144 = arith.addi %mul3A_2, %add3A_143 : i32
    %dma_start3A_145 = arith.constant 2 : i32
    %dma_start3A_146 = arith.constant 0 : i32
    %dma_start3A_147 = tpu.memref_slice %arg4[%add3A_144, %dma_start3A_146] : memref<204800x128xf32, #tpu.memory_space<hbm>> -> memref<80x128xf32, #tpu.memory_space<hbm>>
    %dma_start3A_148 = arith.constant 0 : i32
    %dma_start3A_149 = arith.constant 0 : i32
    %dma_start3A_150 = tpu.memref_slice %arg6[%arg1, %dma_start3A_145, %dma_start3A_148, %dma_start3A_149] : memref<16x4x80x128xf32, #tpu.memory_space<vmem_shared>> -> memref<1x1x80x128xf32, #tpu.memory_space<vmem_shared>>
    %dma_start3A_151 = tpu.memref_squeeze %dma_start3A_150 : memref<1x1x80x128xf32, #tpu.memory_space<vmem_shared>> -> memref<80x128xf32, #tpu.memory_space<vmem_shared>>
    tpu.enqueue_dma source(%dma_start3A_151 : memref<80x128xf32, #tpu.memory_space<vmem_shared>>) target(%dma_start3A_147 : memref<80x128xf32, #tpu.memory_space<hbm>>) target_semaphore(%arg33 : memref<!tpu.dma_semaphore, #tpu.memory_space<semaphore_mem>>)
    %dma_wait3A_152 = arith.constant 240 : i32
    %dma_wait3A_153 = tpu.memref_slice %arg5[%dma_wait3A_152] : memref<6400xi32, #tpu.memory_space<vmem>> -> memref<80xi32, #tpu.memory_space<vmem>>
    %dma_wait3A_154 = arith.constant 0 : i32
    %dma_wait3A_155 = arith.constant 0 : i32
    %dma_wait3A_156 = tpu.memref_slice %arg3[%dma_wait3A_154, %dma_wait3A_155] : memref<100000x128xf32, #tpu.memory_space<hbm>> -> memref<100000x128xf32, #tpu.memory_space<hbm>>
    tpu.wait_indirect_dma semaphore(%arg18 : memref<!tpu.dma_semaphore, #tpu.memory_space<semaphore_mem>>) src(%dma_wait3A_156 : memref<100000x128xf32, #tpu.memory_space<hbm>>) dst(%arg10 : memref<80x128xf32, #tpu.memory_space<vmem>>)
    %dma_start3A_157 = arith.constant 3 : i32
    %dma_start3A_158 = arith.constant 0 : i32
    %dma_start3A_159 = arith.constant 0 : i32
    %dma_start3A_160 = tpu.memref_slice %arg6[%arg1, %dma_start3A_157, %dma_start3A_158, %dma_start3A_159] : memref<16x4x80x128xf32, #tpu.memory_space<vmem_shared>> -> memref<1x1x80x128xf32, #tpu.memory_space<vmem_shared>>
    %dma_start3A_161 = tpu.memref_squeeze %dma_start3A_160 : memref<1x1x80x128xf32, #tpu.memory_space<vmem_shared>> -> memref<80x128xf32, #tpu.memory_space<vmem_shared>>
    %dma_start3A_162 = arith.constant 0 : i32
    %dma_start3A_163 = arith.constant 0 : i32
    %dma_start3A_164 = tpu.memref_slice %arg6[%arg1, %dma_start3A_157, %dma_start3A_162, %dma_start3A_163] : memref<16x4x80x128xf32, #tpu.memory_space<vmem_shared>> -> memref<1x1x80x128xf32, #tpu.memory_space<vmem_shared>>
    %dma_start3A_165 = tpu.memref_squeeze %dma_start3A_164 : memref<1x1x80x128xf32, #tpu.memory_space<vmem_shared>> -> memref<80x128xf32, #tpu.memory_space<vmem_shared>>
    tpu.enqueue_dma source(%arg10 : memref<80x128xf32, #tpu.memory_space<vmem>>) target(%dma_start3A_165 : memref<80x128xf32, #tpu.memory_space<vmem_shared>>) target_semaphore(%arg26 : memref<!tpu.dma_semaphore, #tpu.memory_space<semaphore_mem>>)
    %dma_wait3A_166 = arith.constant 3 : i32
    %dma_wait3A_167 = arith.constant 0 : i32
    %dma_wait3A_168 = arith.constant 0 : i32
    %dma_wait3A_169 = tpu.memref_slice %arg6[%arg1, %dma_wait3A_166, %dma_wait3A_167, %dma_wait3A_168] : memref<16x4x80x128xf32, #tpu.memory_space<vmem_shared>> -> memref<1x1x80x128xf32, #tpu.memory_space<vmem_shared>>
    %dma_wait3A_170 = tpu.memref_squeeze %dma_wait3A_169 : memref<1x1x80x128xf32, #tpu.memory_space<vmem_shared>> -> memref<80x128xf32, #tpu.memory_space<vmem_shared>>
    %dma_wait3A_171 = arith.constant 0 : i32
    %dma_wait3A_172 = arith.constant 0 : i32
    %dma_wait3A_173 = tpu.memref_slice %arg6[%arg1, %dma_wait3A_166, %dma_wait3A_171, %dma_wait3A_172] : memref<16x4x80x128xf32, #tpu.memory_space<vmem_shared>> -> memref<1x1x80x128xf32, #tpu.memory_space<vmem_shared>>
    %dma_wait3A_174 = tpu.memref_squeeze %dma_wait3A_173 : memref<1x1x80x128xf32, #tpu.memory_space<vmem_shared>> -> memref<80x128xf32, #tpu.memory_space<vmem_shared>>
    tpu.wait_dma2 semaphore(%arg26 : memref<!tpu.dma_semaphore, #tpu.memory_space<semaphore_mem>>) src(%arg10 : memref<80x128xf32, #tpu.memory_space<vmem>>) dst(%dma_wait3A_174 : memref<80x128xf32, #tpu.memory_space<vmem_shared>>)
    %dma_start3A_175 = arith.constant 880 : i32
    %dma_start3A_176 = tpu.memref_slice %arg5[%dma_start3A_175] : memref<6400xi32, #tpu.memory_space<vmem>> -> memref<80xi32, #tpu.memory_space<vmem>>
    %dma_start3A_177 = arith.constant 0 : i32
    %dma_start3A_178 = arith.constant 0 : i32
    %dma_start3A_179 = tpu.memref_slice %arg3[%dma_start3A_177, %dma_start3A_178] : memref<100000x128xf32, #tpu.memory_space<hbm>> -> memref<100000x128xf32, #tpu.memory_space<hbm>>
    tpu.enqueue_indirect_dma source(%dma_start3A_179 : memref<100000x128xf32, #tpu.memory_space<hbm>>) target(%arg10 : memref<80x128xf32, #tpu.memory_space<vmem>>) offsets(%dma_start3A_176 : memref<80xi32, #tpu.memory_space<vmem>>) semaphore(%arg18 : memref<!tpu.dma_semaphore, #tpu.memory_space<semaphore_mem>>)
    %add3A_180 = arith.constant 240 : i32
    %add3A_181 = arith.addi %mul3A_2, %add3A_180 : i32
    %dma_start3A_182 = arith.constant 3 : i32
    %dma_start3A_183 = arith.constant 0 : i32
    %dma_start3A_184 = tpu.memref_slice %arg4[%add3A_181, %dma_start3A_183] : memref<204800x128xf32, #tpu.memory_space<hbm>> -> memref<80x128xf32, #tpu.memory_space<hbm>>
    %dma_start3A_185 = arith.constant 0 : i32
    %dma_start3A_186 = arith.constant 0 : i32
    %dma_start3A_187 = tpu.memref_slice %arg6[%arg1, %dma_start3A_182, %dma_start3A_185, %dma_start3A_186] : memref<16x4x80x128xf32, #tpu.memory_space<vmem_shared>> -> memref<1x1x80x128xf32, #tpu.memory_space<vmem_shared>>
    %dma_start3A_188 = tpu.memref_squeeze %dma_start3A_187 : memref<1x1x80x128xf32, #tpu.memory_space<vmem_shared>> -> memref<80x128xf32, #tpu.memory_space<vmem_shared>>
    tpu.enqueue_dma source(%dma_start3A_188 : memref<80x128xf32, #tpu.memory_space<vmem_shared>>) target(%dma_start3A_184 : memref<80x128xf32, #tpu.memory_space<hbm>>) target_semaphore(%arg34 : memref<!tpu.dma_semaphore, #tpu.memory_space<semaphore_mem>>)
    %dma_wait3A_189 = arith.constant 320 : i32
    %dma_wait3A_190 = tpu.memref_slice %arg5[%dma_wait3A_189] : memref<6400xi32, #tpu.memory_space<vmem>> -> memref<80xi32, #tpu.memory_space<vmem>>
    %dma_wait3A_191 = arith.constant 0 : i32
    %dma_wait3A_192 = arith.constant 0 : i32
    %dma_wait3A_193 = tpu.memref_slice %arg3[%dma_wait3A_191, %dma_wait3A_192] : memref<100000x128xf32, #tpu.memory_space<hbm>> -> memref<100000x128xf32, #tpu.memory_space<hbm>>
    tpu.wait_indirect_dma semaphore(%arg19 : memref<!tpu.dma_semaphore, #tpu.memory_space<semaphore_mem>>) src(%dma_wait3A_193 : memref<100000x128xf32, #tpu.memory_space<hbm>>) dst(%arg11 : memref<80x128xf32, #tpu.memory_space<vmem>>)
    %add3A_194 = arith.constant 0 : i32
    %add3A_195 = arith.addi %mul3A_2, %add3A_194 : i32
    %dma_wait3A_196 = arith.constant 0 : i32
    %dma_wait3A_197 = arith.constant 0 : i32
    %dma_wait3A_198 = tpu.memref_slice %arg4[%add3A_195, %dma_wait3A_197] : memref<204800x128xf32, #tpu.memory_space<hbm>> -> memref<80x128xf32, #tpu.memory_space<hbm>>
    %dma_wait3A_199 = arith.constant 0 : i32
    %dma_wait3A_200 = arith.constant 0 : i32
    %dma_wait3A_201 = tpu.memref_slice %arg6[%arg1, %dma_wait3A_196, %dma_wait3A_199, %dma_wait3A_200] : memref<16x4x80x128xf32, #tpu.memory_space<vmem_shared>> -> memref<1x1x80x128xf32, #tpu.memory_space<vmem_shared>>
    %dma_wait3A_202 = tpu.memref_squeeze %dma_wait3A_201 : memref<1x1x80x128xf32, #tpu.memory_space<vmem_shared>> -> memref<80x128xf32, #tpu.memory_space<vmem_shared>>
    tpu.wait_dma2 semaphore(%arg31 : memref<!tpu.dma_semaphore, #tpu.memory_space<semaphore_mem>>) src(%dma_wait3A_202 : memref<80x128xf32, #tpu.memory_space<vmem_shared>>) dst(%dma_wait3A_198 : memref<80x128xf32, #tpu.memory_space<hbm>>)
    %dma_start3A_203 = arith.constant 0 : i32
    %dma_start3A_204 = arith.constant 0 : i32
    %dma_start3A_205 = arith.constant 0 : i32
    %dma_start3A_206 = tpu.memref_slice %arg6[%arg1, %dma_start3A_203, %dma_start3A_204, %dma_start3A_205] : memref<16x4x80x128xf32, #tpu.memory_space<vmem_shared>> -> memref<1x1x80x128xf32, #tpu.memory_space<vmem_shared>>
    %dma_start3A_207 = tpu.memref_squeeze %dma_start3A_206 : memref<1x1x80x128xf32, #tpu.memory_space<vmem_shared>> -> memref<80x128xf32, #tpu.memory_space<vmem_shared>>
    %dma_start3A_208 = arith.constant 0 : i32
    %dma_start3A_209 = arith.constant 0 : i32
    %dma_start3A_210 = tpu.memref_slice %arg6[%arg1, %dma_start3A_203, %dma_start3A_208, %dma_start3A_209] : memref<16x4x80x128xf32, #tpu.memory_space<vmem_shared>> -> memref<1x1x80x128xf32, #tpu.memory_space<vmem_shared>>
    %dma_start3A_211 = tpu.memref_squeeze %dma_start3A_210 : memref<1x1x80x128xf32, #tpu.memory_space<vmem_shared>> -> memref<80x128xf32, #tpu.memory_space<vmem_shared>>
    tpu.enqueue_dma source(%arg11 : memref<80x128xf32, #tpu.memory_space<vmem>>) target(%dma_start3A_211 : memref<80x128xf32, #tpu.memory_space<vmem_shared>>) target_semaphore(%arg27 : memref<!tpu.dma_semaphore, #tpu.memory_space<semaphore_mem>>)
    %dma_wait3A_212 = arith.constant 0 : i32
    %dma_wait3A_213 = arith.constant 0 : i32
    %dma_wait3A_214 = arith.constant 0 : i32
    %dma_wait3A_215 = tpu.memref_slice %arg6[%arg1, %dma_wait3A_212, %dma_wait3A_213, %dma_wait3A_214] : memref<16x4x80x128xf32, #tpu.memory_space<vmem_shared>> -> memref<1x1x80x128xf32, #tpu.memory_space<vmem_shared>>
    %dma_wait3A_216 = tpu.memref_squeeze %dma_wait3A_215 : memref<1x1x80x128xf32, #tpu.memory_space<vmem_shared>> -> memref<80x128xf32, #tpu.memory_space<vmem_shared>>
    %dma_wait3A_217 = arith.constant 0 : i32
    %dma_wait3A_218 = arith.constant 0 : i32
    %dma_wait3A_219 = tpu.memref_slice %arg6[%arg1, %dma_wait3A_212, %dma_wait3A_217, %dma_wait3A_218] : memref<16x4x80x128xf32, #tpu.memory_space<vmem_shared>> -> memref<1x1x80x128xf32, #tpu.memory_space<vmem_shared>>
    %dma_wait3A_220 = tpu.memref_squeeze %dma_wait3A_219 : memref<1x1x80x128xf32, #tpu.memory_space<vmem_shared>> -> memref<80x128xf32, #tpu.memory_space<vmem_shared>>
    tpu.wait_dma2 semaphore(%arg27 : memref<!tpu.dma_semaphore, #tpu.memory_space<semaphore_mem>>) src(%arg11 : memref<80x128xf32, #tpu.memory_space<vmem>>) dst(%dma_wait3A_220 : memref<80x128xf32, #tpu.memory_space<vmem_shared>>)
    %dma_start3A_221 = arith.constant 960 : i32
    %dma_start3A_222 = tpu.memref_slice %arg5[%dma_start3A_221] : memref<6400xi32, #tpu.memory_space<vmem>> -> memref<80xi32, #tpu.memory_space<vmem>>
    %dma_start3A_223 = arith.constant 0 : i32
    %dma_start3A_224 = arith.constant 0 : i32
    %dma_start3A_225 = tpu.memref_slice %arg3[%dma_start3A_223, %dma_start3A_224] : memref<100000x128xf32, #tpu.memory_space<hbm>> -> memref<100000x128xf32, #tpu.memory_space<hbm>>
    tpu.enqueue_indirect_dma source(%dma_start3A_225 : memref<100000x128xf32, #tpu.memory_space<hbm>>) target(%arg11 : memref<80x128xf32, #tpu.memory_space<vmem>>) offsets(%dma_start3A_222 : memref<80xi32, #tpu.memory_space<vmem>>) semaphore(%arg19 : memref<!tpu.dma_semaphore, #tpu.memory_space<semaphore_mem>>)
    %add3A_226 = arith.constant 320 : i32
    %add3A_227 = arith.addi %mul3A_2, %add3A_226 : i32
    %dma_start3A_228 = arith.constant 0 : i32
    %dma_start3A_229 = arith.constant 0 : i32
    %dma_start3A_230 = tpu.memref_slice %arg4[%add3A_227, %dma_start3A_229] : memref<204800x128xf32, #tpu.memory_space<hbm>> -> memref<80x128xf32, #tpu.memory_space<hbm>>
    %dma_start3A_231 = arith.constant 0 : i32
    %dma_start3A_232 = arith.constant 0 : i32
    %dma_start3A_233 = tpu.memref_slice %arg6[%arg1, %dma_start3A_228, %dma_start3A_231, %dma_start3A_232] : memref<16x4x80x128xf32, #tpu.memory_space<vmem_shared>> -> memref<1x1x80x128xf32, #tpu.memory_space<vmem_shared>>
    %dma_start3A_234 = tpu.memref_squeeze %dma_start3A_233 : memref<1x1x80x128xf32, #tpu.memory_space<vmem_shared>> -> memref<80x128xf32, #tpu.memory_space<vmem_shared>>
    tpu.enqueue_dma source(%dma_start3A_234 : memref<80x128xf32, #tpu.memory_space<vmem_shared>>) target(%dma_start3A_230 : memref<80x128xf32, #tpu.memory_space<hbm>>) target_semaphore(%arg31 : memref<!tpu.dma_semaphore, #tpu.memory_space<semaphore_mem>>)
    %dma_wait3A_235 = arith.constant 400 : i32
    %dma_wait3A_236 = tpu.memref_slice %arg5[%dma_wait3A_235] : memref<6400xi32, #tpu.memory_space<vmem>> -> memref<80xi32, #tpu.memory_space<vmem>>
    %dma_wait3A_237 = arith.constant 0 : i32
    %dma_wait3A_238 = arith.constant 0 : i32
    %dma_wait3A_239 = tpu.memref_slice %arg3[%dma_wait3A_237, %dma_wait3A_238] : memref<100000x128xf32, #tpu.memory_space<hbm>> -> memref<100000x128xf32, #tpu.memory_space<hbm>>
    tpu.wait_indirect_dma semaphore(%arg20 : memref<!tpu.dma_semaphore, #tpu.memory_space<semaphore_mem>>) src(%dma_wait3A_239 : memref<100000x128xf32, #tpu.memory_space<hbm>>) dst(%arg12 : memref<80x128xf32, #tpu.memory_space<vmem>>)
    %add3A_240 = arith.constant 80 : i32
    %add3A_241 = arith.addi %mul3A_2, %add3A_240 : i32
    %dma_wait3A_242 = arith.constant 1 : i32
    %dma_wait3A_243 = arith.constant 0 : i32
    %dma_wait3A_244 = tpu.memref_slice %arg4[%add3A_241, %dma_wait3A_243] : memref<204800x128xf32, #tpu.memory_space<hbm>> -> memref<80x128xf32, #tpu.memory_space<hbm>>
    %dma_wait3A_245 = arith.constant 0 : i32
    %dma_wait3A_246 = arith.constant 0 : i32
    %dma_wait3A_247 = tpu.memref_slice %arg6[%arg1, %dma_wait3A_242, %dma_wait3A_245, %dma_wait3A_246] : memref<16x4x80x128xf32, #tpu.memory_space<vmem_shared>> -> memref<1x1x80x128xf32, #tpu.memory_space<vmem_shared>>
    %dma_wait3A_248 = tpu.memref_squeeze %dma_wait3A_247 : memref<1x1x80x128xf32, #tpu.memory_space<vmem_shared>> -> memref<80x128xf32, #tpu.memory_space<vmem_shared>>
    tpu.wait_dma2 semaphore(%arg32 : memref<!tpu.dma_semaphore, #tpu.memory_space<semaphore_mem>>) src(%dma_wait3A_248 : memref<80x128xf32, #tpu.memory_space<vmem_shared>>) dst(%dma_wait3A_244 : memref<80x128xf32, #tpu.memory_space<hbm>>)
    %dma_start3A_249 = arith.constant 1 : i32
    %dma_start3A_250 = arith.constant 0 : i32
    %dma_start3A_251 = arith.constant 0 : i32
    %dma_start3A_252 = tpu.memref_slice %arg6[%arg1, %dma_start3A_249, %dma_start3A_250, %dma_start3A_251] : memref<16x4x80x128xf32, #tpu.memory_space<vmem_shared>> -> memref<1x1x80x128xf32, #tpu.memory_space<vmem_shared>>
    %dma_start3A_253 = tpu.memref_squeeze %dma_start3A_252 : memref<1x1x80x128xf32, #tpu.memory_space<vmem_shared>> -> memref<80x128xf32, #tpu.memory_space<vmem_shared>>
    %dma_start3A_254 = arith.constant 0 : i32
    %dma_start3A_255 = arith.constant 0 : i32
    %dma_start3A_256 = tpu.memref_slice %arg6[%arg1, %dma_start3A_249, %dma_start3A_254, %dma_start3A_255] : memref<16x4x80x128xf32, #tpu.memory_space<vmem_shared>> -> memref<1x1x80x128xf32, #tpu.memory_space<vmem_shared>>
    %dma_start3A_257 = tpu.memref_squeeze %dma_start3A_256 : memref<1x1x80x128xf32, #tpu.memory_space<vmem_shared>> -> memref<80x128xf32, #tpu.memory_space<vmem_shared>>
    tpu.enqueue_dma source(%arg12 : memref<80x128xf32, #tpu.memory_space<vmem>>) target(%dma_start3A_257 : memref<80x128xf32, #tpu.memory_space<vmem_shared>>) target_semaphore(%arg28 : memref<!tpu.dma_semaphore, #tpu.memory_space<semaphore_mem>>)
    %dma_wait3A_258 = arith.constant 1 : i32
    %dma_wait3A_259 = arith.constant 0 : i32
    %dma_wait3A_260 = arith.constant 0 : i32
    %dma_wait3A_261 = tpu.memref_slice %arg6[%arg1, %dma_wait3A_258, %dma_wait3A_259, %dma_wait3A_260] : memref<16x4x80x128xf32, #tpu.memory_space<vmem_shared>> -> memref<1x1x80x128xf32, #tpu.memory_space<vmem_shared>>
    %dma_wait3A_262 = tpu.memref_squeeze %dma_wait3A_261 : memref<1x1x80x128xf32, #tpu.memory_space<vmem_shared>> -> memref<80x128xf32, #tpu.memory_space<vmem_shared>>
    %dma_wait3A_263 = arith.constant 0 : i32
    %dma_wait3A_264 = arith.constant 0 : i32
    %dma_wait3A_265 = tpu.memref_slice %arg6[%arg1, %dma_wait3A_258, %dma_wait3A_263, %dma_wait3A_264] : memref<16x4x80x128xf32, #tpu.memory_space<vmem_shared>> -> memref<1x1x80x128xf32, #tpu.memory_space<vmem_shared>>
    %dma_wait3A_266 = tpu.memref_squeeze %dma_wait3A_265 : memref<1x1x80x128xf32, #tpu.memory_space<vmem_shared>> -> memref<80x128xf32, #tpu.memory_space<vmem_shared>>
    tpu.wait_dma2 semaphore(%arg28 : memref<!tpu.dma_semaphore, #tpu.memory_space<semaphore_mem>>) src(%arg12 : memref<80x128xf32, #tpu.memory_space<vmem>>) dst(%dma_wait3A_266 : memref<80x128xf32, #tpu.memory_space<vmem_shared>>)
    %dma_start3A_267 = arith.constant 1040 : i32
    %dma_start3A_268 = tpu.memref_slice %arg5[%dma_start3A_267] : memref<6400xi32, #tpu.memory_space<vmem>> -> memref<80xi32, #tpu.memory_space<vmem>>
    %dma_start3A_269 = arith.constant 0 : i32
    %dma_start3A_270 = arith.constant 0 : i32
    %dma_start3A_271 = tpu.memref_slice %arg3[%dma_start3A_269, %dma_start3A_270] : memref<100000x128xf32, #tpu.memory_space<hbm>> -> memref<100000x128xf32, #tpu.memory_space<hbm>>
    tpu.enqueue_indirect_dma source(%dma_start3A_271 : memref<100000x128xf32, #tpu.memory_space<hbm>>) target(%arg12 : memref<80x128xf32, #tpu.memory_space<vmem>>) offsets(%dma_start3A_268 : memref<80xi32, #tpu.memory_space<vmem>>) semaphore(%arg20 : memref<!tpu.dma_semaphore, #tpu.memory_space<semaphore_mem>>)
    %add3A_272 = arith.constant 400 : i32
    %add3A_273 = arith.addi %mul3A_2, %add3A_272 : i32
    %dma_start3A_274 = arith.constant 1 : i32
    %dma_start3A_275 = arith.constant 0 : i32
    %dma_start3A_276 = tpu.memref_slice %arg4[%add3A_273, %dma_start3A_275] : memref<204800x128xf32, #tpu.memory_space<hbm>> -> memref<80x128xf32, #tpu.memory_space<hbm>>
    %dma_start3A_277 = arith.constant 0 : i32
    %dma_start3A_278 = arith.constant 0 : i32
    %dma_start3A_279 = tpu.memref_slice %arg6[%arg1, %dma_start3A_274, %dma_start3A_277, %dma_start3A_278] : memref<16x4x80x128xf32, #tpu.memory_space<vmem_shared>> -> memref<1x1x80x128xf32, #tpu.memory_space<vmem_shared>>
    %dma_start3A_280 = tpu.memref_squeeze %dma_start3A_279 : memref<1x1x80x128xf32, #tpu.memory_space<vmem_shared>> -> memref<80x128xf32, #tpu.memory_space<vmem_shared>>
    tpu.enqueue_dma source(%dma_start3A_280 : memref<80x128xf32, #tpu.memory_space<vmem_shared>>) target(%dma_start3A_276 : memref<80x128xf32, #tpu.memory_space<hbm>>) target_semaphore(%arg32 : memref<!tpu.dma_semaphore, #tpu.memory_space<semaphore_mem>>)
    %dma_wait3A_281 = arith.constant 480 : i32
    %dma_wait3A_282 = tpu.memref_slice %arg5[%dma_wait3A_281] : memref<6400xi32, #tpu.memory_space<vmem>> -> memref<80xi32, #tpu.memory_space<vmem>>
    %dma_wait3A_283 = arith.constant 0 : i32
    %dma_wait3A_284 = arith.constant 0 : i32
    %dma_wait3A_285 = tpu.memref_slice %arg3[%dma_wait3A_283, %dma_wait3A_284] : memref<100000x128xf32, #tpu.memory_space<hbm>> -> memref<100000x128xf32, #tpu.memory_space<hbm>>
    tpu.wait_indirect_dma semaphore(%arg21 : memref<!tpu.dma_semaphore, #tpu.memory_space<semaphore_mem>>) src(%dma_wait3A_285 : memref<100000x128xf32, #tpu.memory_space<hbm>>) dst(%arg13 : memref<80x128xf32, #tpu.memory_space<vmem>>)
    %add3A_286 = arith.constant 160 : i32
    %add3A_287 = arith.addi %mul3A_2, %add3A_286 : i32
    %dma_wait3A_288 = arith.constant 2 : i32
    %dma_wait3A_289 = arith.constant 0 : i32
    %dma_wait3A_290 = tpu.memref_slice %arg4[%add3A_287, %dma_wait3A_289] : memref<204800x128xf32, #tpu.memory_space<hbm>> -> memref<80x128xf32, #tpu.memory_space<hbm>>
    %dma_wait3A_291 = arith.constant 0 : i32
    %dma_wait3A_292 = arith.constant 0 : i32
    %dma_wait3A_293 = tpu.memref_slice %arg6[%arg1, %dma_wait3A_288, %dma_wait3A_291, %dma_wait3A_292] : memref<16x4x80x128xf32, #tpu.memory_space<vmem_shared>> -> memref<1x1x80x128xf32, #tpu.memory_space<vmem_shared>>
    %dma_wait3A_294 = tpu.memref_squeeze %dma_wait3A_293 : memref<1x1x80x128xf32, #tpu.memory_space<vmem_shared>> -> memref<80x128xf32, #tpu.memory_space<vmem_shared>>
    tpu.wait_dma2 semaphore(%arg33 : memref<!tpu.dma_semaphore, #tpu.memory_space<semaphore_mem>>) src(%dma_wait3A_294 : memref<80x128xf32, #tpu.memory_space<vmem_shared>>) dst(%dma_wait3A_290 : memref<80x128xf32, #tpu.memory_space<hbm>>)
    %dma_start3A_295 = arith.constant 2 : i32
    %dma_start3A_296 = arith.constant 0 : i32
    %dma_start3A_297 = arith.constant 0 : i32
    %dma_start3A_298 = tpu.memref_slice %arg6[%arg1, %dma_start3A_295, %dma_start3A_296, %dma_start3A_297] : memref<16x4x80x128xf32, #tpu.memory_space<vmem_shared>> -> memref<1x1x80x128xf32, #tpu.memory_space<vmem_shared>>
    %dma_start3A_299 = tpu.memref_squeeze %dma_start3A_298 : memref<1x1x80x128xf32, #tpu.memory_space<vmem_shared>> -> memref<80x128xf32, #tpu.memory_space<vmem_shared>>
    %dma_start3A_300 = arith.constant 0 : i32
    %dma_start3A_301 = arith.constant 0 : i32
    %dma_start3A_302 = tpu.memref_slice %arg6[%arg1, %dma_start3A_295, %dma_start3A_300, %dma_start3A_301] : memref<16x4x80x128xf32, #tpu.memory_space<vmem_shared>> -> memref<1x1x80x128xf32, #tpu.memory_space<vmem_shared>>
    %dma_start3A_303 = tpu.memref_squeeze %dma_start3A_302 : memref<1x1x80x128xf32, #tpu.memory_space<vmem_shared>> -> memref<80x128xf32, #tpu.memory_space<vmem_shared>>
    tpu.enqueue_dma source(%arg13 : memref<80x128xf32, #tpu.memory_space<vmem>>) target(%dma_start3A_303 : memref<80x128xf32, #tpu.memory_space<vmem_shared>>) target_semaphore(%arg29 : memref<!tpu.dma_semaphore, #tpu.memory_space<semaphore_mem>>)
    %dma_wait3A_304 = arith.constant 2 : i32
    %dma_wait3A_305 = arith.constant 0 : i32
    %dma_wait3A_306 = arith.constant 0 : i32
    %dma_wait3A_307 = tpu.memref_slice %arg6[%arg1, %dma_wait3A_304, %dma_wait3A_305, %dma_wait3A_306] : memref<16x4x80x128xf32, #tpu.memory_space<vmem_shared>> -> memref<1x1x80x128xf32, #tpu.memory_space<vmem_shared>>
    %dma_wait3A_308 = tpu.memref_squeeze %dma_wait3A_307 : memref<1x1x80x128xf32, #tpu.memory_space<vmem_shared>> -> memref<80x128xf32, #tpu.memory_space<vmem_shared>>
    %dma_wait3A_309 = arith.constant 0 : i32
    %dma_wait3A_310 = arith.constant 0 : i32
    %dma_wait3A_311 = tpu.memref_slice %arg6[%arg1, %dma_wait3A_304, %dma_wait3A_309, %dma_wait3A_310] : memref<16x4x80x128xf32, #tpu.memory_space<vmem_shared>> -> memref<1x1x80x128xf32, #tpu.memory_space<vmem_shared>>
    %dma_wait3A_312 = tpu.memref_squeeze %dma_wait3A_311 : memref<1x1x80x128xf32, #tpu.memory_space<vmem_shared>> -> memref<80x128xf32, #tpu.memory_space<vmem_shared>>
    tpu.wait_dma2 semaphore(%arg29 : memref<!tpu.dma_semaphore, #tpu.memory_space<semaphore_mem>>) src(%arg13 : memref<80x128xf32, #tpu.memory_space<vmem>>) dst(%dma_wait3A_312 : memref<80x128xf32, #tpu.memory_space<vmem_shared>>)
    %dma_start3A_313 = arith.constant 1120 : i32
    %dma_start3A_314 = tpu.memref_slice %arg5[%dma_start3A_313] : memref<6400xi32, #tpu.memory_space<vmem>> -> memref<80xi32, #tpu.memory_space<vmem>>
    %dma_start3A_315 = arith.constant 0 : i32
    %dma_start3A_316 = arith.constant 0 : i32
    %dma_start3A_317 = tpu.memref_slice %arg3[%dma_start3A_315, %dma_start3A_316] : memref<100000x128xf32, #tpu.memory_space<hbm>> -> memref<100000x128xf32, #tpu.memory_space<hbm>>
    tpu.enqueue_indirect_dma source(%dma_start3A_317 : memref<100000x128xf32, #tpu.memory_space<hbm>>) target(%arg13 : memref<80x128xf32, #tpu.memory_space<vmem>>) offsets(%dma_start3A_314 : memref<80xi32, #tpu.memory_space<vmem>>) semaphore(%arg21 : memref<!tpu.dma_semaphore, #tpu.memory_space<semaphore_mem>>)
    %add3A_318 = arith.constant 480 : i32
    %add3A_319 = arith.addi %mul3A_2, %add3A_318 : i32
    %dma_start3A_320 = arith.constant 2 : i32
    %dma_start3A_321 = arith.constant 0 : i32
    %dma_start3A_322 = tpu.memref_slice %arg4[%add3A_319, %dma_start3A_321] : memref<204800x128xf32, #tpu.memory_space<hbm>> -> memref<80x128xf32, #tpu.memory_space<hbm>>
    %dma_start3A_323 = arith.constant 0 : i32
    %dma_start3A_324 = arith.constant 0 : i32
    %dma_start3A_325 = tpu.memref_slice %arg6[%arg1, %dma_start3A_320, %dma_start3A_323, %dma_start3A_324] : memref<16x4x80x128xf32, #tpu.memory_space<vmem_shared>> -> memref<1x1x80x128xf32, #tpu.memory_space<vmem_shared>>
    %dma_start3A_326 = tpu.memref_squeeze %dma_start3A_325 : memref<1x1x80x128xf32, #tpu.memory_space<vmem_shared>> -> memref<80x128xf32, #tpu.memory_space<vmem_shared>>
    tpu.enqueue_dma source(%dma_start3A_326 : memref<80x128xf32, #tpu.memory_space<vmem_shared>>) target(%dma_start3A_322 : memref<80x128xf32, #tpu.memory_space<hbm>>) target_semaphore(%arg33 : memref<!tpu.dma_semaphore, #tpu.memory_space<semaphore_mem>>)
    %dma_wait3A_327 = arith.constant 560 : i32
    %dma_wait3A_328 = tpu.memref_slice %arg5[%dma_wait3A_327] : memref<6400xi32, #tpu.memory_space<vmem>> -> memref<80xi32, #tpu.memory_space<vmem>>
    %dma_wait3A_329 = arith.constant 0 : i32
    %dma_wait3A_330 = arith.constant 0 : i32
    %dma_wait3A_331 = tpu.memref_slice %arg3[%dma_wait3A_329, %dma_wait3A_330] : memref<100000x128xf32, #tpu.memory_space<hbm>> -> memref<100000x128xf32, #tpu.memory_space<hbm>>
    tpu.wait_indirect_dma semaphore(%arg22 : memref<!tpu.dma_semaphore, #tpu.memory_space<semaphore_mem>>) src(%dma_wait3A_331 : memref<100000x128xf32, #tpu.memory_space<hbm>>) dst(%arg14 : memref<80x128xf32, #tpu.memory_space<vmem>>)
    %add3A_332 = arith.constant 240 : i32
    %add3A_333 = arith.addi %mul3A_2, %add3A_332 : i32
    %dma_wait3A_334 = arith.constant 3 : i32
    %dma_wait3A_335 = arith.constant 0 : i32
    %dma_wait3A_336 = tpu.memref_slice %arg4[%add3A_333, %dma_wait3A_335] : memref<204800x128xf32, #tpu.memory_space<hbm>> -> memref<80x128xf32, #tpu.memory_space<hbm>>
    %dma_wait3A_337 = arith.constant 0 : i32
    %dma_wait3A_338 = arith.constant 0 : i32
    %dma_wait3A_339 = tpu.memref_slice %arg6[%arg1, %dma_wait3A_334, %dma_wait3A_337, %dma_wait3A_338] : memref<16x4x80x128xf32, #tpu.memory_space<vmem_shared>> -> memref<1x1x80x128xf32, #tpu.memory_space<vmem_shared>>
    %dma_wait3A_340 = tpu.memref_squeeze %dma_wait3A_339 : memref<1x1x80x128xf32, #tpu.memory_space<vmem_shared>> -> memref<80x128xf32, #tpu.memory_space<vmem_shared>>
    tpu.wait_dma2 semaphore(%arg34 : memref<!tpu.dma_semaphore, #tpu.memory_space<semaphore_mem>>) src(%dma_wait3A_340 : memref<80x128xf32, #tpu.memory_space<vmem_shared>>) dst(%dma_wait3A_336 : memref<80x128xf32, #tpu.memory_space<hbm>>)
    %dma_start3A_341 = arith.constant 3 : i32
    %dma_start3A_342 = arith.constant 0 : i32
    %dma_start3A_343 = arith.constant 0 : i32
    %dma_start3A_344 = tpu.memref_slice %arg6[%arg1, %dma_start3A_341, %dma_start3A_342, %dma_start3A_343] : memref<16x4x80x128xf32, #tpu.memory_space<vmem_shared>> -> memref<1x1x80x128xf32, #tpu.memory_space<vmem_shared>>
    %dma_start3A_345 = tpu.memref_squeeze %dma_start3A_344 : memref<1x1x80x128xf32, #tpu.memory_space<vmem_shared>> -> memref<80x128xf32, #tpu.memory_space<vmem_shared>>
    %dma_start3A_346 = arith.constant 0 : i32
    %dma_start3A_347 = arith.constant 0 : i32
    %dma_start3A_348 = tpu.memref_slice %arg6[%arg1, %dma_start3A_341, %dma_start3A_346, %dma_start3A_347] : memref<16x4x80x128xf32, #tpu.memory_space<vmem_shared>> -> memref<1x1x80x128xf32, #tpu.memory_space<vmem_shared>>
    %dma_start3A_349 = tpu.memref_squeeze %dma_start3A_348 : memref<1x1x80x128xf32, #tpu.memory_space<vmem_shared>> -> memref<80x128xf32, #tpu.memory_space<vmem_shared>>
    tpu.enqueue_dma source(%arg14 : memref<80x128xf32, #tpu.memory_space<vmem>>) target(%dma_start3A_349 : memref<80x128xf32, #tpu.memory_space<vmem_shared>>) target_semaphore(%arg30 : memref<!tpu.dma_semaphore, #tpu.memory_space<semaphore_mem>>)
    %dma_wait3A_350 = arith.constant 3 : i32
    %dma_wait3A_351 = arith.constant 0 : i32
    %dma_wait3A_352 = arith.constant 0 : i32
    %dma_wait3A_353 = tpu.memref_slice %arg6[%arg1, %dma_wait3A_350, %dma_wait3A_351, %dma_wait3A_352] : memref<16x4x80x128xf32, #tpu.memory_space<vmem_shared>> -> memref<1x1x80x128xf32, #tpu.memory_space<vmem_shared>>
    %dma_wait3A_354 = tpu.memref_squeeze %dma_wait3A_353 : memref<1x1x80x128xf32, #tpu.memory_space<vmem_shared>> -> memref<80x128xf32, #tpu.memory_space<vmem_shared>>
    %dma_wait3A_355 = arith.constant 0 : i32
    %dma_wait3A_356 = arith.constant 0 : i32
    %dma_wait3A_357 = tpu.memref_slice %arg6[%arg1, %dma_wait3A_350, %dma_wait3A_355, %dma_wait3A_356] : memref<16x4x80x128xf32, #tpu.memory_space<vmem_shared>> -> memref<1x1x80x128xf32, #tpu.memory_space<vmem_shared>>
    %dma_wait3A_358 = tpu.memref_squeeze %dma_wait3A_357 : memref<1x1x80x128xf32, #tpu.memory_space<vmem_shared>> -> memref<80x128xf32, #tpu.memory_space<vmem_shared>>
    tpu.wait_dma2 semaphore(%arg30 : memref<!tpu.dma_semaphore, #tpu.memory_space<semaphore_mem>>) src(%arg14 : memref<80x128xf32, #tpu.memory_space<vmem>>) dst(%dma_wait3A_358 : memref<80x128xf32, #tpu.memory_space<vmem_shared>>)
    %dma_start3A_359 = arith.constant 1200 : i32
    %dma_start3A_360 = tpu.memref_slice %arg5[%dma_start3A_359] : memref<6400xi32, #tpu.memory_space<vmem>> -> memref<80xi32, #tpu.memory_space<vmem>>
    %dma_start3A_361 = arith.constant 0 : i32
    %dma_start3A_362 = arith.constant 0 : i32
    %dma_start3A_363 = tpu.memref_slice %arg3[%dma_start3A_361, %dma_start3A_362] : memref<100000x128xf32, #tpu.memory_space<hbm>> -> memref<100000x128xf32, #tpu.memory_space<hbm>>
    tpu.enqueue_indirect_dma source(%dma_start3A_363 : memref<100000x128xf32, #tpu.memory_space<hbm>>) target(%arg14 : memref<80x128xf32, #tpu.memory_space<vmem>>) offsets(%dma_start3A_360 : memref<80xi32, #tpu.memory_space<vmem>>) semaphore(%arg22 : memref<!tpu.dma_semaphore, #tpu.memory_space<semaphore_mem>>)
    %add3A_364 = arith.constant 560 : i32
    %add3A_365 = arith.addi %mul3A_2, %add3A_364 : i32
    %dma_start3A_366 = arith.constant 3 : i32
    %dma_start3A_367 = arith.constant 0 : i32
    %dma_start3A_368 = tpu.memref_slice %arg4[%add3A_365, %dma_start3A_367] : memref<204800x128xf32, #tpu.memory_space<hbm>> -> memref<80x128xf32, #tpu.memory_space<hbm>>
    %dma_start3A_369 = arith.constant 0 : i32
    %dma_start3A_370 = arith.constant 0 : i32
    %dma_start3A_371 = tpu.memref_slice %arg6[%arg1, %dma_start3A_366, %dma_start3A_369, %dma_start3A_370] : memref<16x4x80x128xf32, #tpu.memory_space<vmem_shared>> -> memref<1x1x80x128xf32, #tpu.memory_space<vmem_shared>>
    %dma_start3A_372 = tpu.memref_squeeze %dma_start3A_371 : memref<1x1x80x128xf32, #tpu.memory_space<vmem_shared>> -> memref<80x128xf32, #tpu.memory_space<vmem_shared>>
    tpu.enqueue_dma source(%dma_start3A_372 : memref<80x128xf32, #tpu.memory_space<vmem_shared>>) target(%dma_start3A_368 : memref<80x128xf32, #tpu.memory_space<hbm>>) target_semaphore(%arg34 : memref<!tpu.dma_semaphore, #tpu.memory_space<semaphore_mem>>)
    %scan3A = arith.constant 0 : i32
    %scan3A_373 = arith.constant 0 : i32
    %scan3A_374 = arith.constant 8 : i32
    %scan3A_375 = arith.addi %scan3A_373, %scan3A_374 : i32
    %scan3A_376 = arith.constant 1 : i32
    scf.for %scan3A_742 = %scan3A_373 to %scan3A_375 step %scan3A_376  : i32 {
      %add3A_743 = arith.constant 1 : i32
      %add3A_744 = arith.addi %scan3A_742, %add3A_743 : i32
      %mul3A_745 = arith.constant 8 : i32
      %mul3A_746 = arith.muli %add3A_744, %mul3A_745 : i32
      %add3A_747 = arith.constant 0 : i32
      %add3A_748 = arith.addi %mul3A_746, %add3A_747 : i32
      %mul3A_749 = arith.constant 80 : i32
      %mul3A_750 = arith.muli %add3A_748, %mul3A_749 : i32
      %dma_wait3A_751 = tpu.memref_slice %arg5[%mul3A_750] : memref<6400xi32, #tpu.memory_space<vmem>> -> memref<80xi32, #tpu.memory_space<vmem>>
      %dma_wait3A_752 = arith.constant 0 : i32
      %dma_wait3A_753 = arith.constant 0 : i32
      %dma_wait3A_754 = tpu.memref_slice %arg3[%dma_wait3A_752, %dma_wait3A_753] : memref<100000x128xf32, #tpu.memory_space<hbm>> -> memref<100000x128xf32, #tpu.memory_space<hbm>>
      tpu.wait_indirect_dma semaphore(%arg15 : memref<!tpu.dma_semaphore, #tpu.memory_space<semaphore_mem>>) src(%dma_wait3A_754 : memref<100000x128xf32, #tpu.memory_space<hbm>>) dst(%arg7 : memref<80x128xf32, #tpu.memory_space<vmem>>)
      %sub3A = arith.constant 4 : i32
      %sub3A_755 = arith.subi %add3A_748, %sub3A : i32
      %mul3A_756 = arith.constant 80 : i32
      %mul3A_757 = arith.muli %sub3A_755, %mul3A_756 : i32
      %add3A_758 = arith.addi %mul3A_2, %mul3A_757 : i32
      %dma_wait3A_759 = arith.constant 0 : i32
      %dma_wait3A_760 = arith.constant 0 : i32
      %dma_wait3A_761 = tpu.memref_slice %arg4[%add3A_758, %dma_wait3A_760] : memref<204800x128xf32, #tpu.memory_space<hbm>> -> memref<80x128xf32, #tpu.memory_space<hbm>>
      %dma_wait3A_762 = arith.constant 0 : i32
      %dma_wait3A_763 = arith.constant 0 : i32
      %dma_wait3A_764 = tpu.memref_slice %arg6[%arg1, %dma_wait3A_759, %dma_wait3A_762, %dma_wait3A_763] : memref<16x4x80x128xf32, #tpu.memory_space<vmem_shared>> -> memref<1x1x80x128xf32, #tpu.memory_space<vmem_shared>>
      %dma_wait3A_765 = tpu.memref_squeeze %dma_wait3A_764 : memref<1x1x80x128xf32, #tpu.memory_space<vmem_shared>> -> memref<80x128xf32, #tpu.memory_space<vmem_shared>>
      tpu.wait_dma2 semaphore(%arg31 : memref<!tpu.dma_semaphore, #tpu.memory_space<semaphore_mem>>) src(%dma_wait3A_765 : memref<80x128xf32, #tpu.memory_space<vmem_shared>>) dst(%dma_wait3A_761 : memref<80x128xf32, #tpu.memory_space<hbm>>)
      %dma_start3A_766 = arith.constant 0 : i32
      %dma_start3A_767 = arith.constant 0 : i32
      %dma_start3A_768 = arith.constant 0 : i32
      %dma_start3A_769 = tpu.memref_slice %arg6[%arg1, %dma_start3A_766, %dma_start3A_767, %dma_start3A_768] : memref<16x4x80x128xf32, #tpu.memory_space<vmem_shared>> -> memref<1x1x80x128xf32, #tpu.memory_space<vmem_shared>>
      %dma_start3A_770 = tpu.memref_squeeze %dma_start3A_769 : memref<1x1x80x128xf32, #tpu.memory_space<vmem_shared>> -> memref<80x128xf32, #tpu.memory_space<vmem_shared>>
      %dma_start3A_771 = arith.constant 0 : i32
      %dma_start3A_772 = arith.constant 0 : i32
      %dma_start3A_773 = tpu.memref_slice %arg6[%arg1, %dma_start3A_766, %dma_start3A_771, %dma_start3A_772] : memref<16x4x80x128xf32, #tpu.memory_space<vmem_shared>> -> memref<1x1x80x128xf32, #tpu.memory_space<vmem_shared>>
      %dma_start3A_774 = tpu.memref_squeeze %dma_start3A_773 : memref<1x1x80x128xf32, #tpu.memory_space<vmem_shared>> -> memref<80x128xf32, #tpu.memory_space<vmem_shared>>
      tpu.enqueue_dma source(%arg7 : memref<80x128xf32, #tpu.memory_space<vmem>>) target(%dma_start3A_774 : memref<80x128xf32, #tpu.memory_space<vmem_shared>>) target_semaphore(%arg23 : memref<!tpu.dma_semaphore, #tpu.memory_space<semaphore_mem>>)
      %dma_wait3A_775 = arith.constant 0 : i32
      %dma_wait3A_776 = arith.constant 0 : i32
      %dma_wait3A_777 = arith.constant 0 : i32
      %dma_wait3A_778 = tpu.memref_slice %arg6[%arg1, %dma_wait3A_775, %dma_wait3A_776, %dma_wait3A_777] : memref<16x4x80x128xf32, #tpu.memory_space<vmem_shared>> -> memref<1x1x80x128xf32, #tpu.memory_space<vmem_shared>>
      %dma_wait3A_779 = tpu.memref_squeeze %dma_wait3A_778 : memref<1x1x80x128xf32, #tpu.memory_space<vmem_shared>> -> memref<80x128xf32, #tpu.memory_space<vmem_shared>>
      %dma_wait3A_780 = arith.constant 0 : i32
      %dma_wait3A_781 = arith.constant 0 : i32
      %dma_wait3A_782 = tpu.memref_slice %arg6[%arg1, %dma_wait3A_775, %dma_wait3A_780, %dma_wait3A_781] : memref<16x4x80x128xf32, #tpu.memory_space<vmem_shared>> -> memref<1x1x80x128xf32, #tpu.memory_space<vmem_shared>>
      %dma_wait3A_783 = tpu.memref_squeeze %dma_wait3A_782 : memref<1x1x80x128xf32, #tpu.memory_space<vmem_shared>> -> memref<80x128xf32, #tpu.memory_space<vmem_shared>>
      tpu.wait_dma2 semaphore(%arg23 : memref<!tpu.dma_semaphore, #tpu.memory_space<semaphore_mem>>) src(%arg7 : memref<80x128xf32, #tpu.memory_space<vmem>>) dst(%dma_wait3A_783 : memref<80x128xf32, #tpu.memory_space<vmem_shared>>)
      %add3A_784 = arith.constant 8 : i32
      %add3A_785 = arith.addi %add3A_748, %add3A_784 : i32
      %mul3A_786 = arith.constant 80 : i32
      %mul3A_787 = arith.muli %add3A_785, %mul3A_786 : i32
      %dma_start3A_788 = tpu.memref_slice %arg5[%mul3A_787] : memref<6400xi32, #tpu.memory_space<vmem>> -> memref<80xi32, #tpu.memory_space<vmem>>
      %dma_start3A_789 = arith.constant 0 : i32
      %dma_start3A_790 = arith.constant 0 : i32
      %dma_start3A_791 = tpu.memref_slice %arg3[%dma_start3A_789, %dma_start3A_790] : memref<100000x128xf32, #tpu.memory_space<hbm>> -> memref<100000x128xf32, #tpu.memory_space<hbm>>
      tpu.enqueue_indirect_dma source(%dma_start3A_791 : memref<100000x128xf32, #tpu.memory_space<hbm>>) target(%arg7 : memref<80x128xf32, #tpu.memory_space<vmem>>) offsets(%dma_start3A_788 : memref<80xi32, #tpu.memory_space<vmem>>) semaphore(%arg15 : memref<!tpu.dma_semaphore, #tpu.memory_space<semaphore_mem>>)
      %mul3A_792 = arith.constant 80 : i32
      %mul3A_793 = arith.muli %add3A_748, %mul3A_792 : i32
      %add3A_794 = arith.addi %mul3A_2, %mul3A_793 : i32
      %dma_start3A_795 = arith.constant 0 : i32
      %dma_start3A_796 = arith.constant 0 : i32
      %dma_start3A_797 = tpu.memref_slice %arg4[%add3A_794, %dma_start3A_796] : memref<204800x128xf32, #tpu.memory_space<hbm>> -> memref<80x128xf32, #tpu.memory_space<hbm>>
      %dma_start3A_798 = arith.constant 0 : i32
      %dma_start3A_799 = arith.constant 0 : i32
      %dma_start3A_800 = tpu.memref_slice %arg6[%arg1, %dma_start3A_795, %dma_start3A_798, %dma_start3A_799] : memref<16x4x80x128xf32, #tpu.memory_space<vmem_shared>> -> memref<1x1x80x128xf32, #tpu.memory_space<vmem_shared>>
      %dma_start3A_801 = tpu.memref_squeeze %dma_start3A_800 : memref<1x1x80x128xf32, #tpu.memory_space<vmem_shared>> -> memref<80x128xf32, #tpu.memory_space<vmem_shared>>
      tpu.enqueue_dma source(%dma_start3A_801 : memref<80x128xf32, #tpu.memory_space<vmem_shared>>) target(%dma_start3A_797 : memref<80x128xf32, #tpu.memory_space<hbm>>) target_semaphore(%arg31 : memref<!tpu.dma_semaphore, #tpu.memory_space<semaphore_mem>>)
      %mul3A_802 = arith.constant 8 : i32
      %mul3A_803 = arith.muli %add3A_744, %mul3A_802 : i32
      %add3A_804 = arith.constant 1 : i32
      %add3A_805 = arith.addi %mul3A_803, %add3A_804 : i32
      %mul3A_806 = arith.constant 80 : i32
      %mul3A_807 = arith.muli %add3A_805, %mul3A_806 : i32
      %dma_wait3A_808 = tpu.memref_slice %arg5[%mul3A_807] : memref<6400xi32, #tpu.memory_space<vmem>> -> memref<80xi32, #tpu.memory_space<vmem>>
      %dma_wait3A_809 = arith.constant 0 : i32
      %dma_wait3A_810 = arith.constant 0 : i32
      %dma_wait3A_811 = tpu.memref_slice %arg3[%dma_wait3A_809, %dma_wait3A_810] : memref<100000x128xf32, #tpu.memory_space<hbm>> -> memref<100000x128xf32, #tpu.memory_space<hbm>>
      tpu.wait_indirect_dma semaphore(%arg16 : memref<!tpu.dma_semaphore, #tpu.memory_space<semaphore_mem>>) src(%dma_wait3A_811 : memref<100000x128xf32, #tpu.memory_space<hbm>>) dst(%arg8 : memref<80x128xf32, #tpu.memory_space<vmem>>)
      %sub3A_812 = arith.constant 4 : i32
      %sub3A_813 = arith.subi %add3A_805, %sub3A_812 : i32
      %mul3A_814 = arith.constant 80 : i32
      %mul3A_815 = arith.muli %sub3A_813, %mul3A_814 : i32
      %add3A_816 = arith.addi %mul3A_2, %mul3A_815 : i32
      %dma_wait3A_817 = arith.constant 1 : i32
      %dma_wait3A_818 = arith.constant 0 : i32
      %dma_wait3A_819 = tpu.memref_slice %arg4[%add3A_816, %dma_wait3A_818] : memref<204800x128xf32, #tpu.memory_space<hbm>> -> memref<80x128xf32, #tpu.memory_space<hbm>>
      %dma_wait3A_820 = arith.constant 0 : i32
      %dma_wait3A_821 = arith.constant 0 : i32
      %dma_wait3A_822 = tpu.memref_slice %arg6[%arg1, %dma_wait3A_817, %dma_wait3A_820, %dma_wait3A_821] : memref<16x4x80x128xf32, #tpu.memory_space<vmem_shared>> -> memref<1x1x80x128xf32, #tpu.memory_space<vmem_shared>>
      %dma_wait3A_823 = tpu.memref_squeeze %dma_wait3A_822 : memref<1x1x80x128xf32, #tpu.memory_space<vmem_shared>> -> memref<80x128xf32, #tpu.memory_space<vmem_shared>>
      tpu.wait_dma2 semaphore(%arg32 : memref<!tpu.dma_semaphore, #tpu.memory_space<semaphore_mem>>) src(%dma_wait3A_823 : memref<80x128xf32, #tpu.memory_space<vmem_shared>>) dst(%dma_wait3A_819 : memref<80x128xf32, #tpu.memory_space<hbm>>)
      %dma_start3A_824 = arith.constant 1 : i32
      %dma_start3A_825 = arith.constant 0 : i32
      %dma_start3A_826 = arith.constant 0 : i32
      %dma_start3A_827 = tpu.memref_slice %arg6[%arg1, %dma_start3A_824, %dma_start3A_825, %dma_start3A_826] : memref<16x4x80x128xf32, #tpu.memory_space<vmem_shared>> -> memref<1x1x80x128xf32, #tpu.memory_space<vmem_shared>>
      %dma_start3A_828 = tpu.memref_squeeze %dma_start3A_827 : memref<1x1x80x128xf32, #tpu.memory_space<vmem_shared>> -> memref<80x128xf32, #tpu.memory_space<vmem_shared>>
      %dma_start3A_829 = arith.constant 0 : i32
      %dma_start3A_830 = arith.constant 0 : i32
      %dma_start3A_831 = tpu.memref_slice %arg6[%arg1, %dma_start3A_824, %dma_start3A_829, %dma_start3A_830] : memref<16x4x80x128xf32, #tpu.memory_space<vmem_shared>> -> memref<1x1x80x128xf32, #tpu.memory_space<vmem_shared>>
      %dma_start3A_832 = tpu.memref_squeeze %dma_start3A_831 : memref<1x1x80x128xf32, #tpu.memory_space<vmem_shared>> -> memref<80x128xf32, #tpu.memory_space<vmem_shared>>
      tpu.enqueue_dma source(%arg8 : memref<80x128xf32, #tpu.memory_space<vmem>>) target(%dma_start3A_832 : memref<80x128xf32, #tpu.memory_space<vmem_shared>>) target_semaphore(%arg24 : memref<!tpu.dma_semaphore, #tpu.memory_space<semaphore_mem>>)
      %dma_wait3A_833 = arith.constant 1 : i32
      %dma_wait3A_834 = arith.constant 0 : i32
      %dma_wait3A_835 = arith.constant 0 : i32
      %dma_wait3A_836 = tpu.memref_slice %arg6[%arg1, %dma_wait3A_833, %dma_wait3A_834, %dma_wait3A_835] : memref<16x4x80x128xf32, #tpu.memory_space<vmem_shared>> -> memref<1x1x80x128xf32, #tpu.memory_space<vmem_shared>>
      %dma_wait3A_837 = tpu.memref_squeeze %dma_wait3A_836 : memref<1x1x80x128xf32, #tpu.memory_space<vmem_shared>> -> memref<80x128xf32, #tpu.memory_space<vmem_shared>>
      %dma_wait3A_838 = arith.constant 0 : i32
      %dma_wait3A_839 = arith.constant 0 : i32
      %dma_wait3A_840 = tpu.memref_slice %arg6[%arg1, %dma_wait3A_833, %dma_wait3A_838, %dma_wait3A_839] : memref<16x4x80x128xf32, #tpu.memory_space<vmem_shared>> -> memref<1x1x80x128xf32, #tpu.memory_space<vmem_shared>>
      %dma_wait3A_841 = tpu.memref_squeeze %dma_wait3A_840 : memref<1x1x80x128xf32, #tpu.memory_space<vmem_shared>> -> memref<80x128xf32, #tpu.memory_space<vmem_shared>>
      tpu.wait_dma2 semaphore(%arg24 : memref<!tpu.dma_semaphore, #tpu.memory_space<semaphore_mem>>) src(%arg8 : memref<80x128xf32, #tpu.memory_space<vmem>>) dst(%dma_wait3A_841 : memref<80x128xf32, #tpu.memory_space<vmem_shared>>)
      %add3A_842 = arith.constant 8 : i32
      %add3A_843 = arith.addi %add3A_805, %add3A_842 : i32
      %mul3A_844 = arith.constant 80 : i32
      %mul3A_845 = arith.muli %add3A_843, %mul3A_844 : i32
      %dma_start3A_846 = tpu.memref_slice %arg5[%mul3A_845] : memref<6400xi32, #tpu.memory_space<vmem>> -> memref<80xi32, #tpu.memory_space<vmem>>
      %dma_start3A_847 = arith.constant 0 : i32
      %dma_start3A_848 = arith.constant 0 : i32
      %dma_start3A_849 = tpu.memref_slice %arg3[%dma_start3A_847, %dma_start3A_848] : memref<100000x128xf32, #tpu.memory_space<hbm>> -> memref<100000x128xf32, #tpu.memory_space<hbm>>
      tpu.enqueue_indirect_dma source(%dma_start3A_849 : memref<100000x128xf32, #tpu.memory_space<hbm>>) target(%arg8 : memref<80x128xf32, #tpu.memory_space<vmem>>) offsets(%dma_start3A_846 : memref<80xi32, #tpu.memory_space<vmem>>) semaphore(%arg16 : memref<!tpu.dma_semaphore, #tpu.memory_space<semaphore_mem>>)
      %mul3A_850 = arith.constant 80 : i32
      %mul3A_851 = arith.muli %add3A_805, %mul3A_850 : i32
      %add3A_852 = arith.addi %mul3A_2, %mul3A_851 : i32
      %dma_start3A_853 = arith.constant 1 : i32
      %dma_start3A_854 = arith.constant 0 : i32
      %dma_start3A_855 = tpu.memref_slice %arg4[%add3A_852, %dma_start3A_854] : memref<204800x128xf32, #tpu.memory_space<hbm>> -> memref<80x128xf32, #tpu.memory_space<hbm>>
      %dma_start3A_856 = arith.constant 0 : i32
      %dma_start3A_857 = arith.constant 0 : i32
      %dma_start3A_858 = tpu.memref_slice %arg6[%arg1, %dma_start3A_853, %dma_start3A_856, %dma_start3A_857] : memref<16x4x80x128xf32, #tpu.memory_space<vmem_shared>> -> memref<1x1x80x128xf32, #tpu.memory_space<vmem_shared>>
      %dma_start3A_859 = tpu.memref_squeeze %dma_start3A_858 : memref<1x1x80x128xf32, #tpu.memory_space<vmem_shared>> -> memref<80x128xf32, #tpu.memory_space<vmem_shared>>
      tpu.enqueue_dma source(%dma_start3A_859 : memref<80x128xf32, #tpu.memory_space<vmem_shared>>) target(%dma_start3A_855 : memref<80x128xf32, #tpu.memory_space<hbm>>) target_semaphore(%arg32 : memref<!tpu.dma_semaphore, #tpu.memory_space<semaphore_mem>>)
      %mul3A_860 = arith.constant 8 : i32
      %mul3A_861 = arith.muli %add3A_744, %mul3A_860 : i32
      %add3A_862 = arith.constant 2 : i32
      %add3A_863 = arith.addi %mul3A_861, %add3A_862 : i32
      %mul3A_864 = arith.constant 80 : i32
      %mul3A_865 = arith.muli %add3A_863, %mul3A_864 : i32
      %dma_wait3A_866 = tpu.memref_slice %arg5[%mul3A_865] : memref<6400xi32, #tpu.memory_space<vmem>> -> memref<80xi32, #tpu.memory_space<vmem>>
      %dma_wait3A_867 = arith.constant 0 : i32
      %dma_wait3A_868 = arith.constant 0 : i32
      %dma_wait3A_869 = tpu.memref_slice %arg3[%dma_wait3A_867, %dma_wait3A_868] : memref<100000x128xf32, #tpu.memory_space<hbm>> -> memref<100000x128xf32, #tpu.memory_space<hbm>>
      tpu.wait_indirect_dma semaphore(%arg17 : memref<!tpu.dma_semaphore, #tpu.memory_space<semaphore_mem>>) src(%dma_wait3A_869 : memref<100000x128xf32, #tpu.memory_space<hbm>>) dst(%arg9 : memref<80x128xf32, #tpu.memory_space<vmem>>)
      %sub3A_870 = arith.constant 4 : i32
      %sub3A_871 = arith.subi %add3A_863, %sub3A_870 : i32
      %mul3A_872 = arith.constant 80 : i32
      %mul3A_873 = arith.muli %sub3A_871, %mul3A_872 : i32
      %add3A_874 = arith.addi %mul3A_2, %mul3A_873 : i32
      %dma_wait3A_875 = arith.constant 2 : i32
      %dma_wait3A_876 = arith.constant 0 : i32
      %dma_wait3A_877 = tpu.memref_slice %arg4[%add3A_874, %dma_wait3A_876] : memref<204800x128xf32, #tpu.memory_space<hbm>> -> memref<80x128xf32, #tpu.memory_space<hbm>>
      %dma_wait3A_878 = arith.constant 0 : i32
      %dma_wait3A_879 = arith.constant 0 : i32
      %dma_wait3A_880 = tpu.memref_slice %arg6[%arg1, %dma_wait3A_875, %dma_wait3A_878, %dma_wait3A_879] : memref<16x4x80x128xf32, #tpu.memory_space<vmem_shared>> -> memref<1x1x80x128xf32, #tpu.memory_space<vmem_shared>>
      %dma_wait3A_881 = tpu.memref_squeeze %dma_wait3A_880 : memref<1x1x80x128xf32, #tpu.memory_space<vmem_shared>> -> memref<80x128xf32, #tpu.memory_space<vmem_shared>>
      tpu.wait_dma2 semaphore(%arg33 : memref<!tpu.dma_semaphore, #tpu.memory_space<semaphore_mem>>) src(%dma_wait3A_881 : memref<80x128xf32, #tpu.memory_space<vmem_shared>>) dst(%dma_wait3A_877 : memref<80x128xf32, #tpu.memory_space<hbm>>)
      %dma_start3A_882 = arith.constant 2 : i32
      %dma_start3A_883 = arith.constant 0 : i32
      %dma_start3A_884 = arith.constant 0 : i32
      %dma_start3A_885 = tpu.memref_slice %arg6[%arg1, %dma_start3A_882, %dma_start3A_883, %dma_start3A_884] : memref<16x4x80x128xf32, #tpu.memory_space<vmem_shared>> -> memref<1x1x80x128xf32, #tpu.memory_space<vmem_shared>>
      %dma_start3A_886 = tpu.memref_squeeze %dma_start3A_885 : memref<1x1x80x128xf32, #tpu.memory_space<vmem_shared>> -> memref<80x128xf32, #tpu.memory_space<vmem_shared>>
      %dma_start3A_887 = arith.constant 0 : i32
      %dma_start3A_888 = arith.constant 0 : i32
      %dma_start3A_889 = tpu.memref_slice %arg6[%arg1, %dma_start3A_882, %dma_start3A_887, %dma_start3A_888] : memref<16x4x80x128xf32, #tpu.memory_space<vmem_shared>> -> memref<1x1x80x128xf32, #tpu.memory_space<vmem_shared>>
      %dma_start3A_890 = tpu.memref_squeeze %dma_start3A_889 : memref<1x1x80x128xf32, #tpu.memory_space<vmem_shared>> -> memref<80x128xf32, #tpu.memory_space<vmem_shared>>
      tpu.enqueue_dma source(%arg9 : memref<80x128xf32, #tpu.memory_space<vmem>>) target(%dma_start3A_890 : memref<80x128xf32, #tpu.memory_space<vmem_shared>>) target_semaphore(%arg25 : memref<!tpu.dma_semaphore, #tpu.memory_space<semaphore_mem>>)
      %dma_wait3A_891 = arith.constant 2 : i32
      %dma_wait3A_892 = arith.constant 0 : i32
      %dma_wait3A_893 = arith.constant 0 : i32
      %dma_wait3A_894 = tpu.memref_slice %arg6[%arg1, %dma_wait3A_891, %dma_wait3A_892, %dma_wait3A_893] : memref<16x4x80x128xf32, #tpu.memory_space<vmem_shared>> -> memref<1x1x80x128xf32, #tpu.memory_space<vmem_shared>>
      %dma_wait3A_895 = tpu.memref_squeeze %dma_wait3A_894 : memref<1x1x80x128xf32, #tpu.memory_space<vmem_shared>> -> memref<80x128xf32, #tpu.memory_space<vmem_shared>>
      %dma_wait3A_896 = arith.constant 0 : i32
      %dma_wait3A_897 = arith.constant 0 : i32
      %dma_wait3A_898 = tpu.memref_slice %arg6[%arg1, %dma_wait3A_891, %dma_wait3A_896, %dma_wait3A_897] : memref<16x4x80x128xf32, #tpu.memory_space<vmem_shared>> -> memref<1x1x80x128xf32, #tpu.memory_space<vmem_shared>>
      %dma_wait3A_899 = tpu.memref_squeeze %dma_wait3A_898 : memref<1x1x80x128xf32, #tpu.memory_space<vmem_shared>> -> memref<80x128xf32, #tpu.memory_space<vmem_shared>>
      tpu.wait_dma2 semaphore(%arg25 : memref<!tpu.dma_semaphore, #tpu.memory_space<semaphore_mem>>) src(%arg9 : memref<80x128xf32, #tpu.memory_space<vmem>>) dst(%dma_wait3A_899 : memref<80x128xf32, #tpu.memory_space<vmem_shared>>)
      %add3A_900 = arith.constant 8 : i32
      %add3A_901 = arith.addi %add3A_863, %add3A_900 : i32
      %mul3A_902 = arith.constant 80 : i32
      %mul3A_903 = arith.muli %add3A_901, %mul3A_902 : i32
      %dma_start3A_904 = tpu.memref_slice %arg5[%mul3A_903] : memref<6400xi32, #tpu.memory_space<vmem>> -> memref<80xi32, #tpu.memory_space<vmem>>
      %dma_start3A_905 = arith.constant 0 : i32
      %dma_start3A_906 = arith.constant 0 : i32
      %dma_start3A_907 = tpu.memref_slice %arg3[%dma_start3A_905, %dma_start3A_906] : memref<100000x128xf32, #tpu.memory_space<hbm>> -> memref<100000x128xf32, #tpu.memory_space<hbm>>
      tpu.enqueue_indirect_dma source(%dma_start3A_907 : memref<100000x128xf32, #tpu.memory_space<hbm>>) target(%arg9 : memref<80x128xf32, #tpu.memory_space<vmem>>) offsets(%dma_start3A_904 : memref<80xi32, #tpu.memory_space<vmem>>) semaphore(%arg17 : memref<!tpu.dma_semaphore, #tpu.memory_space<semaphore_mem>>)
      %mul3A_908 = arith.constant 80 : i32
      %mul3A_909 = arith.muli %add3A_863, %mul3A_908 : i32
      %add3A_910 = arith.addi %mul3A_2, %mul3A_909 : i32
      %dma_start3A_911 = arith.constant 2 : i32
      %dma_start3A_912 = arith.constant 0 : i32
      %dma_start3A_913 = tpu.memref_slice %arg4[%add3A_910, %dma_start3A_912] : memref<204800x128xf32, #tpu.memory_space<hbm>> -> memref<80x128xf32, #tpu.memory_space<hbm>>
      %dma_start3A_914 = arith.constant 0 : i32
      %dma_start3A_915 = arith.constant 0 : i32
      %dma_start3A_916 = tpu.memref_slice %arg6[%arg1, %dma_start3A_911, %dma_start3A_914, %dma_start3A_915] : memref<16x4x80x128xf32, #tpu.memory_space<vmem_shared>> -> memref<1x1x80x128xf32, #tpu.memory_space<vmem_shared>>
      %dma_start3A_917 = tpu.memref_squeeze %dma_start3A_916 : memref<1x1x80x128xf32, #tpu.memory_space<vmem_shared>> -> memref<80x128xf32, #tpu.memory_space<vmem_shared>>
      tpu.enqueue_dma source(%dma_start3A_917 : memref<80x128xf32, #tpu.memory_space<vmem_shared>>) target(%dma_start3A_913 : memref<80x128xf32, #tpu.memory_space<hbm>>) target_semaphore(%arg33 : memref<!tpu.dma_semaphore, #tpu.memory_space<semaphore_mem>>)
      %mul3A_918 = arith.constant 8 : i32
      %mul3A_919 = arith.muli %add3A_744, %mul3A_918 : i32
      %add3A_920 = arith.constant 3 : i32
      %add3A_921 = arith.addi %mul3A_919, %add3A_920 : i32
      %mul3A_922 = arith.constant 80 : i32
      %mul3A_923 = arith.muli %add3A_921, %mul3A_922 : i32
      %dma_wait3A_924 = tpu.memref_slice %arg5[%mul3A_923] : memref<6400xi32, #tpu.memory_space<vmem>> -> memref<80xi32, #tpu.memory_space<vmem>>
      %dma_wait3A_925 = arith.constant 0 : i32
      %dma_wait3A_926 = arith.constant 0 : i32
      %dma_wait3A_927 = tpu.memref_slice %arg3[%dma_wait3A_925, %dma_wait3A_926] : memref<100000x128xf32, #tpu.memory_space<hbm>> -> memref<100000x128xf32, #tpu.memory_space<hbm>>
      tpu.wait_indirect_dma semaphore(%arg18 : memref<!tpu.dma_semaphore, #tpu.memory_space<semaphore_mem>>) src(%dma_wait3A_927 : memref<100000x128xf32, #tpu.memory_space<hbm>>) dst(%arg10 : memref<80x128xf32, #tpu.memory_space<vmem>>)
      %sub3A_928 = arith.constant 4 : i32
      %sub3A_929 = arith.subi %add3A_921, %sub3A_928 : i32
      %mul3A_930 = arith.constant 80 : i32
      %mul3A_931 = arith.muli %sub3A_929, %mul3A_930 : i32
      %add3A_932 = arith.addi %mul3A_2, %mul3A_931 : i32
      %dma_wait3A_933 = arith.constant 3 : i32
      %dma_wait3A_934 = arith.constant 0 : i32
      %dma_wait3A_935 = tpu.memref_slice %arg4[%add3A_932, %dma_wait3A_934] : memref<204800x128xf32, #tpu.memory_space<hbm>> -> memref<80x128xf32, #tpu.memory_space<hbm>>
      %dma_wait3A_936 = arith.constant 0 : i32
      %dma_wait3A_937 = arith.constant 0 : i32
      %dma_wait3A_938 = tpu.memref_slice %arg6[%arg1, %dma_wait3A_933, %dma_wait3A_936, %dma_wait3A_937] : memref<16x4x80x128xf32, #tpu.memory_space<vmem_shared>> -> memref<1x1x80x128xf32, #tpu.memory_space<vmem_shared>>
      %dma_wait3A_939 = tpu.memref_squeeze %dma_wait3A_938 : memref<1x1x80x128xf32, #tpu.memory_space<vmem_shared>> -> memref<80x128xf32, #tpu.memory_space<vmem_shared>>
      tpu.wait_dma2 semaphore(%arg34 : memref<!tpu.dma_semaphore, #tpu.memory_space<semaphore_mem>>) src(%dma_wait3A_939 : memref<80x128xf32, #tpu.memory_space<vmem_shared>>) dst(%dma_wait3A_935 : memref<80x128xf32, #tpu.memory_space<hbm>>)
      %dma_start3A_940 = arith.constant 3 : i32
      %dma_start3A_941 = arith.constant 0 : i32
      %dma_start3A_942 = arith.constant 0 : i32
      %dma_start3A_943 = tpu.memref_slice %arg6[%arg1, %dma_start3A_940, %dma_start3A_941, %dma_start3A_942] : memref<16x4x80x128xf32, #tpu.memory_space<vmem_shared>> -> memref<1x1x80x128xf32, #tpu.memory_space<vmem_shared>>
      %dma_start3A_944 = tpu.memref_squeeze %dma_start3A_943 : memref<1x1x80x128xf32, #tpu.memory_space<vmem_shared>> -> memref<80x128xf32, #tpu.memory_space<vmem_shared>>
      %dma_start3A_945 = arith.constant 0 : i32
      %dma_start3A_946 = arith.constant 0 : i32
      %dma_start3A_947 = tpu.memref_slice %arg6[%arg1, %dma_start3A_940, %dma_start3A_945, %dma_start3A_946] : memref<16x4x80x128xf32, #tpu.memory_space<vmem_shared>> -> memref<1x1x80x128xf32, #tpu.memory_space<vmem_shared>>
      %dma_start3A_948 = tpu.memref_squeeze %dma_start3A_947 : memref<1x1x80x128xf32, #tpu.memory_space<vmem_shared>> -> memref<80x128xf32, #tpu.memory_space<vmem_shared>>
      tpu.enqueue_dma source(%arg10 : memref<80x128xf32, #tpu.memory_space<vmem>>) target(%dma_start3A_948 : memref<80x128xf32, #tpu.memory_space<vmem_shared>>) target_semaphore(%arg26 : memref<!tpu.dma_semaphore, #tpu.memory_space<semaphore_mem>>)
      %dma_wait3A_949 = arith.constant 3 : i32
      %dma_wait3A_950 = arith.constant 0 : i32
      %dma_wait3A_951 = arith.constant 0 : i32
      %dma_wait3A_952 = tpu.memref_slice %arg6[%arg1, %dma_wait3A_949, %dma_wait3A_950, %dma_wait3A_951] : memref<16x4x80x128xf32, #tpu.memory_space<vmem_shared>> -> memref<1x1x80x128xf32, #tpu.memory_space<vmem_shared>>
      %dma_wait3A_953 = tpu.memref_squeeze %dma_wait3A_952 : memref<1x1x80x128xf32, #tpu.memory_space<vmem_shared>> -> memref<80x128xf32, #tpu.memory_space<vmem_shared>>
      %dma_wait3A_954 = arith.constant 0 : i32
      %dma_wait3A_955 = arith.constant 0 : i32
      %dma_wait3A_956 = tpu.memref_slice %arg6[%arg1, %dma_wait3A_949, %dma_wait3A_954, %dma_wait3A_955] : memref<16x4x80x128xf32, #tpu.memory_space<vmem_shared>> -> memref<1x1x80x128xf32, #tpu.memory_space<vmem_shared>>
      %dma_wait3A_957 = tpu.memref_squeeze %dma_wait3A_956 : memref<1x1x80x128xf32, #tpu.memory_space<vmem_shared>> -> memref<80x128xf32, #tpu.memory_space<vmem_shared>>
      tpu.wait_dma2 semaphore(%arg26 : memref<!tpu.dma_semaphore, #tpu.memory_space<semaphore_mem>>) src(%arg10 : memref<80x128xf32, #tpu.memory_space<vmem>>) dst(%dma_wait3A_957 : memref<80x128xf32, #tpu.memory_space<vmem_shared>>)
      %add3A_958 = arith.constant 8 : i32
      %add3A_959 = arith.addi %add3A_921, %add3A_958 : i32
      %mul3A_960 = arith.constant 80 : i32
      %mul3A_961 = arith.muli %add3A_959, %mul3A_960 : i32
      %dma_start3A_962 = tpu.memref_slice %arg5[%mul3A_961] : memref<6400xi32, #tpu.memory_space<vmem>> -> memref<80xi32, #tpu.memory_space<vmem>>
      %dma_start3A_963 = arith.constant 0 : i32
      %dma_start3A_964 = arith.constant 0 : i32
      %dma_start3A_965 = tpu.memref_slice %arg3[%dma_start3A_963, %dma_start3A_964] : memref<100000x128xf32, #tpu.memory_space<hbm>> -> memref<100000x128xf32, #tpu.memory_space<hbm>>
      tpu.enqueue_indirect_dma source(%dma_start3A_965 : memref<100000x128xf32, #tpu.memory_space<hbm>>) target(%arg10 : memref<80x128xf32, #tpu.memory_space<vmem>>) offsets(%dma_start3A_962 : memref<80xi32, #tpu.memory_space<vmem>>) semaphore(%arg18 : memref<!tpu.dma_semaphore, #tpu.memory_space<semaphore_mem>>)
      %mul3A_966 = arith.constant 80 : i32
      %mul3A_967 = arith.muli %add3A_921, %mul3A_966 : i32
      %add3A_968 = arith.addi %mul3A_2, %mul3A_967 : i32
      %dma_start3A_969 = arith.constant 3 : i32
      %dma_start3A_970 = arith.constant 0 : i32
      %dma_start3A_971 = tpu.memref_slice %arg4[%add3A_968, %dma_start3A_970] : memref<204800x128xf32, #tpu.memory_space<hbm>> -> memref<80x128xf32, #tpu.memory_space<hbm>>
      %dma_start3A_972 = arith.constant 0 : i32
      %dma_start3A_973 = arith.constant 0 : i32
      %dma_start3A_974 = tpu.memref_slice %arg6[%arg1, %dma_start3A_969, %dma_start3A_972, %dma_start3A_973] : memref<16x4x80x128xf32, #tpu.memory_space<vmem_shared>> -> memref<1x1x80x128xf32, #tpu.memory_space<vmem_shared>>
      %dma_start3A_975 = tpu.memref_squeeze %dma_start3A_974 : memref<1x1x80x128xf32, #tpu.memory_space<vmem_shared>> -> memref<80x128xf32, #tpu.memory_space<vmem_shared>>
      tpu.enqueue_dma source(%dma_start3A_975 : memref<80x128xf32, #tpu.memory_space<vmem_shared>>) target(%dma_start3A_971 : memref<80x128xf32, #tpu.memory_space<hbm>>) target_semaphore(%arg34 : memref<!tpu.dma_semaphore, #tpu.memory_space<semaphore_mem>>)
      %mul3A_976 = arith.constant 8 : i32
      %mul3A_977 = arith.muli %add3A_744, %mul3A_976 : i32
      %add3A_978 = arith.constant 4 : i32
      %add3A_979 = arith.addi %mul3A_977, %add3A_978 : i32
      %mul3A_980 = arith.constant 80 : i32
      %mul3A_981 = arith.muli %add3A_979, %mul3A_980 : i32
      %dma_wait3A_982 = tpu.memref_slice %arg5[%mul3A_981] : memref<6400xi32, #tpu.memory_space<vmem>> -> memref<80xi32, #tpu.memory_space<vmem>>
      %dma_wait3A_983 = arith.constant 0 : i32
      %dma_wait3A_984 = arith.constant 0 : i32
      %dma_wait3A_985 = tpu.memref_slice %arg3[%dma_wait3A_983, %dma_wait3A_984] : memref<100000x128xf32, #tpu.memory_space<hbm>> -> memref<100000x128xf32, #tpu.memory_space<hbm>>
      tpu.wait_indirect_dma semaphore(%arg19 : memref<!tpu.dma_semaphore, #tpu.memory_space<semaphore_mem>>) src(%dma_wait3A_985 : memref<100000x128xf32, #tpu.memory_space<hbm>>) dst(%arg11 : memref<80x128xf32, #tpu.memory_space<vmem>>)
      %sub3A_986 = arith.constant 4 : i32
      %sub3A_987 = arith.subi %add3A_979, %sub3A_986 : i32
      %mul3A_988 = arith.constant 80 : i32
      %mul3A_989 = arith.muli %sub3A_987, %mul3A_988 : i32
      %add3A_990 = arith.addi %mul3A_2, %mul3A_989 : i32
      %dma_wait3A_991 = arith.constant 0 : i32
      %dma_wait3A_992 = arith.constant 0 : i32
      %dma_wait3A_993 = tpu.memref_slice %arg4[%add3A_990, %dma_wait3A_992] : memref<204800x128xf32, #tpu.memory_space<hbm>> -> memref<80x128xf32, #tpu.memory_space<hbm>>
      %dma_wait3A_994 = arith.constant 0 : i32
      %dma_wait3A_995 = arith.constant 0 : i32
      %dma_wait3A_996 = tpu.memref_slice %arg6[%arg1, %dma_wait3A_991, %dma_wait3A_994, %dma_wait3A_995] : memref<16x4x80x128xf32, #tpu.memory_space<vmem_shared>> -> memref<1x1x80x128xf32, #tpu.memory_space<vmem_shared>>
      %dma_wait3A_997 = tpu.memref_squeeze %dma_wait3A_996 : memref<1x1x80x128xf32, #tpu.memory_space<vmem_shared>> -> memref<80x128xf32, #tpu.memory_space<vmem_shared>>
      tpu.wait_dma2 semaphore(%arg31 : memref<!tpu.dma_semaphore, #tpu.memory_space<semaphore_mem>>) src(%dma_wait3A_997 : memref<80x128xf32, #tpu.memory_space<vmem_shared>>) dst(%dma_wait3A_993 : memref<80x128xf32, #tpu.memory_space<hbm>>)
      %dma_start3A_998 = arith.constant 0 : i32
      %dma_start3A_999 = arith.constant 0 : i32
      %dma_start3A_1000 = arith.constant 0 : i32
      %dma_start3A_1001 = tpu.memref_slice %arg6[%arg1, %dma_start3A_998, %dma_start3A_999, %dma_start3A_1000] : memref<16x4x80x128xf32, #tpu.memory_space<vmem_shared>> -> memref<1x1x80x128xf32, #tpu.memory_space<vmem_shared>>
      %dma_start3A_1002 = tpu.memref_squeeze %dma_start3A_1001 : memref<1x1x80x128xf32, #tpu.memory_space<vmem_shared>> -> memref<80x128xf32, #tpu.memory_space<vmem_shared>>
      %dma_start3A_1003 = arith.constant 0 : i32
      %dma_start3A_1004 = arith.constant 0 : i32
      %dma_start3A_1005 = tpu.memref_slice %arg6[%arg1, %dma_start3A_998, %dma_start3A_1003, %dma_start3A_1004] : memref<16x4x80x128xf32, #tpu.memory_space<vmem_shared>> -> memref<1x1x80x128xf32, #tpu.memory_space<vmem_shared>>
      %dma_start3A_1006 = tpu.memref_squeeze %dma_start3A_1005 : memref<1x1x80x128xf32, #tpu.memory_space<vmem_shared>> -> memref<80x128xf32, #tpu.memory_space<vmem_shared>>
      tpu.enqueue_dma source(%arg11 : memref<80x128xf32, #tpu.memory_space<vmem>>) target(%dma_start3A_1006 : memref<80x128xf32, #tpu.memory_space<vmem_shared>>) target_semaphore(%arg27 : memref<!tpu.dma_semaphore, #tpu.memory_space<semaphore_mem>>)
      %dma_wait3A_1007 = arith.constant 0 : i32
      %dma_wait3A_1008 = arith.constant 0 : i32
      %dma_wait3A_1009 = arith.constant 0 : i32
      %dma_wait3A_1010 = tpu.memref_slice %arg6[%arg1, %dma_wait3A_1007, %dma_wait3A_1008, %dma_wait3A_1009] : memref<16x4x80x128xf32, #tpu.memory_space<vmem_shared>> -> memref<1x1x80x128xf32, #tpu.memory_space<vmem_shared>>
      %dma_wait3A_1011 = tpu.memref_squeeze %dma_wait3A_1010 : memref<1x1x80x128xf32, #tpu.memory_space<vmem_shared>> -> memref<80x128xf32, #tpu.memory_space<vmem_shared>>
      %dma_wait3A_1012 = arith.constant 0 : i32
      %dma_wait3A_1013 = arith.constant 0 : i32
      %dma_wait3A_1014 = tpu.memref_slice %arg6[%arg1, %dma_wait3A_1007, %dma_wait3A_1012, %dma_wait3A_1013] : memref<16x4x80x128xf32, #tpu.memory_space<vmem_shared>> -> memref<1x1x80x128xf32, #tpu.memory_space<vmem_shared>>
      %dma_wait3A_1015 = tpu.memref_squeeze %dma_wait3A_1014 : memref<1x1x80x128xf32, #tpu.memory_space<vmem_shared>> -> memref<80x128xf32, #tpu.memory_space<vmem_shared>>
      tpu.wait_dma2 semaphore(%arg27 : memref<!tpu.dma_semaphore, #tpu.memory_space<semaphore_mem>>) src(%arg11 : memref<80x128xf32, #tpu.memory_space<vmem>>) dst(%dma_wait3A_1015 : memref<80x128xf32, #tpu.memory_space<vmem_shared>>)
      %add3A_1016 = arith.constant 8 : i32
      %add3A_1017 = arith.addi %add3A_979, %add3A_1016 : i32
      %mul3A_1018 = arith.constant 80 : i32
      %mul3A_1019 = arith.muli %add3A_1017, %mul3A_1018 : i32
      %dma_start3A_1020 = tpu.memref_slice %arg5[%mul3A_1019] : memref<6400xi32, #tpu.memory_space<vmem>> -> memref<80xi32, #tpu.memory_space<vmem>>
      %dma_start3A_1021 = arith.constant 0 : i32
      %dma_start3A_1022 = arith.constant 0 : i32
      %dma_start3A_1023 = tpu.memref_slice %arg3[%dma_start3A_1021, %dma_start3A_1022] : memref<100000x128xf32, #tpu.memory_space<hbm>> -> memref<100000x128xf32, #tpu.memory_space<hbm>>
      tpu.enqueue_indirect_dma source(%dma_start3A_1023 : memref<100000x128xf32, #tpu.memory_space<hbm>>) target(%arg11 : memref<80x128xf32, #tpu.memory_space<vmem>>) offsets(%dma_start3A_1020 : memref<80xi32, #tpu.memory_space<vmem>>) semaphore(%arg19 : memref<!tpu.dma_semaphore, #tpu.memory_space<semaphore_mem>>)
      %mul3A_1024 = arith.constant 80 : i32
      %mul3A_1025 = arith.muli %add3A_979, %mul3A_1024 : i32
      %add3A_1026 = arith.addi %mul3A_2, %mul3A_1025 : i32
      %dma_start3A_1027 = arith.constant 0 : i32
      %dma_start3A_1028 = arith.constant 0 : i32
      %dma_start3A_1029 = tpu.memref_slice %arg4[%add3A_1026, %dma_start3A_1028] : memref<204800x128xf32, #tpu.memory_space<hbm>> -> memref<80x128xf32, #tpu.memory_space<hbm>>
      %dma_start3A_1030 = arith.constant 0 : i32
      %dma_start3A_1031 = arith.constant 0 : i32
      %dma_start3A_1032 = tpu.memref_slice %arg6[%arg1, %dma_start3A_1027, %dma_start3A_1030, %dma_start3A_1031] : memref<16x4x80x128xf32, #tpu.memory_space<vmem_shared>> -> memref<1x1x80x128xf32, #tpu.memory_space<vmem_shared>>
      %dma_start3A_1033 = tpu.memref_squeeze %dma_start3A_1032 : memref<1x1x80x128xf32, #tpu.memory_space<vmem_shared>> -> memref<80x128xf32, #tpu.memory_space<vmem_shared>>
      tpu.enqueue_dma source(%dma_start3A_1033 : memref<80x128xf32, #tpu.memory_space<vmem_shared>>) target(%dma_start3A_1029 : memref<80x128xf32, #tpu.memory_space<hbm>>) target_semaphore(%arg31 : memref<!tpu.dma_semaphore, #tpu.memory_space<semaphore_mem>>)
      %mul3A_1034 = arith.constant 8 : i32
      %mul3A_1035 = arith.muli %add3A_744, %mul3A_1034 : i32
      %add3A_1036 = arith.constant 5 : i32
      %add3A_1037 = arith.addi %mul3A_1035, %add3A_1036 : i32
      %mul3A_1038 = arith.constant 80 : i32
      %mul3A_1039 = arith.muli %add3A_1037, %mul3A_1038 : i32
      %dma_wait3A_1040 = tpu.memref_slice %arg5[%mul3A_1039] : memref<6400xi32, #tpu.memory_space<vmem>> -> memref<80xi32, #tpu.memory_space<vmem>>
      %dma_wait3A_1041 = arith.constant 0 : i32
      %dma_wait3A_1042 = arith.constant 0 : i32
      %dma_wait3A_1043 = tpu.memref_slice %arg3[%dma_wait3A_1041, %dma_wait3A_1042] : memref<100000x128xf32, #tpu.memory_space<hbm>> -> memref<100000x128xf32, #tpu.memory_space<hbm>>
      tpu.wait_indirect_dma semaphore(%arg20 : memref<!tpu.dma_semaphore, #tpu.memory_space<semaphore_mem>>) src(%dma_wait3A_1043 : memref<100000x128xf32, #tpu.memory_space<hbm>>) dst(%arg12 : memref<80x128xf32, #tpu.memory_space<vmem>>)
      %sub3A_1044 = arith.constant 4 : i32
      %sub3A_1045 = arith.subi %add3A_1037, %sub3A_1044 : i32
      %mul3A_1046 = arith.constant 80 : i32
      %mul3A_1047 = arith.muli %sub3A_1045, %mul3A_1046 : i32
      %add3A_1048 = arith.addi %mul3A_2, %mul3A_1047 : i32
      %dma_wait3A_1049 = arith.constant 1 : i32
      %dma_wait3A_1050 = arith.constant 0 : i32
      %dma_wait3A_1051 = tpu.memref_slice %arg4[%add3A_1048, %dma_wait3A_1050] : memref<204800x128xf32, #tpu.memory_space<hbm>> -> memref<80x128xf32, #tpu.memory_space<hbm>>
      %dma_wait3A_1052 = arith.constant 0 : i32
      %dma_wait3A_1053 = arith.constant 0 : i32
      %dma_wait3A_1054 = tpu.memref_slice %arg6[%arg1, %dma_wait3A_1049, %dma_wait3A_1052, %dma_wait3A_1053] : memref<16x4x80x128xf32, #tpu.memory_space<vmem_shared>> -> memref<1x1x80x128xf32, #tpu.memory_space<vmem_shared>>
      %dma_wait3A_1055 = tpu.memref_squeeze %dma_wait3A_1054 : memref<1x1x80x128xf32, #tpu.memory_space<vmem_shared>> -> memref<80x128xf32, #tpu.memory_space<vmem_shared>>
      tpu.wait_dma2 semaphore(%arg32 : memref<!tpu.dma_semaphore, #tpu.memory_space<semaphore_mem>>) src(%dma_wait3A_1055 : memref<80x128xf32, #tpu.memory_space<vmem_shared>>) dst(%dma_wait3A_1051 : memref<80x128xf32, #tpu.memory_space<hbm>>)
      %dma_start3A_1056 = arith.constant 1 : i32
      %dma_start3A_1057 = arith.constant 0 : i32
      %dma_start3A_1058 = arith.constant 0 : i32
      %dma_start3A_1059 = tpu.memref_slice %arg6[%arg1, %dma_start3A_1056, %dma_start3A_1057, %dma_start3A_1058] : memref<16x4x80x128xf32, #tpu.memory_space<vmem_shared>> -> memref<1x1x80x128xf32, #tpu.memory_space<vmem_shared>>
      %dma_start3A_1060 = tpu.memref_squeeze %dma_start3A_1059 : memref<1x1x80x128xf32, #tpu.memory_space<vmem_shared>> -> memref<80x128xf32, #tpu.memory_space<vmem_shared>>
      %dma_start3A_1061 = arith.constant 0 : i32
      %dma_start3A_1062 = arith.constant 0 : i32
      %dma_start3A_1063 = tpu.memref_slice %arg6[%arg1, %dma_start3A_1056, %dma_start3A_1061, %dma_start3A_1062] : memref<16x4x80x128xf32, #tpu.memory_space<vmem_shared>> -> memref<1x1x80x128xf32, #tpu.memory_space<vmem_shared>>
      %dma_start3A_1064 = tpu.memref_squeeze %dma_start3A_1063 : memref<1x1x80x128xf32, #tpu.memory_space<vmem_shared>> -> memref<80x128xf32, #tpu.memory_space<vmem_shared>>
      tpu.enqueue_dma source(%arg12 : memref<80x128xf32, #tpu.memory_space<vmem>>) target(%dma_start3A_1064 : memref<80x128xf32, #tpu.memory_space<vmem_shared>>) target_semaphore(%arg28 : memref<!tpu.dma_semaphore, #tpu.memory_space<semaphore_mem>>)
      %dma_wait3A_1065 = arith.constant 1 : i32
      %dma_wait3A_1066 = arith.constant 0 : i32
      %dma_wait3A_1067 = arith.constant 0 : i32
      %dma_wait3A_1068 = tpu.memref_slice %arg6[%arg1, %dma_wait3A_1065, %dma_wait3A_1066, %dma_wait3A_1067] : memref<16x4x80x128xf32, #tpu.memory_space<vmem_shared>> -> memref<1x1x80x128xf32, #tpu.memory_space<vmem_shared>>
      %dma_wait3A_1069 = tpu.memref_squeeze %dma_wait3A_1068 : memref<1x1x80x128xf32, #tpu.memory_space<vmem_shared>> -> memref<80x128xf32, #tpu.memory_space<vmem_shared>>
      %dma_wait3A_1070 = arith.constant 0 : i32
      %dma_wait3A_1071 = arith.constant 0 : i32
      %dma_wait3A_1072 = tpu.memref_slice %arg6[%arg1, %dma_wait3A_1065, %dma_wait3A_1070, %dma_wait3A_1071] : memref<16x4x80x128xf32, #tpu.memory_space<vmem_shared>> -> memref<1x1x80x128xf32, #tpu.memory_space<vmem_shared>>
      %dma_wait3A_1073 = tpu.memref_squeeze %dma_wait3A_1072 : memref<1x1x80x128xf32, #tpu.memory_space<vmem_shared>> -> memref<80x128xf32, #tpu.memory_space<vmem_shared>>
      tpu.wait_dma2 semaphore(%arg28 : memref<!tpu.dma_semaphore, #tpu.memory_space<semaphore_mem>>) src(%arg12 : memref<80x128xf32, #tpu.memory_space<vmem>>) dst(%dma_wait3A_1073 : memref<80x128xf32, #tpu.memory_space<vmem_shared>>)
      %add3A_1074 = arith.constant 8 : i32
      %add3A_1075 = arith.addi %add3A_1037, %add3A_1074 : i32
      %mul3A_1076 = arith.constant 80 : i32
      %mul3A_1077 = arith.muli %add3A_1075, %mul3A_1076 : i32
      %dma_start3A_1078 = tpu.memref_slice %arg5[%mul3A_1077] : memref<6400xi32, #tpu.memory_space<vmem>> -> memref<80xi32, #tpu.memory_space<vmem>>
      %dma_start3A_1079 = arith.constant 0 : i32
      %dma_start3A_1080 = arith.constant 0 : i32
      %dma_start3A_1081 = tpu.memref_slice %arg3[%dma_start3A_1079, %dma_start3A_1080] : memref<100000x128xf32, #tpu.memory_space<hbm>> -> memref<100000x128xf32, #tpu.memory_space<hbm>>
      tpu.enqueue_indirect_dma source(%dma_start3A_1081 : memref<100000x128xf32, #tpu.memory_space<hbm>>) target(%arg12 : memref<80x128xf32, #tpu.memory_space<vmem>>) offsets(%dma_start3A_1078 : memref<80xi32, #tpu.memory_space<vmem>>) semaphore(%arg20 : memref<!tpu.dma_semaphore, #tpu.memory_space<semaphore_mem>>)
      %mul3A_1082 = arith.constant 80 : i32
      %mul3A_1083 = arith.muli %add3A_1037, %mul3A_1082 : i32
      %add3A_1084 = arith.addi %mul3A_2, %mul3A_1083 : i32
      %dma_start3A_1085 = arith.constant 1 : i32
      %dma_start3A_1086 = arith.constant 0 : i32
      %dma_start3A_1087 = tpu.memref_slice %arg4[%add3A_1084, %dma_start3A_1086] : memref<204800x128xf32, #tpu.memory_space<hbm>> -> memref<80x128xf32, #tpu.memory_space<hbm>>
      %dma_start3A_1088 = arith.constant 0 : i32
      %dma_start3A_1089 = arith.constant 0 : i32
      %dma_start3A_1090 = tpu.memref_slice %arg6[%arg1, %dma_start3A_1085, %dma_start3A_1088, %dma_start3A_1089] : memref<16x4x80x128xf32, #tpu.memory_space<vmem_shared>> -> memref<1x1x80x128xf32, #tpu.memory_space<vmem_shared>>
      %dma_start3A_1091 = tpu.memref_squeeze %dma_start3A_1090 : memref<1x1x80x128xf32, #tpu.memory_space<vmem_shared>> -> memref<80x128xf32, #tpu.memory_space<vmem_shared>>
      tpu.enqueue_dma source(%dma_start3A_1091 : memref<80x128xf32, #tpu.memory_space<vmem_shared>>) target(%dma_start3A_1087 : memref<80x128xf32, #tpu.memory_space<hbm>>) target_semaphore(%arg32 : memref<!tpu.dma_semaphore, #tpu.memory_space<semaphore_mem>>)
      %mul3A_1092 = arith.constant 8 : i32
      %mul3A_1093 = arith.muli %add3A_744, %mul3A_1092 : i32
      %add3A_1094 = arith.constant 6 : i32
      %add3A_1095 = arith.addi %mul3A_1093, %add3A_1094 : i32
      %mul3A_1096 = arith.constant 80 : i32
      %mul3A_1097 = arith.muli %add3A_1095, %mul3A_1096 : i32
      %dma_wait3A_1098 = tpu.memref_slice %arg5[%mul3A_1097] : memref<6400xi32, #tpu.memory_space<vmem>> -> memref<80xi32, #tpu.memory_space<vmem>>
      %dma_wait3A_1099 = arith.constant 0 : i32
      %dma_wait3A_1100 = arith.constant 0 : i32
      %dma_wait3A_1101 = tpu.memref_slice %arg3[%dma_wait3A_1099, %dma_wait3A_1100] : memref<100000x128xf32, #tpu.memory_space<hbm>> -> memref<100000x128xf32, #tpu.memory_space<hbm>>
      tpu.wait_indirect_dma semaphore(%arg21 : memref<!tpu.dma_semaphore, #tpu.memory_space<semaphore_mem>>) src(%dma_wait3A_1101 : memref<100000x128xf32, #tpu.memory_space<hbm>>) dst(%arg13 : memref<80x128xf32, #tpu.memory_space<vmem>>)
      %sub3A_1102 = arith.constant 4 : i32
      %sub3A_1103 = arith.subi %add3A_1095, %sub3A_1102 : i32
      %mul3A_1104 = arith.constant 80 : i32
      %mul3A_1105 = arith.muli %sub3A_1103, %mul3A_1104 : i32
      %add3A_1106 = arith.addi %mul3A_2, %mul3A_1105 : i32
      %dma_wait3A_1107 = arith.constant 2 : i32
      %dma_wait3A_1108 = arith.constant 0 : i32
      %dma_wait3A_1109 = tpu.memref_slice %arg4[%add3A_1106, %dma_wait3A_1108] : memref<204800x128xf32, #tpu.memory_space<hbm>> -> memref<80x128xf32, #tpu.memory_space<hbm>>
      %dma_wait3A_1110 = arith.constant 0 : i32
      %dma_wait3A_1111 = arith.constant 0 : i32
      %dma_wait3A_1112 = tpu.memref_slice %arg6[%arg1, %dma_wait3A_1107, %dma_wait3A_1110, %dma_wait3A_1111] : memref<16x4x80x128xf32, #tpu.memory_space<vmem_shared>> -> memref<1x1x80x128xf32, #tpu.memory_space<vmem_shared>>
      %dma_wait3A_1113 = tpu.memref_squeeze %dma_wait3A_1112 : memref<1x1x80x128xf32, #tpu.memory_space<vmem_shared>> -> memref<80x128xf32, #tpu.memory_space<vmem_shared>>
      tpu.wait_dma2 semaphore(%arg33 : memref<!tpu.dma_semaphore, #tpu.memory_space<semaphore_mem>>) src(%dma_wait3A_1113 : memref<80x128xf32, #tpu.memory_space<vmem_shared>>) dst(%dma_wait3A_1109 : memref<80x128xf32, #tpu.memory_space<hbm>>)
      %dma_start3A_1114 = arith.constant 2 : i32
      %dma_start3A_1115 = arith.constant 0 : i32
      %dma_start3A_1116 = arith.constant 0 : i32
      %dma_start3A_1117 = tpu.memref_slice %arg6[%arg1, %dma_start3A_1114, %dma_start3A_1115, %dma_start3A_1116] : memref<16x4x80x128xf32, #tpu.memory_space<vmem_shared>> -> memref<1x1x80x128xf32, #tpu.memory_space<vmem_shared>>
      %dma_start3A_1118 = tpu.memref_squeeze %dma_start3A_1117 : memref<1x1x80x128xf32, #tpu.memory_space<vmem_shared>> -> memref<80x128xf32, #tpu.memory_space<vmem_shared>>
      %dma_start3A_1119 = arith.constant 0 : i32
      %dma_start3A_1120 = arith.constant 0 : i32
      %dma_start3A_1121 = tpu.memref_slice %arg6[%arg1, %dma_start3A_1114, %dma_start3A_1119, %dma_start3A_1120] : memref<16x4x80x128xf32, #tpu.memory_space<vmem_shared>> -> memref<1x1x80x128xf32, #tpu.memory_space<vmem_shared>>
      %dma_start3A_1122 = tpu.memref_squeeze %dma_start3A_1121 : memref<1x1x80x128xf32, #tpu.memory_space<vmem_shared>> -> memref<80x128xf32, #tpu.memory_space<vmem_shared>>
      tpu.enqueue_dma source(%arg13 : memref<80x128xf32, #tpu.memory_space<vmem>>) target(%dma_start3A_1122 : memref<80x128xf32, #tpu.memory_space<vmem_shared>>) target_semaphore(%arg29 : memref<!tpu.dma_semaphore, #tpu.memory_space<semaphore_mem>>)
      %dma_wait3A_1123 = arith.constant 2 : i32
      %dma_wait3A_1124 = arith.constant 0 : i32
      %dma_wait3A_1125 = arith.constant 0 : i32
      %dma_wait3A_1126 = tpu.memref_slice %arg6[%arg1, %dma_wait3A_1123, %dma_wait3A_1124, %dma_wait3A_1125] : memref<16x4x80x128xf32, #tpu.memory_space<vmem_shared>> -> memref<1x1x80x128xf32, #tpu.memory_space<vmem_shared>>
      %dma_wait3A_1127 = tpu.memref_squeeze %dma_wait3A_1126 : memref<1x1x80x128xf32, #tpu.memory_space<vmem_shared>> -> memref<80x128xf32, #tpu.memory_space<vmem_shared>>
      %dma_wait3A_1128 = arith.constant 0 : i32
      %dma_wait3A_1129 = arith.constant 0 : i32
      %dma_wait3A_1130 = tpu.memref_slice %arg6[%arg1, %dma_wait3A_1123, %dma_wait3A_1128, %dma_wait3A_1129] : memref<16x4x80x128xf32, #tpu.memory_space<vmem_shared>> -> memref<1x1x80x128xf32, #tpu.memory_space<vmem_shared>>
      %dma_wait3A_1131 = tpu.memref_squeeze %dma_wait3A_1130 : memref<1x1x80x128xf32, #tpu.memory_space<vmem_shared>> -> memref<80x128xf32, #tpu.memory_space<vmem_shared>>
      tpu.wait_dma2 semaphore(%arg29 : memref<!tpu.dma_semaphore, #tpu.memory_space<semaphore_mem>>) src(%arg13 : memref<80x128xf32, #tpu.memory_space<vmem>>) dst(%dma_wait3A_1131 : memref<80x128xf32, #tpu.memory_space<vmem_shared>>)
      %add3A_1132 = arith.constant 8 : i32
      %add3A_1133 = arith.addi %add3A_1095, %add3A_1132 : i32
      %mul3A_1134 = arith.constant 80 : i32
      %mul3A_1135 = arith.muli %add3A_1133, %mul3A_1134 : i32
      %dma_start3A_1136 = tpu.memref_slice %arg5[%mul3A_1135] : memref<6400xi32, #tpu.memory_space<vmem>> -> memref<80xi32, #tpu.memory_space<vmem>>
      %dma_start3A_1137 = arith.constant 0 : i32
      %dma_start3A_1138 = arith.constant 0 : i32
      %dma_start3A_1139 = tpu.memref_slice %arg3[%dma_start3A_1137, %dma_start3A_1138] : memref<100000x128xf32, #tpu.memory_space<hbm>> -> memref<100000x128xf32, #tpu.memory_space<hbm>>
      tpu.enqueue_indirect_dma source(%dma_start3A_1139 : memref<100000x128xf32, #tpu.memory_space<hbm>>) target(%arg13 : memref<80x128xf32, #tpu.memory_space<vmem>>) offsets(%dma_start3A_1136 : memref<80xi32, #tpu.memory_space<vmem>>) semaphore(%arg21 : memref<!tpu.dma_semaphore, #tpu.memory_space<semaphore_mem>>)
      %mul3A_1140 = arith.constant 80 : i32
      %mul3A_1141 = arith.muli %add3A_1095, %mul3A_1140 : i32
      %add3A_1142 = arith.addi %mul3A_2, %mul3A_1141 : i32
      %dma_start3A_1143 = arith.constant 2 : i32
      %dma_start3A_1144 = arith.constant 0 : i32
      %dma_start3A_1145 = tpu.memref_slice %arg4[%add3A_1142, %dma_start3A_1144] : memref<204800x128xf32, #tpu.memory_space<hbm>> -> memref<80x128xf32, #tpu.memory_space<hbm>>
      %dma_start3A_1146 = arith.constant 0 : i32
      %dma_start3A_1147 = arith.constant 0 : i32
      %dma_start3A_1148 = tpu.memref_slice %arg6[%arg1, %dma_start3A_1143, %dma_start3A_1146, %dma_start3A_1147] : memref<16x4x80x128xf32, #tpu.memory_space<vmem_shared>> -> memref<1x1x80x128xf32, #tpu.memory_space<vmem_shared>>
      %dma_start3A_1149 = tpu.memref_squeeze %dma_start3A_1148 : memref<1x1x80x128xf32, #tpu.memory_space<vmem_shared>> -> memref<80x128xf32, #tpu.memory_space<vmem_shared>>
      tpu.enqueue_dma source(%dma_start3A_1149 : memref<80x128xf32, #tpu.memory_space<vmem_shared>>) target(%dma_start3A_1145 : memref<80x128xf32, #tpu.memory_space<hbm>>) target_semaphore(%arg33 : memref<!tpu.dma_semaphore, #tpu.memory_space<semaphore_mem>>)
      %mul3A_1150 = arith.constant 8 : i32
      %mul3A_1151 = arith.muli %add3A_744, %mul3A_1150 : i32
      %add3A_1152 = arith.constant 7 : i32
      %add3A_1153 = arith.addi %mul3A_1151, %add3A_1152 : i32
      %mul3A_1154 = arith.constant 80 : i32
      %mul3A_1155 = arith.muli %add3A_1153, %mul3A_1154 : i32
      %dma_wait3A_1156 = tpu.memref_slice %arg5[%mul3A_1155] : memref<6400xi32, #tpu.memory_space<vmem>> -> memref<80xi32, #tpu.memory_space<vmem>>
      %dma_wait3A_1157 = arith.constant 0 : i32
      %dma_wait3A_1158 = arith.constant 0 : i32
      %dma_wait3A_1159 = tpu.memref_slice %arg3[%dma_wait3A_1157, %dma_wait3A_1158] : memref<100000x128xf32, #tpu.memory_space<hbm>> -> memref<100000x128xf32, #tpu.memory_space<hbm>>
      tpu.wait_indirect_dma semaphore(%arg22 : memref<!tpu.dma_semaphore, #tpu.memory_space<semaphore_mem>>) src(%dma_wait3A_1159 : memref<100000x128xf32, #tpu.memory_space<hbm>>) dst(%arg14 : memref<80x128xf32, #tpu.memory_space<vmem>>)
      %sub3A_1160 = arith.constant 4 : i32
      %sub3A_1161 = arith.subi %add3A_1153, %sub3A_1160 : i32
      %mul3A_1162 = arith.constant 80 : i32
      %mul3A_1163 = arith.muli %sub3A_1161, %mul3A_1162 : i32
      %add3A_1164 = arith.addi %mul3A_2, %mul3A_1163 : i32
      %dma_wait3A_1165 = arith.constant 3 : i32
      %dma_wait3A_1166 = arith.constant 0 : i32
      %dma_wait3A_1167 = tpu.memref_slice %arg4[%add3A_1164, %dma_wait3A_1166] : memref<204800x128xf32, #tpu.memory_space<hbm>> -> memref<80x128xf32, #tpu.memory_space<hbm>>
      %dma_wait3A_1168 = arith.constant 0 : i32
      %dma_wait3A_1169 = arith.constant 0 : i32
      %dma_wait3A_1170 = tpu.memref_slice %arg6[%arg1, %dma_wait3A_1165, %dma_wait3A_1168, %dma_wait3A_1169] : memref<16x4x80x128xf32, #tpu.memory_space<vmem_shared>> -> memref<1x1x80x128xf32, #tpu.memory_space<vmem_shared>>
      %dma_wait3A_1171 = tpu.memref_squeeze %dma_wait3A_1170 : memref<1x1x80x128xf32, #tpu.memory_space<vmem_shared>> -> memref<80x128xf32, #tpu.memory_space<vmem_shared>>
      tpu.wait_dma2 semaphore(%arg34 : memref<!tpu.dma_semaphore, #tpu.memory_space<semaphore_mem>>) src(%dma_wait3A_1171 : memref<80x128xf32, #tpu.memory_space<vmem_shared>>) dst(%dma_wait3A_1167 : memref<80x128xf32, #tpu.memory_space<hbm>>)
      %dma_start3A_1172 = arith.constant 3 : i32
      %dma_start3A_1173 = arith.constant 0 : i32
      %dma_start3A_1174 = arith.constant 0 : i32
      %dma_start3A_1175 = tpu.memref_slice %arg6[%arg1, %dma_start3A_1172, %dma_start3A_1173, %dma_start3A_1174] : memref<16x4x80x128xf32, #tpu.memory_space<vmem_shared>> -> memref<1x1x80x128xf32, #tpu.memory_space<vmem_shared>>
      %dma_start3A_1176 = tpu.memref_squeeze %dma_start3A_1175 : memref<1x1x80x128xf32, #tpu.memory_space<vmem_shared>> -> memref<80x128xf32, #tpu.memory_space<vmem_shared>>
      %dma_start3A_1177 = arith.constant 0 : i32
      %dma_start3A_1178 = arith.constant 0 : i32
      %dma_start3A_1179 = tpu.memref_slice %arg6[%arg1, %dma_start3A_1172, %dma_start3A_1177, %dma_start3A_1178] : memref<16x4x80x128xf32, #tpu.memory_space<vmem_shared>> -> memref<1x1x80x128xf32, #tpu.memory_space<vmem_shared>>
      %dma_start3A_1180 = tpu.memref_squeeze %dma_start3A_1179 : memref<1x1x80x128xf32, #tpu.memory_space<vmem_shared>> -> memref<80x128xf32, #tpu.memory_space<vmem_shared>>
      tpu.enqueue_dma source(%arg14 : memref<80x128xf32, #tpu.memory_space<vmem>>) target(%dma_start3A_1180 : memref<80x128xf32, #tpu.memory_space<vmem_shared>>) target_semaphore(%arg30 : memref<!tpu.dma_semaphore, #tpu.memory_space<semaphore_mem>>)
      %dma_wait3A_1181 = arith.constant 3 : i32
      %dma_wait3A_1182 = arith.constant 0 : i32
      %dma_wait3A_1183 = arith.constant 0 : i32
      %dma_wait3A_1184 = tpu.memref_slice %arg6[%arg1, %dma_wait3A_1181, %dma_wait3A_1182, %dma_wait3A_1183] : memref<16x4x80x128xf32, #tpu.memory_space<vmem_shared>> -> memref<1x1x80x128xf32, #tpu.memory_space<vmem_shared>>
      %dma_wait3A_1185 = tpu.memref_squeeze %dma_wait3A_1184 : memref<1x1x80x128xf32, #tpu.memory_space<vmem_shared>> -> memref<80x128xf32, #tpu.memory_space<vmem_shared>>
      %dma_wait3A_1186 = arith.constant 0 : i32
      %dma_wait3A_1187 = arith.constant 0 : i32
      %dma_wait3A_1188 = tpu.memref_slice %arg6[%arg1, %dma_wait3A_1181, %dma_wait3A_1186, %dma_wait3A_1187] : memref<16x4x80x128xf32, #tpu.memory_space<vmem_shared>> -> memref<1x1x80x128xf32, #tpu.memory_space<vmem_shared>>
      %dma_wait3A_1189 = tpu.memref_squeeze %dma_wait3A_1188 : memref<1x1x80x128xf32, #tpu.memory_space<vmem_shared>> -> memref<80x128xf32, #tpu.memory_space<vmem_shared>>
      tpu.wait_dma2 semaphore(%arg30 : memref<!tpu.dma_semaphore, #tpu.memory_space<semaphore_mem>>) src(%arg14 : memref<80x128xf32, #tpu.memory_space<vmem>>) dst(%dma_wait3A_1189 : memref<80x128xf32, #tpu.memory_space<vmem_shared>>)
      %add3A_1190 = arith.constant 8 : i32
      %add3A_1191 = arith.addi %add3A_1153, %add3A_1190 : i32
      %mul3A_1192 = arith.constant 80 : i32
      %mul3A_1193 = arith.muli %add3A_1191, %mul3A_1192 : i32
      %dma_start3A_1194 = tpu.memref_slice %arg5[%mul3A_1193] : memref<6400xi32, #tpu.memory_space<vmem>> -> memref<80xi32, #tpu.memory_space<vmem>>
      %dma_start3A_1195 = arith.constant 0 : i32
      %dma_start3A_1196 = arith.constant 0 : i32
      %dma_start3A_1197 = tpu.memref_slice %arg3[%dma_start3A_1195, %dma_start3A_1196] : memref<100000x128xf32, #tpu.memory_space<hbm>> -> memref<100000x128xf32, #tpu.memory_space<hbm>>
      tpu.enqueue_indirect_dma source(%dma_start3A_1197 : memref<100000x128xf32, #tpu.memory_space<hbm>>) target(%arg14 : memref<80x128xf32, #tpu.memory_space<vmem>>) offsets(%dma_start3A_1194 : memref<80xi32, #tpu.memory_space<vmem>>) semaphore(%arg22 : memref<!tpu.dma_semaphore, #tpu.memory_space<semaphore_mem>>)
      %mul3A_1198 = arith.constant 80 : i32
      %mul3A_1199 = arith.muli %add3A_1153, %mul3A_1198 : i32
      %add3A_1200 = arith.addi %mul3A_2, %mul3A_1199 : i32
      %dma_start3A_1201 = arith.constant 3 : i32
      %dma_start3A_1202 = arith.constant 0 : i32
      %dma_start3A_1203 = tpu.memref_slice %arg4[%add3A_1200, %dma_start3A_1202] : memref<204800x128xf32, #tpu.memory_space<hbm>> -> memref<80x128xf32, #tpu.memory_space<hbm>>
      %dma_start3A_1204 = arith.constant 0 : i32
      %dma_start3A_1205 = arith.constant 0 : i32
      %dma_start3A_1206 = tpu.memref_slice %arg6[%arg1, %dma_start3A_1201, %dma_start3A_1204, %dma_start3A_1205] : memref<16x4x80x128xf32, #tpu.memory_space<vmem_shared>> -> memref<1x1x80x128xf32, #tpu.memory_space<vmem_shared>>
      %dma_start3A_1207 = tpu.memref_squeeze %dma_start3A_1206 : memref<1x1x80x128xf32, #tpu.memory_space<vmem_shared>> -> memref<80x128xf32, #tpu.memory_space<vmem_shared>>
      tpu.enqueue_dma source(%dma_start3A_1207 : memref<80x128xf32, #tpu.memory_space<vmem_shared>>) target(%dma_start3A_1203 : memref<80x128xf32, #tpu.memory_space<hbm>>) target_semaphore(%arg34 : memref<!tpu.dma_semaphore, #tpu.memory_space<semaphore_mem>>)
    }
    %scan3A_377 = arith.constant 8 : i32
    %dma_wait3A_378 = arith.constant 5760 : i32
    %dma_wait3A_379 = tpu.memref_slice %arg5[%dma_wait3A_378] : memref<6400xi32, #tpu.memory_space<vmem>> -> memref<80xi32, #tpu.memory_space<vmem>>
    %dma_wait3A_380 = arith.constant 0 : i32
    %dma_wait3A_381 = arith.constant 0 : i32
    %dma_wait3A_382 = tpu.memref_slice %arg3[%dma_wait3A_380, %dma_wait3A_381] : memref<100000x128xf32, #tpu.memory_space<hbm>> -> memref<100000x128xf32, #tpu.memory_space<hbm>>
    tpu.wait_indirect_dma semaphore(%arg15 : memref<!tpu.dma_semaphore, #tpu.memory_space<semaphore_mem>>) src(%dma_wait3A_382 : memref<100000x128xf32, #tpu.memory_space<hbm>>) dst(%arg7 : memref<80x128xf32, #tpu.memory_space<vmem>>)
    %add3A_383 = arith.constant 5440 : i32
    %add3A_384 = arith.addi %mul3A_2, %add3A_383 : i32
    %dma_wait3A_385 = arith.constant 0 : i32
    %dma_wait3A_386 = arith.constant 0 : i32
    %dma_wait3A_387 = tpu.memref_slice %arg4[%add3A_384, %dma_wait3A_386] : memref<204800x128xf32, #tpu.memory_space<hbm>> -> memref<80x128xf32, #tpu.memory_space<hbm>>
    %dma_wait3A_388 = arith.constant 0 : i32
    %dma_wait3A_389 = arith.constant 0 : i32
    %dma_wait3A_390 = tpu.memref_slice %arg6[%arg1, %dma_wait3A_385, %dma_wait3A_388, %dma_wait3A_389] : memref<16x4x80x128xf32, #tpu.memory_space<vmem_shared>> -> memref<1x1x80x128xf32, #tpu.memory_space<vmem_shared>>
    %dma_wait3A_391 = tpu.memref_squeeze %dma_wait3A_390 : memref<1x1x80x128xf32, #tpu.memory_space<vmem_shared>> -> memref<80x128xf32, #tpu.memory_space<vmem_shared>>
    tpu.wait_dma2 semaphore(%arg31 : memref<!tpu.dma_semaphore, #tpu.memory_space<semaphore_mem>>) src(%dma_wait3A_391 : memref<80x128xf32, #tpu.memory_space<vmem_shared>>) dst(%dma_wait3A_387 : memref<80x128xf32, #tpu.memory_space<hbm>>)
    %dma_start3A_392 = arith.constant 0 : i32
    %dma_start3A_393 = arith.constant 0 : i32
    %dma_start3A_394 = arith.constant 0 : i32
    %dma_start3A_395 = tpu.memref_slice %arg6[%arg1, %dma_start3A_392, %dma_start3A_393, %dma_start3A_394] : memref<16x4x80x128xf32, #tpu.memory_space<vmem_shared>> -> memref<1x1x80x128xf32, #tpu.memory_space<vmem_shared>>
    %dma_start3A_396 = tpu.memref_squeeze %dma_start3A_395 : memref<1x1x80x128xf32, #tpu.memory_space<vmem_shared>> -> memref<80x128xf32, #tpu.memory_space<vmem_shared>>
    %dma_start3A_397 = arith.constant 0 : i32
    %dma_start3A_398 = arith.constant 0 : i32
    %dma_start3A_399 = tpu.memref_slice %arg6[%arg1, %dma_start3A_392, %dma_start3A_397, %dma_start3A_398] : memref<16x4x80x128xf32, #tpu.memory_space<vmem_shared>> -> memref<1x1x80x128xf32, #tpu.memory_space<vmem_shared>>
    %dma_start3A_400 = tpu.memref_squeeze %dma_start3A_399 : memref<1x1x80x128xf32, #tpu.memory_space<vmem_shared>> -> memref<80x128xf32, #tpu.memory_space<vmem_shared>>
    tpu.enqueue_dma source(%arg7 : memref<80x128xf32, #tpu.memory_space<vmem>>) target(%dma_start3A_400 : memref<80x128xf32, #tpu.memory_space<vmem_shared>>) target_semaphore(%arg23 : memref<!tpu.dma_semaphore, #tpu.memory_space<semaphore_mem>>)
    %dma_wait3A_401 = arith.constant 0 : i32
    %dma_wait3A_402 = arith.constant 0 : i32
    %dma_wait3A_403 = arith.constant 0 : i32
    %dma_wait3A_404 = tpu.memref_slice %arg6[%arg1, %dma_wait3A_401, %dma_wait3A_402, %dma_wait3A_403] : memref<16x4x80x128xf32, #tpu.memory_space<vmem_shared>> -> memref<1x1x80x128xf32, #tpu.memory_space<vmem_shared>>
    %dma_wait3A_405 = tpu.memref_squeeze %dma_wait3A_404 : memref<1x1x80x128xf32, #tpu.memory_space<vmem_shared>> -> memref<80x128xf32, #tpu.memory_space<vmem_shared>>
    %dma_wait3A_406 = arith.constant 0 : i32
    %dma_wait3A_407 = arith.constant 0 : i32
    %dma_wait3A_408 = tpu.memref_slice %arg6[%arg1, %dma_wait3A_401, %dma_wait3A_406, %dma_wait3A_407] : memref<16x4x80x128xf32, #tpu.memory_space<vmem_shared>> -> memref<1x1x80x128xf32, #tpu.memory_space<vmem_shared>>
    %dma_wait3A_409 = tpu.memref_squeeze %dma_wait3A_408 : memref<1x1x80x128xf32, #tpu.memory_space<vmem_shared>> -> memref<80x128xf32, #tpu.memory_space<vmem_shared>>
    tpu.wait_dma2 semaphore(%arg23 : memref<!tpu.dma_semaphore, #tpu.memory_space<semaphore_mem>>) src(%arg7 : memref<80x128xf32, #tpu.memory_space<vmem>>) dst(%dma_wait3A_409 : memref<80x128xf32, #tpu.memory_space<vmem_shared>>)
    %add3A_410 = arith.constant 5760 : i32
    %add3A_411 = arith.addi %mul3A_2, %add3A_410 : i32
    %dma_start3A_412 = arith.constant 0 : i32
    %dma_start3A_413 = arith.constant 0 : i32
    %dma_start3A_414 = tpu.memref_slice %arg4[%add3A_411, %dma_start3A_413] : memref<204800x128xf32, #tpu.memory_space<hbm>> -> memref<80x128xf32, #tpu.memory_space<hbm>>
    %dma_start3A_415 = arith.constant 0 : i32
    %dma_start3A_416 = arith.constant 0 : i32
    %dma_start3A_417 = tpu.memref_slice %arg6[%arg1, %dma_start3A_412, %dma_start3A_415, %dma_start3A_416] : memref<16x4x80x128xf32, #tpu.memory_space<vmem_shared>> -> memref<1x1x80x128xf32, #tpu.memory_space<vmem_shared>>
    %dma_start3A_418 = tpu.memref_squeeze %dma_start3A_417 : memref<1x1x80x128xf32, #tpu.memory_space<vmem_shared>> -> memref<80x128xf32, #tpu.memory_space<vmem_shared>>
    tpu.enqueue_dma source(%dma_start3A_418 : memref<80x128xf32, #tpu.memory_space<vmem_shared>>) target(%dma_start3A_414 : memref<80x128xf32, #tpu.memory_space<hbm>>) target_semaphore(%arg31 : memref<!tpu.dma_semaphore, #tpu.memory_space<semaphore_mem>>)
    %dma_wait3A_419 = arith.constant 5840 : i32
    %dma_wait3A_420 = tpu.memref_slice %arg5[%dma_wait3A_419] : memref<6400xi32, #tpu.memory_space<vmem>> -> memref<80xi32, #tpu.memory_space<vmem>>
    %dma_wait3A_421 = arith.constant 0 : i32
    %dma_wait3A_422 = arith.constant 0 : i32
    %dma_wait3A_423 = tpu.memref_slice %arg3[%dma_wait3A_421, %dma_wait3A_422] : memref<100000x128xf32, #tpu.memory_space<hbm>> -> memref<100000x128xf32, #tpu.memory_space<hbm>>
    tpu.wait_indirect_dma semaphore(%arg16 : memref<!tpu.dma_semaphore, #tpu.memory_space<semaphore_mem>>) src(%dma_wait3A_423 : memref<100000x128xf32, #tpu.memory_space<hbm>>) dst(%arg8 : memref<80x128xf32, #tpu.memory_space<vmem>>)
    %add3A_424 = arith.constant 5520 : i32
    %add3A_425 = arith.addi %mul3A_2, %add3A_424 : i32
    %dma_wait3A_426 = arith.constant 1 : i32
    %dma_wait3A_427 = arith.constant 0 : i32
    %dma_wait3A_428 = tpu.memref_slice %arg4[%add3A_425, %dma_wait3A_427] : memref<204800x128xf32, #tpu.memory_space<hbm>> -> memref<80x128xf32, #tpu.memory_space<hbm>>
    %dma_wait3A_429 = arith.constant 0 : i32
    %dma_wait3A_430 = arith.constant 0 : i32
    %dma_wait3A_431 = tpu.memref_slice %arg6[%arg1, %dma_wait3A_426, %dma_wait3A_429, %dma_wait3A_430] : memref<16x4x80x128xf32, #tpu.memory_space<vmem_shared>> -> memref<1x1x80x128xf32, #tpu.memory_space<vmem_shared>>
    %dma_wait3A_432 = tpu.memref_squeeze %dma_wait3A_431 : memref<1x1x80x128xf32, #tpu.memory_space<vmem_shared>> -> memref<80x128xf32, #tpu.memory_space<vmem_shared>>
    tpu.wait_dma2 semaphore(%arg32 : memref<!tpu.dma_semaphore, #tpu.memory_space<semaphore_mem>>) src(%dma_wait3A_432 : memref<80x128xf32, #tpu.memory_space<vmem_shared>>) dst(%dma_wait3A_428 : memref<80x128xf32, #tpu.memory_space<hbm>>)
    %dma_start3A_433 = arith.constant 1 : i32
    %dma_start3A_434 = arith.constant 0 : i32
    %dma_start3A_435 = arith.constant 0 : i32
    %dma_start3A_436 = tpu.memref_slice %arg6[%arg1, %dma_start3A_433, %dma_start3A_434, %dma_start3A_435] : memref<16x4x80x128xf32, #tpu.memory_space<vmem_shared>> -> memref<1x1x80x128xf32, #tpu.memory_space<vmem_shared>>
    %dma_start3A_437 = tpu.memref_squeeze %dma_start3A_436 : memref<1x1x80x128xf32, #tpu.memory_space<vmem_shared>> -> memref<80x128xf32, #tpu.memory_space<vmem_shared>>
    %dma_start3A_438 = arith.constant 0 : i32
    %dma_start3A_439 = arith.constant 0 : i32
    %dma_start3A_440 = tpu.memref_slice %arg6[%arg1, %dma_start3A_433, %dma_start3A_438, %dma_start3A_439] : memref<16x4x80x128xf32, #tpu.memory_space<vmem_shared>> -> memref<1x1x80x128xf32, #tpu.memory_space<vmem_shared>>
    %dma_start3A_441 = tpu.memref_squeeze %dma_start3A_440 : memref<1x1x80x128xf32, #tpu.memory_space<vmem_shared>> -> memref<80x128xf32, #tpu.memory_space<vmem_shared>>
    tpu.enqueue_dma source(%arg8 : memref<80x128xf32, #tpu.memory_space<vmem>>) target(%dma_start3A_441 : memref<80x128xf32, #tpu.memory_space<vmem_shared>>) target_semaphore(%arg24 : memref<!tpu.dma_semaphore, #tpu.memory_space<semaphore_mem>>)
    %dma_wait3A_442 = arith.constant 1 : i32
    %dma_wait3A_443 = arith.constant 0 : i32
    %dma_wait3A_444 = arith.constant 0 : i32
    %dma_wait3A_445 = tpu.memref_slice %arg6[%arg1, %dma_wait3A_442, %dma_wait3A_443, %dma_wait3A_444] : memref<16x4x80x128xf32, #tpu.memory_space<vmem_shared>> -> memref<1x1x80x128xf32, #tpu.memory_space<vmem_shared>>
    %dma_wait3A_446 = tpu.memref_squeeze %dma_wait3A_445 : memref<1x1x80x128xf32, #tpu.memory_space<vmem_shared>> -> memref<80x128xf32, #tpu.memory_space<vmem_shared>>
    %dma_wait3A_447 = arith.constant 0 : i32
    %dma_wait3A_448 = arith.constant 0 : i32
    %dma_wait3A_449 = tpu.memref_slice %arg6[%arg1, %dma_wait3A_442, %dma_wait3A_447, %dma_wait3A_448] : memref<16x4x80x128xf32, #tpu.memory_space<vmem_shared>> -> memref<1x1x80x128xf32, #tpu.memory_space<vmem_shared>>
    %dma_wait3A_450 = tpu.memref_squeeze %dma_wait3A_449 : memref<1x1x80x128xf32, #tpu.memory_space<vmem_shared>> -> memref<80x128xf32, #tpu.memory_space<vmem_shared>>
    tpu.wait_dma2 semaphore(%arg24 : memref<!tpu.dma_semaphore, #tpu.memory_space<semaphore_mem>>) src(%arg8 : memref<80x128xf32, #tpu.memory_space<vmem>>) dst(%dma_wait3A_450 : memref<80x128xf32, #tpu.memory_space<vmem_shared>>)
    %add3A_451 = arith.constant 5840 : i32
    %add3A_452 = arith.addi %mul3A_2, %add3A_451 : i32
    %dma_start3A_453 = arith.constant 1 : i32
    %dma_start3A_454 = arith.constant 0 : i32
    %dma_start3A_455 = tpu.memref_slice %arg4[%add3A_452, %dma_start3A_454] : memref<204800x128xf32, #tpu.memory_space<hbm>> -> memref<80x128xf32, #tpu.memory_space<hbm>>
    %dma_start3A_456 = arith.constant 0 : i32
    %dma_start3A_457 = arith.constant 0 : i32
    %dma_start3A_458 = tpu.memref_slice %arg6[%arg1, %dma_start3A_453, %dma_start3A_456, %dma_start3A_457] : memref<16x4x80x128xf32, #tpu.memory_space<vmem_shared>> -> memref<1x1x80x128xf32, #tpu.memory_space<vmem_shared>>
    %dma_start3A_459 = tpu.memref_squeeze %dma_start3A_458 : memref<1x1x80x128xf32, #tpu.memory_space<vmem_shared>> -> memref<80x128xf32, #tpu.memory_space<vmem_shared>>
    tpu.enqueue_dma source(%dma_start3A_459 : memref<80x128xf32, #tpu.memory_space<vmem_shared>>) target(%dma_start3A_455 : memref<80x128xf32, #tpu.memory_space<hbm>>) target_semaphore(%arg32 : memref<!tpu.dma_semaphore, #tpu.memory_space<semaphore_mem>>)
    %dma_wait3A_460 = arith.constant 5920 : i32
    %dma_wait3A_461 = tpu.memref_slice %arg5[%dma_wait3A_460] : memref<6400xi32, #tpu.memory_space<vmem>> -> memref<80xi32, #tpu.memory_space<vmem>>
    %dma_wait3A_462 = arith.constant 0 : i32
    %dma_wait3A_463 = arith.constant 0 : i32
    %dma_wait3A_464 = tpu.memref_slice %arg3[%dma_wait3A_462, %dma_wait3A_463] : memref<100000x128xf32, #tpu.memory_space<hbm>> -> memref<100000x128xf32, #tpu.memory_space<hbm>>
    tpu.wait_indirect_dma semaphore(%arg17 : memref<!tpu.dma_semaphore, #tpu.memory_space<semaphore_mem>>) src(%dma_wait3A_464 : memref<100000x128xf32, #tpu.memory_space<hbm>>) dst(%arg9 : memref<80x128xf32, #tpu.memory_space<vmem>>)
    %add3A_465 = arith.constant 5600 : i32
    %add3A_466 = arith.addi %mul3A_2, %add3A_465 : i32
    %dma_wait3A_467 = arith.constant 2 : i32
    %dma_wait3A_468 = arith.constant 0 : i32
    %dma_wait3A_469 = tpu.memref_slice %arg4[%add3A_466, %dma_wait3A_468] : memref<204800x128xf32, #tpu.memory_space<hbm>> -> memref<80x128xf32, #tpu.memory_space<hbm>>
    %dma_wait3A_470 = arith.constant 0 : i32
    %dma_wait3A_471 = arith.constant 0 : i32
    %dma_wait3A_472 = tpu.memref_slice %arg6[%arg1, %dma_wait3A_467, %dma_wait3A_470, %dma_wait3A_471] : memref<16x4x80x128xf32, #tpu.memory_space<vmem_shared>> -> memref<1x1x80x128xf32, #tpu.memory_space<vmem_shared>>
    %dma_wait3A_473 = tpu.memref_squeeze %dma_wait3A_472 : memref<1x1x80x128xf32, #tpu.memory_space<vmem_shared>> -> memref<80x128xf32, #tpu.memory_space<vmem_shared>>
    tpu.wait_dma2 semaphore(%arg33 : memref<!tpu.dma_semaphore, #tpu.memory_space<semaphore_mem>>) src(%dma_wait3A_473 : memref<80x128xf32, #tpu.memory_space<vmem_shared>>) dst(%dma_wait3A_469 : memref<80x128xf32, #tpu.memory_space<hbm>>)
    %dma_start3A_474 = arith.constant 2 : i32
    %dma_start3A_475 = arith.constant 0 : i32
    %dma_start3A_476 = arith.constant 0 : i32
    %dma_start3A_477 = tpu.memref_slice %arg6[%arg1, %dma_start3A_474, %dma_start3A_475, %dma_start3A_476] : memref<16x4x80x128xf32, #tpu.memory_space<vmem_shared>> -> memref<1x1x80x128xf32, #tpu.memory_space<vmem_shared>>
    %dma_start3A_478 = tpu.memref_squeeze %dma_start3A_477 : memref<1x1x80x128xf32, #tpu.memory_space<vmem_shared>> -> memref<80x128xf32, #tpu.memory_space<vmem_shared>>
    %dma_start3A_479 = arith.constant 0 : i32
    %dma_start3A_480 = arith.constant 0 : i32
    %dma_start3A_481 = tpu.memref_slice %arg6[%arg1, %dma_start3A_474, %dma_start3A_479, %dma_start3A_480] : memref<16x4x80x128xf32, #tpu.memory_space<vmem_shared>> -> memref<1x1x80x128xf32, #tpu.memory_space<vmem_shared>>
    %dma_start3A_482 = tpu.memref_squeeze %dma_start3A_481 : memref<1x1x80x128xf32, #tpu.memory_space<vmem_shared>> -> memref<80x128xf32, #tpu.memory_space<vmem_shared>>
    tpu.enqueue_dma source(%arg9 : memref<80x128xf32, #tpu.memory_space<vmem>>) target(%dma_start3A_482 : memref<80x128xf32, #tpu.memory_space<vmem_shared>>) target_semaphore(%arg25 : memref<!tpu.dma_semaphore, #tpu.memory_space<semaphore_mem>>)
    %dma_wait3A_483 = arith.constant 2 : i32
    %dma_wait3A_484 = arith.constant 0 : i32
    %dma_wait3A_485 = arith.constant 0 : i32
    %dma_wait3A_486 = tpu.memref_slice %arg6[%arg1, %dma_wait3A_483, %dma_wait3A_484, %dma_wait3A_485] : memref<16x4x80x128xf32, #tpu.memory_space<vmem_shared>> -> memref<1x1x80x128xf32, #tpu.memory_space<vmem_shared>>
    %dma_wait3A_487 = tpu.memref_squeeze %dma_wait3A_486 : memref<1x1x80x128xf32, #tpu.memory_space<vmem_shared>> -> memref<80x128xf32, #tpu.memory_space<vmem_shared>>
    %dma_wait3A_488 = arith.constant 0 : i32
    %dma_wait3A_489 = arith.constant 0 : i32
    %dma_wait3A_490 = tpu.memref_slice %arg6[%arg1, %dma_wait3A_483, %dma_wait3A_488, %dma_wait3A_489] : memref<16x4x80x128xf32, #tpu.memory_space<vmem_shared>> -> memref<1x1x80x128xf32, #tpu.memory_space<vmem_shared>>
    %dma_wait3A_491 = tpu.memref_squeeze %dma_wait3A_490 : memref<1x1x80x128xf32, #tpu.memory_space<vmem_shared>> -> memref<80x128xf32, #tpu.memory_space<vmem_shared>>
    tpu.wait_dma2 semaphore(%arg25 : memref<!tpu.dma_semaphore, #tpu.memory_space<semaphore_mem>>) src(%arg9 : memref<80x128xf32, #tpu.memory_space<vmem>>) dst(%dma_wait3A_491 : memref<80x128xf32, #tpu.memory_space<vmem_shared>>)
    %add3A_492 = arith.constant 5920 : i32
    %add3A_493 = arith.addi %mul3A_2, %add3A_492 : i32
    %dma_start3A_494 = arith.constant 2 : i32
    %dma_start3A_495 = arith.constant 0 : i32
    %dma_start3A_496 = tpu.memref_slice %arg4[%add3A_493, %dma_start3A_495] : memref<204800x128xf32, #tpu.memory_space<hbm>> -> memref<80x128xf32, #tpu.memory_space<hbm>>
    %dma_start3A_497 = arith.constant 0 : i32
    %dma_start3A_498 = arith.constant 0 : i32
    %dma_start3A_499 = tpu.memref_slice %arg6[%arg1, %dma_start3A_494, %dma_start3A_497, %dma_start3A_498] : memref<16x4x80x128xf32, #tpu.memory_space<vmem_shared>> -> memref<1x1x80x128xf32, #tpu.memory_space<vmem_shared>>
    %dma_start3A_500 = tpu.memref_squeeze %dma_start3A_499 : memref<1x1x80x128xf32, #tpu.memory_space<vmem_shared>> -> memref<80x128xf32, #tpu.memory_space<vmem_shared>>
    tpu.enqueue_dma source(%dma_start3A_500 : memref<80x128xf32, #tpu.memory_space<vmem_shared>>) target(%dma_start3A_496 : memref<80x128xf32, #tpu.memory_space<hbm>>) target_semaphore(%arg33 : memref<!tpu.dma_semaphore, #tpu.memory_space<semaphore_mem>>)
    %dma_wait3A_501 = arith.constant 6000 : i32
    %dma_wait3A_502 = tpu.memref_slice %arg5[%dma_wait3A_501] : memref<6400xi32, #tpu.memory_space<vmem>> -> memref<80xi32, #tpu.memory_space<vmem>>
    %dma_wait3A_503 = arith.constant 0 : i32
    %dma_wait3A_504 = arith.constant 0 : i32
    %dma_wait3A_505 = tpu.memref_slice %arg3[%dma_wait3A_503, %dma_wait3A_504] : memref<100000x128xf32, #tpu.memory_space<hbm>> -> memref<100000x128xf32, #tpu.memory_space<hbm>>
    tpu.wait_indirect_dma semaphore(%arg18 : memref<!tpu.dma_semaphore, #tpu.memory_space<semaphore_mem>>) src(%dma_wait3A_505 : memref<100000x128xf32, #tpu.memory_space<hbm>>) dst(%arg10 : memref<80x128xf32, #tpu.memory_space<vmem>>)
    %add3A_506 = arith.constant 5680 : i32
    %add3A_507 = arith.addi %mul3A_2, %add3A_506 : i32
    %dma_wait3A_508 = arith.constant 3 : i32
    %dma_wait3A_509 = arith.constant 0 : i32
    %dma_wait3A_510 = tpu.memref_slice %arg4[%add3A_507, %dma_wait3A_509] : memref<204800x128xf32, #tpu.memory_space<hbm>> -> memref<80x128xf32, #tpu.memory_space<hbm>>
    %dma_wait3A_511 = arith.constant 0 : i32
    %dma_wait3A_512 = arith.constant 0 : i32
    %dma_wait3A_513 = tpu.memref_slice %arg6[%arg1, %dma_wait3A_508, %dma_wait3A_511, %dma_wait3A_512] : memref<16x4x80x128xf32, #tpu.memory_space<vmem_shared>> -> memref<1x1x80x128xf32, #tpu.memory_space<vmem_shared>>
    %dma_wait3A_514 = tpu.memref_squeeze %dma_wait3A_513 : memref<1x1x80x128xf32, #tpu.memory_space<vmem_shared>> -> memref<80x128xf32, #tpu.memory_space<vmem_shared>>
    tpu.wait_dma2 semaphore(%arg34 : memref<!tpu.dma_semaphore, #tpu.memory_space<semaphore_mem>>) src(%dma_wait3A_514 : memref<80x128xf32, #tpu.memory_space<vmem_shared>>) dst(%dma_wait3A_510 : memref<80x128xf32, #tpu.memory_space<hbm>>)
    %dma_start3A_515 = arith.constant 3 : i32
    %dma_start3A_516 = arith.constant 0 : i32
    %dma_start3A_517 = arith.constant 0 : i32
    %dma_start3A_518 = tpu.memref_slice %arg6[%arg1, %dma_start3A_515, %dma_start3A_516, %dma_start3A_517] : memref<16x4x80x128xf32, #tpu.memory_space<vmem_shared>> -> memref<1x1x80x128xf32, #tpu.memory_space<vmem_shared>>
    %dma_start3A_519 = tpu.memref_squeeze %dma_start3A_518 : memref<1x1x80x128xf32, #tpu.memory_space<vmem_shared>> -> memref<80x128xf32, #tpu.memory_space<vmem_shared>>
    %dma_start3A_520 = arith.constant 0 : i32
    %dma_start3A_521 = arith.constant 0 : i32
    %dma_start3A_522 = tpu.memref_slice %arg6[%arg1, %dma_start3A_515, %dma_start3A_520, %dma_start3A_521] : memref<16x4x80x128xf32, #tpu.memory_space<vmem_shared>> -> memref<1x1x80x128xf32, #tpu.memory_space<vmem_shared>>
    %dma_start3A_523 = tpu.memref_squeeze %dma_start3A_522 : memref<1x1x80x128xf32, #tpu.memory_space<vmem_shared>> -> memref<80x128xf32, #tpu.memory_space<vmem_shared>>
    tpu.enqueue_dma source(%arg10 : memref<80x128xf32, #tpu.memory_space<vmem>>) target(%dma_start3A_523 : memref<80x128xf32, #tpu.memory_space<vmem_shared>>) target_semaphore(%arg26 : memref<!tpu.dma_semaphore, #tpu.memory_space<semaphore_mem>>)
    %dma_wait3A_524 = arith.constant 3 : i32
    %dma_wait3A_525 = arith.constant 0 : i32
    %dma_wait3A_526 = arith.constant 0 : i32
    %dma_wait3A_527 = tpu.memref_slice %arg6[%arg1, %dma_wait3A_524, %dma_wait3A_525, %dma_wait3A_526] : memref<16x4x80x128xf32, #tpu.memory_space<vmem_shared>> -> memref<1x1x80x128xf32, #tpu.memory_space<vmem_shared>>
    %dma_wait3A_528 = tpu.memref_squeeze %dma_wait3A_527 : memref<1x1x80x128xf32, #tpu.memory_space<vmem_shared>> -> memref<80x128xf32, #tpu.memory_space<vmem_shared>>
    %dma_wait3A_529 = arith.constant 0 : i32
    %dma_wait3A_530 = arith.constant 0 : i32
    %dma_wait3A_531 = tpu.memref_slice %arg6[%arg1, %dma_wait3A_524, %dma_wait3A_529, %dma_wait3A_530] : memref<16x4x80x128xf32, #tpu.memory_space<vmem_shared>> -> memref<1x1x80x128xf32, #tpu.memory_space<vmem_shared>>
    %dma_wait3A_532 = tpu.memref_squeeze %dma_wait3A_531 : memref<1x1x80x128xf32, #tpu.memory_space<vmem_shared>> -> memref<80x128xf32, #tpu.memory_space<vmem_shared>>
    tpu.wait_dma2 semaphore(%arg26 : memref<!tpu.dma_semaphore, #tpu.memory_space<semaphore_mem>>) src(%arg10 : memref<80x128xf32, #tpu.memory_space<vmem>>) dst(%dma_wait3A_532 : memref<80x128xf32, #tpu.memory_space<vmem_shared>>)
    %add3A_533 = arith.constant 6000 : i32
    %add3A_534 = arith.addi %mul3A_2, %add3A_533 : i32
    %dma_start3A_535 = arith.constant 3 : i32
    %dma_start3A_536 = arith.constant 0 : i32
    %dma_start3A_537 = tpu.memref_slice %arg4[%add3A_534, %dma_start3A_536] : memref<204800x128xf32, #tpu.memory_space<hbm>> -> memref<80x128xf32, #tpu.memory_space<hbm>>
    %dma_start3A_538 = arith.constant 0 : i32
    %dma_start3A_539 = arith.constant 0 : i32
    %dma_start3A_540 = tpu.memref_slice %arg6[%arg1, %dma_start3A_535, %dma_start3A_538, %dma_start3A_539] : memref<16x4x80x128xf32, #tpu.memory_space<vmem_shared>> -> memref<1x1x80x128xf32, #tpu.memory_space<vmem_shared>>
    %dma_start3A_541 = tpu.memref_squeeze %dma_start3A_540 : memref<1x1x80x128xf32, #tpu.memory_space<vmem_shared>> -> memref<80x128xf32, #tpu.memory_space<vmem_shared>>
    tpu.enqueue_dma source(%dma_start3A_541 : memref<80x128xf32, #tpu.memory_space<vmem_shared>>) target(%dma_start3A_537 : memref<80x128xf32, #tpu.memory_space<hbm>>) target_semaphore(%arg34 : memref<!tpu.dma_semaphore, #tpu.memory_space<semaphore_mem>>)
    %dma_wait3A_542 = arith.constant 6080 : i32
    %dma_wait3A_543 = tpu.memref_slice %arg5[%dma_wait3A_542] : memref<6400xi32, #tpu.memory_space<vmem>> -> memref<80xi32, #tpu.memory_space<vmem>>
    %dma_wait3A_544 = arith.constant 0 : i32
    %dma_wait3A_545 = arith.constant 0 : i32
    %dma_wait3A_546 = tpu.memref_slice %arg3[%dma_wait3A_544, %dma_wait3A_545] : memref<100000x128xf32, #tpu.memory_space<hbm>> -> memref<100000x128xf32, #tpu.memory_space<hbm>>
    tpu.wait_indirect_dma semaphore(%arg19 : memref<!tpu.dma_semaphore, #tpu.memory_space<semaphore_mem>>) src(%dma_wait3A_546 : memref<100000x128xf32, #tpu.memory_space<hbm>>) dst(%arg11 : memref<80x128xf32, #tpu.memory_space<vmem>>)
    %add3A_547 = arith.constant 5760 : i32
    %add3A_548 = arith.addi %mul3A_2, %add3A_547 : i32
    %dma_wait3A_549 = arith.constant 0 : i32
    %dma_wait3A_550 = arith.constant 0 : i32
    %dma_wait3A_551 = tpu.memref_slice %arg4[%add3A_548, %dma_wait3A_550] : memref<204800x128xf32, #tpu.memory_space<hbm>> -> memref<80x128xf32, #tpu.memory_space<hbm>>
    %dma_wait3A_552 = arith.constant 0 : i32
    %dma_wait3A_553 = arith.constant 0 : i32
    %dma_wait3A_554 = tpu.memref_slice %arg6[%arg1, %dma_wait3A_549, %dma_wait3A_552, %dma_wait3A_553] : memref<16x4x80x128xf32, #tpu.memory_space<vmem_shared>> -> memref<1x1x80x128xf32, #tpu.memory_space<vmem_shared>>
    %dma_wait3A_555 = tpu.memref_squeeze %dma_wait3A_554 : memref<1x1x80x128xf32, #tpu.memory_space<vmem_shared>> -> memref<80x128xf32, #tpu.memory_space<vmem_shared>>
    tpu.wait_dma2 semaphore(%arg31 : memref<!tpu.dma_semaphore, #tpu.memory_space<semaphore_mem>>) src(%dma_wait3A_555 : memref<80x128xf32, #tpu.memory_space<vmem_shared>>) dst(%dma_wait3A_551 : memref<80x128xf32, #tpu.memory_space<hbm>>)
    %dma_start3A_556 = arith.constant 0 : i32
    %dma_start3A_557 = arith.constant 0 : i32
    %dma_start3A_558 = arith.constant 0 : i32
    %dma_start3A_559 = tpu.memref_slice %arg6[%arg1, %dma_start3A_556, %dma_start3A_557, %dma_start3A_558] : memref<16x4x80x128xf32, #tpu.memory_space<vmem_shared>> -> memref<1x1x80x128xf32, #tpu.memory_space<vmem_shared>>
    %dma_start3A_560 = tpu.memref_squeeze %dma_start3A_559 : memref<1x1x80x128xf32, #tpu.memory_space<vmem_shared>> -> memref<80x128xf32, #tpu.memory_space<vmem_shared>>
    %dma_start3A_561 = arith.constant 0 : i32
    %dma_start3A_562 = arith.constant 0 : i32
    %dma_start3A_563 = tpu.memref_slice %arg6[%arg1, %dma_start3A_556, %dma_start3A_561, %dma_start3A_562] : memref<16x4x80x128xf32, #tpu.memory_space<vmem_shared>> -> memref<1x1x80x128xf32, #tpu.memory_space<vmem_shared>>
    %dma_start3A_564 = tpu.memref_squeeze %dma_start3A_563 : memref<1x1x80x128xf32, #tpu.memory_space<vmem_shared>> -> memref<80x128xf32, #tpu.memory_space<vmem_shared>>
    tpu.enqueue_dma source(%arg11 : memref<80x128xf32, #tpu.memory_space<vmem>>) target(%dma_start3A_564 : memref<80x128xf32, #tpu.memory_space<vmem_shared>>) target_semaphore(%arg27 : memref<!tpu.dma_semaphore, #tpu.memory_space<semaphore_mem>>)
    %dma_wait3A_565 = arith.constant 0 : i32
    %dma_wait3A_566 = arith.constant 0 : i32
    %dma_wait3A_567 = arith.constant 0 : i32
    %dma_wait3A_568 = tpu.memref_slice %arg6[%arg1, %dma_wait3A_565, %dma_wait3A_566, %dma_wait3A_567] : memref<16x4x80x128xf32, #tpu.memory_space<vmem_shared>> -> memref<1x1x80x128xf32, #tpu.memory_space<vmem_shared>>
    %dma_wait3A_569 = tpu.memref_squeeze %dma_wait3A_568 : memref<1x1x80x128xf32, #tpu.memory_space<vmem_shared>> -> memref<80x128xf32, #tpu.memory_space<vmem_shared>>
    %dma_wait3A_570 = arith.constant 0 : i32
    %dma_wait3A_571 = arith.constant 0 : i32
    %dma_wait3A_572 = tpu.memref_slice %arg6[%arg1, %dma_wait3A_565, %dma_wait3A_570, %dma_wait3A_571] : memref<16x4x80x128xf32, #tpu.memory_space<vmem_shared>> -> memref<1x1x80x128xf32, #tpu.memory_space<vmem_shared>>
    %dma_wait3A_573 = tpu.memref_squeeze %dma_wait3A_572 : memref<1x1x80x128xf32, #tpu.memory_space<vmem_shared>> -> memref<80x128xf32, #tpu.memory_space<vmem_shared>>
    tpu.wait_dma2 semaphore(%arg27 : memref<!tpu.dma_semaphore, #tpu.memory_space<semaphore_mem>>) src(%arg11 : memref<80x128xf32, #tpu.memory_space<vmem>>) dst(%dma_wait3A_573 : memref<80x128xf32, #tpu.memory_space<vmem_shared>>)
    %add3A_574 = arith.constant 6080 : i32
    %add3A_575 = arith.addi %mul3A_2, %add3A_574 : i32
    %dma_start3A_576 = arith.constant 0 : i32
    %dma_start3A_577 = arith.constant 0 : i32
    %dma_start3A_578 = tpu.memref_slice %arg4[%add3A_575, %dma_start3A_577] : memref<204800x128xf32, #tpu.memory_space<hbm>> -> memref<80x128xf32, #tpu.memory_space<hbm>>
    %dma_start3A_579 = arith.constant 0 : i32
    %dma_start3A_580 = arith.constant 0 : i32
    %dma_start3A_581 = tpu.memref_slice %arg6[%arg1, %dma_start3A_576, %dma_start3A_579, %dma_start3A_580] : memref<16x4x80x128xf32, #tpu.memory_space<vmem_shared>> -> memref<1x1x80x128xf32, #tpu.memory_space<vmem_shared>>
    %dma_start3A_582 = tpu.memref_squeeze %dma_start3A_581 : memref<1x1x80x128xf32, #tpu.memory_space<vmem_shared>> -> memref<80x128xf32, #tpu.memory_space<vmem_shared>>
    tpu.enqueue_dma source(%dma_start3A_582 : memref<80x128xf32, #tpu.memory_space<vmem_shared>>) target(%dma_start3A_578 : memref<80x128xf32, #tpu.memory_space<hbm>>) target_semaphore(%arg31 : memref<!tpu.dma_semaphore, #tpu.memory_space<semaphore_mem>>)
    %dma_wait3A_583 = arith.constant 6160 : i32
    %dma_wait3A_584 = tpu.memref_slice %arg5[%dma_wait3A_583] : memref<6400xi32, #tpu.memory_space<vmem>> -> memref<80xi32, #tpu.memory_space<vmem>>
    %dma_wait3A_585 = arith.constant 0 : i32
    %dma_wait3A_586 = arith.constant 0 : i32
    %dma_wait3A_587 = tpu.memref_slice %arg3[%dma_wait3A_585, %dma_wait3A_586] : memref<100000x128xf32, #tpu.memory_space<hbm>> -> memref<100000x128xf32, #tpu.memory_space<hbm>>
    tpu.wait_indirect_dma semaphore(%arg20 : memref<!tpu.dma_semaphore, #tpu.memory_space<semaphore_mem>>) src(%dma_wait3A_587 : memref<100000x128xf32, #tpu.memory_space<hbm>>) dst(%arg12 : memref<80x128xf32, #tpu.memory_space<vmem>>)
    %add3A_588 = arith.constant 5840 : i32
    %add3A_589 = arith.addi %mul3A_2, %add3A_588 : i32
    %dma_wait3A_590 = arith.constant 1 : i32
    %dma_wait3A_591 = arith.constant 0 : i32
    %dma_wait3A_592 = tpu.memref_slice %arg4[%add3A_589, %dma_wait3A_591] : memref<204800x128xf32, #tpu.memory_space<hbm>> -> memref<80x128xf32, #tpu.memory_space<hbm>>
    %dma_wait3A_593 = arith.constant 0 : i32
    %dma_wait3A_594 = arith.constant 0 : i32
    %dma_wait3A_595 = tpu.memref_slice %arg6[%arg1, %dma_wait3A_590, %dma_wait3A_593, %dma_wait3A_594] : memref<16x4x80x128xf32, #tpu.memory_space<vmem_shared>> -> memref<1x1x80x128xf32, #tpu.memory_space<vmem_shared>>
    %dma_wait3A_596 = tpu.memref_squeeze %dma_wait3A_595 : memref<1x1x80x128xf32, #tpu.memory_space<vmem_shared>> -> memref<80x128xf32, #tpu.memory_space<vmem_shared>>
    tpu.wait_dma2 semaphore(%arg32 : memref<!tpu.dma_semaphore, #tpu.memory_space<semaphore_mem>>) src(%dma_wait3A_596 : memref<80x128xf32, #tpu.memory_space<vmem_shared>>) dst(%dma_wait3A_592 : memref<80x128xf32, #tpu.memory_space<hbm>>)
    %dma_start3A_597 = arith.constant 1 : i32
    %dma_start3A_598 = arith.constant 0 : i32
    %dma_start3A_599 = arith.constant 0 : i32
    %dma_start3A_600 = tpu.memref_slice %arg6[%arg1, %dma_start3A_597, %dma_start3A_598, %dma_start3A_599] : memref<16x4x80x128xf32, #tpu.memory_space<vmem_shared>> -> memref<1x1x80x128xf32, #tpu.memory_space<vmem_shared>>
    %dma_start3A_601 = tpu.memref_squeeze %dma_start3A_600 : memref<1x1x80x128xf32, #tpu.memory_space<vmem_shared>> -> memref<80x128xf32, #tpu.memory_space<vmem_shared>>
    %dma_start3A_602 = arith.constant 0 : i32
    %dma_start3A_603 = arith.constant 0 : i32
    %dma_start3A_604 = tpu.memref_slice %arg6[%arg1, %dma_start3A_597, %dma_start3A_602, %dma_start3A_603] : memref<16x4x80x128xf32, #tpu.memory_space<vmem_shared>> -> memref<1x1x80x128xf32, #tpu.memory_space<vmem_shared>>
    %dma_start3A_605 = tpu.memref_squeeze %dma_start3A_604 : memref<1x1x80x128xf32, #tpu.memory_space<vmem_shared>> -> memref<80x128xf32, #tpu.memory_space<vmem_shared>>
    tpu.enqueue_dma source(%arg12 : memref<80x128xf32, #tpu.memory_space<vmem>>) target(%dma_start3A_605 : memref<80x128xf32, #tpu.memory_space<vmem_shared>>) target_semaphore(%arg28 : memref<!tpu.dma_semaphore, #tpu.memory_space<semaphore_mem>>)
    %dma_wait3A_606 = arith.constant 1 : i32
    %dma_wait3A_607 = arith.constant 0 : i32
    %dma_wait3A_608 = arith.constant 0 : i32
    %dma_wait3A_609 = tpu.memref_slice %arg6[%arg1, %dma_wait3A_606, %dma_wait3A_607, %dma_wait3A_608] : memref<16x4x80x128xf32, #tpu.memory_space<vmem_shared>> -> memref<1x1x80x128xf32, #tpu.memory_space<vmem_shared>>
    %dma_wait3A_610 = tpu.memref_squeeze %dma_wait3A_609 : memref<1x1x80x128xf32, #tpu.memory_space<vmem_shared>> -> memref<80x128xf32, #tpu.memory_space<vmem_shared>>
    %dma_wait3A_611 = arith.constant 0 : i32
    %dma_wait3A_612 = arith.constant 0 : i32
    %dma_wait3A_613 = tpu.memref_slice %arg6[%arg1, %dma_wait3A_606, %dma_wait3A_611, %dma_wait3A_612] : memref<16x4x80x128xf32, #tpu.memory_space<vmem_shared>> -> memref<1x1x80x128xf32, #tpu.memory_space<vmem_shared>>
    %dma_wait3A_614 = tpu.memref_squeeze %dma_wait3A_613 : memref<1x1x80x128xf32, #tpu.memory_space<vmem_shared>> -> memref<80x128xf32, #tpu.memory_space<vmem_shared>>
    tpu.wait_dma2 semaphore(%arg28 : memref<!tpu.dma_semaphore, #tpu.memory_space<semaphore_mem>>) src(%arg12 : memref<80x128xf32, #tpu.memory_space<vmem>>) dst(%dma_wait3A_614 : memref<80x128xf32, #tpu.memory_space<vmem_shared>>)
    %add3A_615 = arith.constant 6160 : i32
    %add3A_616 = arith.addi %mul3A_2, %add3A_615 : i32
    %dma_start3A_617 = arith.constant 1 : i32
    %dma_start3A_618 = arith.constant 0 : i32
    %dma_start3A_619 = tpu.memref_slice %arg4[%add3A_616, %dma_start3A_618] : memref<204800x128xf32, #tpu.memory_space<hbm>> -> memref<80x128xf32, #tpu.memory_space<hbm>>
    %dma_start3A_620 = arith.constant 0 : i32
    %dma_start3A_621 = arith.constant 0 : i32
    %dma_start3A_622 = tpu.memref_slice %arg6[%arg1, %dma_start3A_617, %dma_start3A_620, %dma_start3A_621] : memref<16x4x80x128xf32, #tpu.memory_space<vmem_shared>> -> memref<1x1x80x128xf32, #tpu.memory_space<vmem_shared>>
    %dma_start3A_623 = tpu.memref_squeeze %dma_start3A_622 : memref<1x1x80x128xf32, #tpu.memory_space<vmem_shared>> -> memref<80x128xf32, #tpu.memory_space<vmem_shared>>
    tpu.enqueue_dma source(%dma_start3A_623 : memref<80x128xf32, #tpu.memory_space<vmem_shared>>) target(%dma_start3A_619 : memref<80x128xf32, #tpu.memory_space<hbm>>) target_semaphore(%arg32 : memref<!tpu.dma_semaphore, #tpu.memory_space<semaphore_mem>>)
    %dma_wait3A_624 = arith.constant 6240 : i32
    %dma_wait3A_625 = tpu.memref_slice %arg5[%dma_wait3A_624] : memref<6400xi32, #tpu.memory_space<vmem>> -> memref<80xi32, #tpu.memory_space<vmem>>
    %dma_wait3A_626 = arith.constant 0 : i32
    %dma_wait3A_627 = arith.constant 0 : i32
    %dma_wait3A_628 = tpu.memref_slice %arg3[%dma_wait3A_626, %dma_wait3A_627] : memref<100000x128xf32, #tpu.memory_space<hbm>> -> memref<100000x128xf32, #tpu.memory_space<hbm>>
    tpu.wait_indirect_dma semaphore(%arg21 : memref<!tpu.dma_semaphore, #tpu.memory_space<semaphore_mem>>) src(%dma_wait3A_628 : memref<100000x128xf32, #tpu.memory_space<hbm>>) dst(%arg13 : memref<80x128xf32, #tpu.memory_space<vmem>>)
    %add3A_629 = arith.constant 5920 : i32
    %add3A_630 = arith.addi %mul3A_2, %add3A_629 : i32
    %dma_wait3A_631 = arith.constant 2 : i32
    %dma_wait3A_632 = arith.constant 0 : i32
    %dma_wait3A_633 = tpu.memref_slice %arg4[%add3A_630, %dma_wait3A_632] : memref<204800x128xf32, #tpu.memory_space<hbm>> -> memref<80x128xf32, #tpu.memory_space<hbm>>
    %dma_wait3A_634 = arith.constant 0 : i32
    %dma_wait3A_635 = arith.constant 0 : i32
    %dma_wait3A_636 = tpu.memref_slice %arg6[%arg1, %dma_wait3A_631, %dma_wait3A_634, %dma_wait3A_635] : memref<16x4x80x128xf32, #tpu.memory_space<vmem_shared>> -> memref<1x1x80x128xf32, #tpu.memory_space<vmem_shared>>
    %dma_wait3A_637 = tpu.memref_squeeze %dma_wait3A_636 : memref<1x1x80x128xf32, #tpu.memory_space<vmem_shared>> -> memref<80x128xf32, #tpu.memory_space<vmem_shared>>
    tpu.wait_dma2 semaphore(%arg33 : memref<!tpu.dma_semaphore, #tpu.memory_space<semaphore_mem>>) src(%dma_wait3A_637 : memref<80x128xf32, #tpu.memory_space<vmem_shared>>) dst(%dma_wait3A_633 : memref<80x128xf32, #tpu.memory_space<hbm>>)
    %dma_start3A_638 = arith.constant 2 : i32
    %dma_start3A_639 = arith.constant 0 : i32
    %dma_start3A_640 = arith.constant 0 : i32
    %dma_start3A_641 = tpu.memref_slice %arg6[%arg1, %dma_start3A_638, %dma_start3A_639, %dma_start3A_640] : memref<16x4x80x128xf32, #tpu.memory_space<vmem_shared>> -> memref<1x1x80x128xf32, #tpu.memory_space<vmem_shared>>
    %dma_start3A_642 = tpu.memref_squeeze %dma_start3A_641 : memref<1x1x80x128xf32, #tpu.memory_space<vmem_shared>> -> memref<80x128xf32, #tpu.memory_space<vmem_shared>>
    %dma_start3A_643 = arith.constant 0 : i32
    %dma_start3A_644 = arith.constant 0 : i32
    %dma_start3A_645 = tpu.memref_slice %arg6[%arg1, %dma_start3A_638, %dma_start3A_643, %dma_start3A_644] : memref<16x4x80x128xf32, #tpu.memory_space<vmem_shared>> -> memref<1x1x80x128xf32, #tpu.memory_space<vmem_shared>>
    %dma_start3A_646 = tpu.memref_squeeze %dma_start3A_645 : memref<1x1x80x128xf32, #tpu.memory_space<vmem_shared>> -> memref<80x128xf32, #tpu.memory_space<vmem_shared>>
    tpu.enqueue_dma source(%arg13 : memref<80x128xf32, #tpu.memory_space<vmem>>) target(%dma_start3A_646 : memref<80x128xf32, #tpu.memory_space<vmem_shared>>) target_semaphore(%arg29 : memref<!tpu.dma_semaphore, #tpu.memory_space<semaphore_mem>>)
    %dma_wait3A_647 = arith.constant 2 : i32
    %dma_wait3A_648 = arith.constant 0 : i32
    %dma_wait3A_649 = arith.constant 0 : i32
    %dma_wait3A_650 = tpu.memref_slice %arg6[%arg1, %dma_wait3A_647, %dma_wait3A_648, %dma_wait3A_649] : memref<16x4x80x128xf32, #tpu.memory_space<vmem_shared>> -> memref<1x1x80x128xf32, #tpu.memory_space<vmem_shared>>
    %dma_wait3A_651 = tpu.memref_squeeze %dma_wait3A_650 : memref<1x1x80x128xf32, #tpu.memory_space<vmem_shared>> -> memref<80x128xf32, #tpu.memory_space<vmem_shared>>
    %dma_wait3A_652 = arith.constant 0 : i32
    %dma_wait3A_653 = arith.constant 0 : i32
    %dma_wait3A_654 = tpu.memref_slice %arg6[%arg1, %dma_wait3A_647, %dma_wait3A_652, %dma_wait3A_653] : memref<16x4x80x128xf32, #tpu.memory_space<vmem_shared>> -> memref<1x1x80x128xf32, #tpu.memory_space<vmem_shared>>
    %dma_wait3A_655 = tpu.memref_squeeze %dma_wait3A_654 : memref<1x1x80x128xf32, #tpu.memory_space<vmem_shared>> -> memref<80x128xf32, #tpu.memory_space<vmem_shared>>
    tpu.wait_dma2 semaphore(%arg29 : memref<!tpu.dma_semaphore, #tpu.memory_space<semaphore_mem>>) src(%arg13 : memref<80x128xf32, #tpu.memory_space<vmem>>) dst(%dma_wait3A_655 : memref<80x128xf32, #tpu.memory_space<vmem_shared>>)
    %add3A_656 = arith.constant 6240 : i32
    %add3A_657 = arith.addi %mul3A_2, %add3A_656 : i32
    %dma_start3A_658 = arith.constant 2 : i32
    %dma_start3A_659 = arith.constant 0 : i32
    %dma_start3A_660 = tpu.memref_slice %arg4[%add3A_657, %dma_start3A_659] : memref<204800x128xf32, #tpu.memory_space<hbm>> -> memref<80x128xf32, #tpu.memory_space<hbm>>
    %dma_start3A_661 = arith.constant 0 : i32
    %dma_start3A_662 = arith.constant 0 : i32
    %dma_start3A_663 = tpu.memref_slice %arg6[%arg1, %dma_start3A_658, %dma_start3A_661, %dma_start3A_662] : memref<16x4x80x128xf32, #tpu.memory_space<vmem_shared>> -> memref<1x1x80x128xf32, #tpu.memory_space<vmem_shared>>
    %dma_start3A_664 = tpu.memref_squeeze %dma_start3A_663 : memref<1x1x80x128xf32, #tpu.memory_space<vmem_shared>> -> memref<80x128xf32, #tpu.memory_space<vmem_shared>>
    tpu.enqueue_dma source(%dma_start3A_664 : memref<80x128xf32, #tpu.memory_space<vmem_shared>>) target(%dma_start3A_660 : memref<80x128xf32, #tpu.memory_space<hbm>>) target_semaphore(%arg33 : memref<!tpu.dma_semaphore, #tpu.memory_space<semaphore_mem>>)
    %dma_wait3A_665 = arith.constant 6320 : i32
    %dma_wait3A_666 = tpu.memref_slice %arg5[%dma_wait3A_665] : memref<6400xi32, #tpu.memory_space<vmem>> -> memref<80xi32, #tpu.memory_space<vmem>>
    %dma_wait3A_667 = arith.constant 0 : i32
    %dma_wait3A_668 = arith.constant 0 : i32
    %dma_wait3A_669 = tpu.memref_slice %arg3[%dma_wait3A_667, %dma_wait3A_668] : memref<100000x128xf32, #tpu.memory_space<hbm>> -> memref<100000x128xf32, #tpu.memory_space<hbm>>
    tpu.wait_indirect_dma semaphore(%arg22 : memref<!tpu.dma_semaphore, #tpu.memory_space<semaphore_mem>>) src(%dma_wait3A_669 : memref<100000x128xf32, #tpu.memory_space<hbm>>) dst(%arg14 : memref<80x128xf32, #tpu.memory_space<vmem>>)
    %add3A_670 = arith.constant 6000 : i32
    %add3A_671 = arith.addi %mul3A_2, %add3A_670 : i32
    %dma_wait3A_672 = arith.constant 3 : i32
    %dma_wait3A_673 = arith.constant 0 : i32
    %dma_wait3A_674 = tpu.memref_slice %arg4[%add3A_671, %dma_wait3A_673] : memref<204800x128xf32, #tpu.memory_space<hbm>> -> memref<80x128xf32, #tpu.memory_space<hbm>>
    %dma_wait3A_675 = arith.constant 0 : i32
    %dma_wait3A_676 = arith.constant 0 : i32
    %dma_wait3A_677 = tpu.memref_slice %arg6[%arg1, %dma_wait3A_672, %dma_wait3A_675, %dma_wait3A_676] : memref<16x4x80x128xf32, #tpu.memory_space<vmem_shared>> -> memref<1x1x80x128xf32, #tpu.memory_space<vmem_shared>>
    %dma_wait3A_678 = tpu.memref_squeeze %dma_wait3A_677 : memref<1x1x80x128xf32, #tpu.memory_space<vmem_shared>> -> memref<80x128xf32, #tpu.memory_space<vmem_shared>>
    tpu.wait_dma2 semaphore(%arg34 : memref<!tpu.dma_semaphore, #tpu.memory_space<semaphore_mem>>) src(%dma_wait3A_678 : memref<80x128xf32, #tpu.memory_space<vmem_shared>>) dst(%dma_wait3A_674 : memref<80x128xf32, #tpu.memory_space<hbm>>)
    %dma_start3A_679 = arith.constant 3 : i32
    %dma_start3A_680 = arith.constant 0 : i32
    %dma_start3A_681 = arith.constant 0 : i32
    %dma_start3A_682 = tpu.memref_slice %arg6[%arg1, %dma_start3A_679, %dma_start3A_680, %dma_start3A_681] : memref<16x4x80x128xf32, #tpu.memory_space<vmem_shared>> -> memref<1x1x80x128xf32, #tpu.memory_space<vmem_shared>>
    %dma_start3A_683 = tpu.memref_squeeze %dma_start3A_682 : memref<1x1x80x128xf32, #tpu.memory_space<vmem_shared>> -> memref<80x128xf32, #tpu.memory_space<vmem_shared>>
    %dma_start3A_684 = arith.constant 0 : i32
    %dma_start3A_685 = arith.constant 0 : i32
    %dma_start3A_686 = tpu.memref_slice %arg6[%arg1, %dma_start3A_679, %dma_start3A_684, %dma_start3A_685] : memref<16x4x80x128xf32, #tpu.memory_space<vmem_shared>> -> memref<1x1x80x128xf32, #tpu.memory_space<vmem_shared>>
    %dma_start3A_687 = tpu.memref_squeeze %dma_start3A_686 : memref<1x1x80x128xf32, #tpu.memory_space<vmem_shared>> -> memref<80x128xf32, #tpu.memory_space<vmem_shared>>
    tpu.enqueue_dma source(%arg14 : memref<80x128xf32, #tpu.memory_space<vmem>>) target(%dma_start3A_687 : memref<80x128xf32, #tpu.memory_space<vmem_shared>>) target_semaphore(%arg30 : memref<!tpu.dma_semaphore, #tpu.memory_space<semaphore_mem>>)
    %dma_wait3A_688 = arith.constant 3 : i32
    %dma_wait3A_689 = arith.constant 0 : i32
    %dma_wait3A_690 = arith.constant 0 : i32
    %dma_wait3A_691 = tpu.memref_slice %arg6[%arg1, %dma_wait3A_688, %dma_wait3A_689, %dma_wait3A_690] : memref<16x4x80x128xf32, #tpu.memory_space<vmem_shared>> -> memref<1x1x80x128xf32, #tpu.memory_space<vmem_shared>>
    %dma_wait3A_692 = tpu.memref_squeeze %dma_wait3A_691 : memref<1x1x80x128xf32, #tpu.memory_space<vmem_shared>> -> memref<80x128xf32, #tpu.memory_space<vmem_shared>>
    %dma_wait3A_693 = arith.constant 0 : i32
    %dma_wait3A_694 = arith.constant 0 : i32
    %dma_wait3A_695 = tpu.memref_slice %arg6[%arg1, %dma_wait3A_688, %dma_wait3A_693, %dma_wait3A_694] : memref<16x4x80x128xf32, #tpu.memory_space<vmem_shared>> -> memref<1x1x80x128xf32, #tpu.memory_space<vmem_shared>>
    %dma_wait3A_696 = tpu.memref_squeeze %dma_wait3A_695 : memref<1x1x80x128xf32, #tpu.memory_space<vmem_shared>> -> memref<80x128xf32, #tpu.memory_space<vmem_shared>>
    tpu.wait_dma2 semaphore(%arg30 : memref<!tpu.dma_semaphore, #tpu.memory_space<semaphore_mem>>) src(%arg14 : memref<80x128xf32, #tpu.memory_space<vmem>>) dst(%dma_wait3A_696 : memref<80x128xf32, #tpu.memory_space<vmem_shared>>)
    %add3A_697 = arith.constant 6320 : i32
    %add3A_698 = arith.addi %mul3A_2, %add3A_697 : i32
    %dma_start3A_699 = arith.constant 3 : i32
    %dma_start3A_700 = arith.constant 0 : i32
    %dma_start3A_701 = tpu.memref_slice %arg4[%add3A_698, %dma_start3A_700] : memref<204800x128xf32, #tpu.memory_space<hbm>> -> memref<80x128xf32, #tpu.memory_space<hbm>>
    %dma_start3A_702 = arith.constant 0 : i32
    %dma_start3A_703 = arith.constant 0 : i32
    %dma_start3A_704 = tpu.memref_slice %arg6[%arg1, %dma_start3A_699, %dma_start3A_702, %dma_start3A_703] : memref<16x4x80x128xf32, #tpu.memory_space<vmem_shared>> -> memref<1x1x80x128xf32, #tpu.memory_space<vmem_shared>>
    %dma_start3A_705 = tpu.memref_squeeze %dma_start3A_704 : memref<1x1x80x128xf32, #tpu.memory_space<vmem_shared>> -> memref<80x128xf32, #tpu.memory_space<vmem_shared>>
    tpu.enqueue_dma source(%dma_start3A_705 : memref<80x128xf32, #tpu.memory_space<vmem_shared>>) target(%dma_start3A_701 : memref<80x128xf32, #tpu.memory_space<hbm>>) target_semaphore(%arg34 : memref<!tpu.dma_semaphore, #tpu.memory_space<semaphore_mem>>)
    %add3A_706 = arith.constant 6080 : i32
    %add3A_707 = arith.addi %mul3A_2, %add3A_706 : i32
    %dma_wait3A_708 = arith.constant 0 : i32
    %dma_wait3A_709 = arith.constant 0 : i32
    %dma_wait3A_710 = tpu.memref_slice %arg4[%add3A_707, %dma_wait3A_709] : memref<204800x128xf32, #tpu.memory_space<hbm>> -> memref<80x128xf32, #tpu.memory_space<hbm>>
    %dma_wait3A_711 = arith.constant 0 : i32
    %dma_wait3A_712 = arith.constant 0 : i32
    %dma_wait3A_713 = tpu.memref_slice %arg6[%arg1, %dma_wait3A_708, %dma_wait3A_711, %dma_wait3A_712] : memref<16x4x80x128xf32, #tpu.memory_space<vmem_shared>> -> memref<1x1x80x128xf32, #tpu.memory_space<vmem_shared>>
    %dma_wait3A_714 = tpu.memref_squeeze %dma_wait3A_713 : memref<1x1x80x128xf32, #tpu.memory_space<vmem_shared>> -> memref<80x128xf32, #tpu.memory_space<vmem_shared>>
    tpu.wait_dma2 semaphore(%arg31 : memref<!tpu.dma_semaphore, #tpu.memory_space<semaphore_mem>>) src(%dma_wait3A_714 : memref<80x128xf32, #tpu.memory_space<vmem_shared>>) dst(%dma_wait3A_710 : memref<80x128xf32, #tpu.memory_space<hbm>>)
    %add3A_715 = arith.constant 6160 : i32
    %add3A_716 = arith.addi %mul3A_2, %add3A_715 : i32
    %dma_wait3A_717 = arith.constant 1 : i32
    %dma_wait3A_718 = arith.constant 0 : i32
    %dma_wait3A_719 = tpu.memref_slice %arg4[%add3A_716, %dma_wait3A_718] : memref<204800x128xf32, #tpu.memory_space<hbm>> -> memref<80x128xf32, #tpu.memory_space<hbm>>
    %dma_wait3A_720 = arith.constant 0 : i32
    %dma_wait3A_721 = arith.constant 0 : i32
    %dma_wait3A_722 = tpu.memref_slice %arg6[%arg1, %dma_wait3A_717, %dma_wait3A_720, %dma_wait3A_721] : memref<16x4x80x128xf32, #tpu.memory_space<vmem_shared>> -> memref<1x1x80x128xf32, #tpu.memory_space<vmem_shared>>
    %dma_wait3A_723 = tpu.memref_squeeze %dma_wait3A_722 : memref<1x1x80x128xf32, #tpu.memory_space<vmem_shared>> -> memref<80x128xf32, #tpu.memory_space<vmem_shared>>
    tpu.wait_dma2 semaphore(%arg32 : memref<!tpu.dma_semaphore, #tpu.memory_space<semaphore_mem>>) src(%dma_wait3A_723 : memref<80x128xf32, #tpu.memory_space<vmem_shared>>) dst(%dma_wait3A_719 : memref<80x128xf32, #tpu.memory_space<hbm>>)
    %add3A_724 = arith.constant 6240 : i32
    %add3A_725 = arith.addi %mul3A_2, %add3A_724 : i32
    %dma_wait3A_726 = arith.constant 2 : i32
    %dma_wait3A_727 = arith.constant 0 : i32
    %dma_wait3A_728 = tpu.memref_slice %arg4[%add3A_725, %dma_wait3A_727] : memref<204800x128xf32, #tpu.memory_space<hbm>> -> memref<80x128xf32, #tpu.memory_space<hbm>>
    %dma_wait3A_729 = arith.constant 0 : i32
    %dma_wait3A_730 = arith.constant 0 : i32
    %dma_wait3A_731 = tpu.memref_slice %arg6[%arg1, %dma_wait3A_726, %dma_wait3A_729, %dma_wait3A_730] : memref<16x4x80x128xf32, #tpu.memory_space<vmem_shared>> -> memref<1x1x80x128xf32, #tpu.memory_space<vmem_shared>>
    %dma_wait3A_732 = tpu.memref_squeeze %dma_wait3A_731 : memref<1x1x80x128xf32, #tpu.memory_space<vmem_shared>> -> memref<80x128xf32, #tpu.memory_space<vmem_shared>>
    tpu.wait_dma2 semaphore(%arg33 : memref<!tpu.dma_semaphore, #tpu.memory_space<semaphore_mem>>) src(%dma_wait3A_732 : memref<80x128xf32, #tpu.memory_space<vmem_shared>>) dst(%dma_wait3A_728 : memref<80x128xf32, #tpu.memory_space<hbm>>)
    %add3A_733 = arith.constant 6320 : i32
    %add3A_734 = arith.addi %mul3A_2, %add3A_733 : i32
    %dma_wait3A_735 = arith.constant 3 : i32
    %dma_wait3A_736 = arith.constant 0 : i32
    %dma_wait3A_737 = tpu.memref_slice %arg4[%add3A_734, %dma_wait3A_736] : memref<204800x128xf32, #tpu.memory_space<hbm>> -> memref<80x128xf32, #tpu.memory_space<hbm>>
    %dma_wait3A_738 = arith.constant 0 : i32
    %dma_wait3A_739 = arith.constant 0 : i32
    %dma_wait3A_740 = tpu.memref_slice %arg6[%arg1, %dma_wait3A_735, %dma_wait3A_738, %dma_wait3A_739] : memref<16x4x80x128xf32, #tpu.memory_space<vmem_shared>> -> memref<1x1x80x128xf32, #tpu.memory_space<vmem_shared>>
    %dma_wait3A_741 = tpu.memref_squeeze %dma_wait3A_740 : memref<1x1x80x128xf32, #tpu.memory_space<vmem_shared>> -> memref<80x128xf32, #tpu.memory_space<vmem_shared>>
    tpu.wait_dma2 semaphore(%arg34 : memref<!tpu.dma_semaphore, #tpu.memory_space<semaphore_mem>>) src(%dma_wait3A_741 : memref<80x128xf32, #tpu.memory_space<vmem_shared>>) dst(%dma_wait3A_737 : memref<80x128xf32, #tpu.memory_space<hbm>>)
    return
  }
}

</mosaic_0001>

<sc_bundles>
// kernel: _sc_gather.3.cloned.1.call-start
scs
__scs_entry_jumppad:
0x0: {  	(pc) =	sbr.rel $0x88, $3  }
0x1: {  	(tag) =	ssettag $0x0;
	lr =	simm.s32 $0x1  }
0x2: {  	[smem:$0x3F9F] =	sst lr;
	_ =	strace $0xD0000000  }
0x3: {  	_ = 	snop  }
0x4: {  	_ = 	snop  }
0x5: {  	_ = 	snop  }
0x6: {  	_ = 	snop  }
0x7: {  	_ = 	snop  }
__scs_overlays_trampoline_lowered:
0x8: {  	[smem:$0x3FAE] =	sst s0  }
0x9: {  	[smem:$0x3FAF] =	sst s1  }
0xa: {  	[smem:$0x3FB0] =	sst s2  }
0xb: {  	[smem:$0x3FB1] =	sst s3  }
0xc: {  	[smem:$0x3FB2] =	sst s4  }
0xd: {  	[smem:$0x3FB3] =	sst s5  }
0xe: {  	[smem:$0x3FB4] =	sst s6  }
0xf: {  	[smem:$0x3FB5] =	sst s7  }
0x10: {  	[smem:$0x3FB6] =	sst s8  }
0x11: {  	[smem:$0x3FB7] =	sst s9;
	s0 =	simm.s32 @!p0 $0x0  }
0x12: {  	s1 =	sld [smem:$0x3F9D];
	s0 =	simm.s32 @p0 $0x1  }
0x13: {  	[smem:$0x3FB8] =	sst s0;
	s0 =	simm.s32 @!p1 $0x0  }
0x14: {  	s2 =	sld [smem:$0x3F9C];
	s0 =	simm.s32 @p1 $0x1  }
0x15: {  	[smem:$0x3FB9] =	sst s0;
	s0 =	simm.s32 @!p2 $0x0  }
0x16: {  	s3 =	sld [smem:$0x3FDB];
	s0 =	simm.s32 @p2 $0x1  }
0x17: {  	s4 =	simm.s32 $0x1BF5;
	[smem:$0x3FBB] =	sst s0  }
0x18: {  	s0 =	sld [smem:$0x3F9E];
	_ =	swait.ge [sflag:s4], $0x0  }
0x19: {  	s7 =	sld [smem:$0x3F9F]  }
0x1a: {  	s8 =	sadd.s32 $0xFFFFE003, lr  }
0x1b: {  	s9 =	sadd.s32 $0xFFFFFEF7, lr;
	s5 =	simm.s32 $0xFFFFFFFF;
	p2 =	slt.u32 s8, $0xFFFFF086  }
0x1c: {  	p1 =	slt.u32 s9, $0xF7A;
	s5 =	simm.s32 @!p2 $0x0  }
0x1d: {  	s5 =	simm.s32 @p1 $0x1;
	p0 =	seq.s32 s7, s2  }
0x1e: {  	s7 =	smul.u32 @!p0 $0xF7A, s2;
	p2 =	seq.s32 @!p0 s5, $0x0  }
0x1f: {  	s9 =	smul.u32 $0xF7A, s1;
	s8 =	simm.s32 @!p0 $0x1BF5;
	p2 =	por !p2, p0  }
0x20: {  	[sflag:s8] =	ssyncset.s32 @!p0 $0xFFFFF086;
	s6 =	sadd.s32 @!p0 s3, s7;
	s7 =	simm.s32 @!p0 $0x108  }
0x21: {  	s3 =	sadd.s32 s3, s9;
	s6 =	sadd.s32 @!p0 $0x88, s6;
	s7 =	simm.s32 @p2 $0x1082  }
0x22: {  	[simem:s7], [sflag:s8] =	dma.local @!p0 [hbm:s6], $0xF7A  }
0x23: {  	s9 =	sor.u32 $0xD0000000, s2;
	s6 =	simm.s32 $0x108;
	_ =	swait.ge @!p0 [sflag:s8], $0x0  }
0x24: {  	s3 =	sadd.s32 $0x88, s3;
	s6 =	simm.s32 @!p1 $0x1082;
	[sflag:s4] =	ssyncset.s32 $0xFFFFF086  }
0x25: {  	[simem:s6], [sflag:s4] =	dma.local [hbm:s3], $0xF7A  }
0x26: {  	[smem:$0x3F9F] =	sst s1;
	(tag) =	ssettag s2;
	_ =	strace s9  }
0x27: {  	s1 =	sld [smem:$0x3FAF]  }
0x28: {  	s2 =	sld [smem:$0x3FB0]  }
0x29: {  	s4 =	sld [smem:$0x3FB2]  }
0x2a: {  	p0 =	seq.s32 s5, $0x0;
	s5 =	sld [smem:$0x3FB3]  }
0x2b: {  	s6 =	sld [smem:$0x3FB4]  }
0x2c: {  	s7 =	sld [smem:$0x3FB5]  }
0x2d: {  	s3 =	simm.s32 $0x108;
	s8 =	sld [smem:$0x3FB6]  }
0x2e: {  	s3 =	simm.s32 @!p0 $0x1082;
	s9 =	sld [smem:$0x3FB7]  }
0x2f: {  	lr =	sadd.s32 s0, s3;
	s0 =	sld [smem:$0x3FAE]  }
0x30: {  	s3 =	sld [smem:$0x3FB1]  }
0x31: {  	[smem:$0x3FBA] =	sst s10  }
0x32: {  	s10 =	sld [smem:$0x3FB8];
	_ =	sdelay $0x3  }
0x33: {  	p0 =	seq.s32 s10, $0x1;
	s10 =	sld [smem:$0x3FBA];
	_ =	sdelay $0x3  }
0x34: {  	[smem:$0x3FBA] =	sst s10  }
0x35: {  	s10 =	sld [smem:$0x3FB9];
	_ =	sdelay $0x3  }
0x36: {  	p1 =	seq.s32 s10, $0x1;
	s10 =	sld [smem:$0x3FBA];
	_ =	sdelay $0x3  }
0x37: {  	[smem:$0x3FBA] =	sst s10  }
0x38: {  	s10 =	sld [smem:$0x3FBB]  }
0x39: {  	_ = 	snop;
	(pc) =	sbr.ind lr, $3  }
0x3a: {  	_ = 	snop  }
0x3b: {  	_ = 	snop  }
0x3c: {  	p2 =	seq.s32 s10, $0x1;
	s10 =	sld [smem:$0x3FBA]  }
0x3d: {  	_ =	shalt  }
0x3e: {  	_ =	shalt  }
0x3f: {  	_ =	shalt  }
0x40: {  	_ =	shalt  }
0x41: {  	_ =	shalt  }
0x42: {  	_ =	shalt  }
0x43: {  	_ =	shalt  }
0x44: {  	_ =	shalt  }
0x45: {  	_ =	shalt  }
0x46: {  	_ =	shalt  }
0x47: {  	_ =	shalt  }
0x48: {  	_ =	shalt  }
0x49: {  	_ =	shalt  }
0x4a: {  	_ =	shalt  }
0x4b: {  	_ =	shalt  }
0x4c: {  	_ =	shalt  }
0x4d: {  	_ =	shalt  }
0x4e: {  	_ =	shalt  }
0x4f: {  	_ =	shalt  }
0x50: {  	_ =	shalt  }
0x51: {  	_ =	shalt  }
0x52: {  	_ =	shalt  }
0x53: {  	_ =	shalt  }
0x54: {  	_ =	shalt  }
0x55: {  	_ =	shalt  }
0x56: {  	_ =	shalt  }
0x57: {  	_ =	shalt  }
0x58: {  	_ =	shalt  }
0x59: {  	_ =	shalt  }
0x5a: {  	_ =	shalt  }
0x5b: {  	_ =	shalt  }
0x5c: {  	_ =	shalt  }
0x5d: {  	_ =	shalt  }
0x5e: {  	_ =	shalt  }
0x5f: {  	_ =	shalt  }
0x60: {  	_ =	shalt  }
0x61: {  	_ =	shalt  }
0x62: {  	_ =	shalt  }
0x63: {  	_ =	shalt  }
0x64: {  	_ =	shalt  }
0x65: {  	_ =	shalt  }
0x66: {  	_ =	shalt  }
0x67: {  	_ =	shalt  }
0x68: {  	_ =	shalt  }
0x69: {  	_ =	shalt  }
0x6a: {  	_ =	shalt  }
0x6b: {  	_ =	shalt  }
0x6c: {  	_ =	shalt  }
0x6d: {  	_ =	shalt  }
0x6e: {  	_ =	shalt  }
0x6f: {  	_ =	shalt  }
0x70: {  	_ =	shalt  }
0x71: {  	_ =	shalt  }
0x72: {  	_ =	shalt  }
0x73: {  	_ =	shalt  }
0x74: {  	_ =	shalt  }
0x75: {  	_ =	shalt  }
0x76: {  	_ =	shalt  }
0x77: {  	_ =	shalt  }
0x78: {  	_ =	shalt  }
0x79: {  	_ =	shalt  }
0x7a: {  	_ =	shalt  }
0x7b: {  	_ =	shalt  }
0x7c: {  	_ =	shalt  }
0x7d: {  	_ =	shalt  }
0x7e: {  	_ =	shalt  }
0x7f: {  	_ =	shalt  }
0x80: {  	_ =	shalt  }
0x81: {  	_ =	shalt  }
0x82: {  	_ =	shalt  }
0x83: {  	_ =	shalt  }
0x84: {  	_ =	shalt  }
0x85: {  	_ =	shalt  }
0x86: {  	_ =	shalt  }
0x87: {  	_ =	shalt  }
.Lfunc_end0:
.L_simem_size_0:
called_computation_lowered:
.L_overlay_start_0:
0x88: {  	s2 =	sld [smem:$0x3FD9]  }
0x89: {  	s3 =	sld [smem:$0x3FFE];
	_ =	sdelay $0x1  }
0x8a: {  	s1 =	srdreg.scid  }
0x8b: {  	s0 =	sand.u32 $0x1, s1  }
0x8c: {  	s18 =	sshll.u32 s0, $0xA;
	s2 =	sadd.s32 s3, s2  }
0x8d: {  	s2 =	sadd.s32 s2, s18  }
0x8e: {  	[smem:$0x3FC6] =	sst s2  }
0x8f: {  	_ = 	snop  }
0x90: {  	s2 =	sld [smem:$0x3FC9]  }
0x91: {  	s19 =	sld [smem:$0x3FC8]  }
0x92: {  	s4 =	sld [smem:$0x3FD0];
	(tm) =	ssettm $0x1  }
0x93: {  	s5 =	sld [smem:$0x3FFB];
	_ =	sdelay $0x3  }
0x94: {  	_ =	strace s5  }
0x95: {  	s5 =	sld [smem:$0x3FFC];
	_ =	sdelay $0x3  }
0x96: {  	_ =	strace s5  }
0x97: {  	s5 =	sld [smem:$0x3FFD];
	_ =	sdelay $0x3  }
0x98: {  	_ =	strace s5  }
0x99: {  	_ =	strace $0x8FFFFFFF  }
0x9a: {  	s20 =	sld [smem:$0x3FDB];
	_ =	sdelay $0x1  }
0x9b: {  	s6 =	simm.s32 $_scs_section_size  }
0x9c: {  	s7 =	simm.s32 $_size__tile_overlayer_lowered;
	s8 =	simm.s32 $_tile_overlayer_lowered  }
0x9d: {  	s23 =	simm.s32 $0x1BFF;
	s22 =	sshll.u32 s8, $0x1;
	s5 =	sadd.s32 s6, s20  }
0x9e: {  	s9 =	simm.s32 $0x0;
	s21 =	sshll.u32 s7, $0x1;
	s7 =	sadd.s32 s22, s5  }
0x9f: {  	[timem:s9], [sflag:s23] =	dma.local [hbm:s7], s21  }
0xa0: {  	_ =	swait.ge [sflag:s23], s21  }
0xa1: {  	s6 =	ssub.s32 $0x0, s21;
	[sflag:s23] =	ssyncset.done $0x0  }
0xa2: {  	[sflag:s23] =	ssyncadd.s32 s6;
	_ =	sdelay $0x1  }
0xa3: {  	s24 =	simm.s32 $0x1B8B  }
0xa4: {  	_ =	swait.ge [sflag:s24], $0x1  }
0xa5: {  	[sflag:s24] =	ssyncset.done $0x0  }
0xa6: {  	s25 =	simm.s32 $0x1B8E;
	[sflag:s24] =	ssyncadd.s32 $0xFFFFFFFF  }
0xa7: {  	s26 =	simm.s32 $execute0_lowered;
	[smem:$0x3FD2] =	sst s25  }
0xa8: {  	s6 =	sshll.u32 s26, $0x1;
	_ =	strace $0x80000046;
	[dreg:$0x1] =	wrdreg $0xFFFFFFFF  }
0xa9: {  	s28 =	simm.s32 $_size_execute0_lowered;
	s5 =	sadd.s32 s5, s6;
	[dreg:$0x0] =	wrdreg $0x0  }
0xaa: {  	s6 =	sshll.u32 s28, $0x1;
	[dreg:$0x2] =	wrdreg s5  }
0xab: {  	[dreg:$0x3] =	wrdreg s6  }
0xac: {  	[dreg:$0x4] =	wrdreg $0xC0  }
0xad: {  	_ =	task [dreg:s9], $0x5FFFF  }
0xae: {  	[dreg:$0x1] =	wrdreg $0xFFFFFFFF  }
0xaf: {  	[dreg:$0x0] =	wrdreg $0x60  }
0xb0: {  	[dreg:$0x2] =	wrdreg s2  }
0xb1: {  	[dreg:$0x3] =	wrdreg s19  }
0xb2: {  	[dreg:$0x4] =	wrdreg s4  }
0xb3: {  	[dreg:$0x5] =	wrdreg $0x19000  }
0xb4: {  	[dreg:$0x6] =	wrdreg $0x9  }
0xb5: {  	_ =	task.clear_ibuf [dreg:s9], $0x7FFFF;
	_ =	strace $0x90000046  }
0xb6: {  	s29 =	simm.s32 $0x9;
	_ =	strace $0x80000048  }
0xb7: {  	_ =	swait.ge [sflag:s29], $0x1  }
0xb8: {  	[sflag:s29] =	ssyncadd.s32 $0xFFFFFFFF  }
0xb9: {  	_ =	strace $0x90000048  }
0xba: {  	_ =	sfence  }
0xbb: {  	s30 =	sld [smem:$0x0];
	_ =	sdelay $0x2  }
0xbc: {  	s31 =	sshll.u32 s1, $0xD;
	s1 =	sshrl.u32 s1, $0x2  }
0xbd: {  	s3 =	sand.u32 $0x4000, s31;
	s1 =	sadd.s32 s1, s30  }
0xbe: {  	s0 =	sor.u32 s3, s0;
	s1 =	sshll.u32 s1, $0x11  }
0xbf: {  	s0 =	sor.u32 s1, s0  }
0xc0: {  	s0 =	sadd.s32 $0x8F2B, s0  }
0xc1: {  	[sflag:s0] =	ssyncadd.remote.s32 $0x1  }
0xc2: {  	_ =	sfence.sel $0xFFFF  }
0xc3: {  	[dreg:$0x0] =	wrdreg $0xFFFFFFFF;
	(pc) =	sbr.abs _section_cstart, $3  }
0xc4: {  	[dreg:$0x1] =	wrdreg $0xFFFFFFFF  }
0xc5: {  	_ =	task.clear_ibuf [dreg:s9], $0x2FFFF;
	_ =	strace $0x9FFFFFFF  }
0xc6: {  	(tm) =	ssettm $0x7FFFFFFF  }
0xc7: {  	_ =	shalt  }
tec
execute0_lowered:
.L_overlay_start_1:
0x0: {  	(tag) =	ssettag $0x1  }
0x1: {  	s0 =	rddreg [dreg:$0x0]  }
0x2: {  	s1 =	rddreg [dreg:$0x1];
	s2 =	srdreg.scid  }
0x3: {  	s13 =	stileid.u32;
	s3 =	rddreg [dreg:$0x2]  }
0x4: {  	s5 =	rddreg [dreg:$0x3];
	s7 =	simm.s32 $0x0;
	s2 =	sand.u32 $0x1, s2  }
0x5: {  	s4 =	sshll.u32 s13, $0x1;
	[smem:$0x7FF] =	sst s7;
	s8 =	smul.u32 $0x28000, s13  }
0x6: {  	s4 =	sor.u32 s2, s4;
	s25 =	ssub.s32 $0x2, s2;
	_ =	strace $0x80000047  }
0x7: {  	s6 =	smul.u32 $0x1900, s4;
	s9 =	sshrl.u32 s25, $0x1;
	s8 =	sshrl.u32 s8, $0x2  }
0x8: {  	s10 =	smul.u32 $0x19000, s4;
	s12 =	ssub.s32 s25, s9;
	s5 =	sadd.s32 s8, s5  }
0x9: {  	s6 =	sshrl.u32 s6, $0x3;
	[dreg:$0x5] =	wrdreg s5;
	s25 =	smax.u32 s12, $0x1  }
0xa: {  	s4 =	smul.u32 $0xC8000, s4;
	s0 =	sadd.s32 s0, s6;
	[dreg:$0x16] =	wrdreg s25  }
0xb: {  	s6 =	sadd.s32 s3, s10;
	[dreg:$0x6] =	wrdreg s0  }
0xc: {  	s26 =	sshrl.u32 s4, $0x3;
	s30 =	sadd.s32 $0x500, s6;
	[dreg:$0x7] =	wrdreg s6  }
0xd: {  	s0 =	sadd.s32 s3, s26;
	s8 =	sadd.s32 $0xA00, s6;
	[dreg:$0x8] =	wrdreg s30  }
0xe: {  	[dreg:$0x9] =	wrdreg s8;
	s10 =	sadd.s32 $0x1400, s0  }
0xf: {  	s14 =	sadd.s32 $0x1900, s0;
	[dreg:$0xa] =	wrdreg s10  }
0x10: {  	s15 =	sadd.s32 $0x1E00, s0;
	[dreg:$0xb] =	wrdreg s14  }
0x11: {  	s29 =	simm.s32 $0x50;
	s16 =	sadd.s32 $0x2300, s0;
	[dreg:$0xc] =	wrdreg s15  }
0x12: {  	s28 =	simm.s32 $0x13;
	s17 =	sadd.s32 $0x16800, s0;
	[dreg:$0xd] =	wrdreg s16  }
0x13: {  	s31 =	simm.s32 $0x14;
	s18 =	sadd.s32 $0x16D00, s0;
	[dreg:$0xe] =	wrdreg s17  }
0x14: {  	s19 =	smul.u32 $0x32000, s13;
	s20 =	sadd.s32 $0x17200, s0;
	[dreg:$0xf] =	wrdreg s18  }
0x15: {  	s2 =	smul.u32 $0x19000, s2;
	s21 =	sadd.s32 $0x17700, s0;
	[dreg:$0x10] =	wrdreg s20  }
0x16: {  	s7 =	sadd.s32 $0x2800, s5;
	s22 =	sadd.s32 $0x17C00, s0;
	[dreg:$0x11] =	wrdreg s21  }
0x17: {  	s9 =	sadd.s32 $0x5000, s5;
	s23 =	sadd.s32 $0x18100, s0;
	[dreg:$0x12] =	wrdreg s22  }
0x18: {  	s11 =	sadd.s32 $0x7800, s5;
	s24 =	sadd.s32 $0x18600, s0;
	[dreg:$0x13] =	wrdreg s23  }
0x19: {  	s3 =	sadd.s32 s19, s3;
	s0 =	sadd.s32 $0x18B00, s0;
	[dreg:$0x14] =	wrdreg s24  }
0x1a: {  	s2 =	sadd.s32 s2, s3;
	s30 =	sadd.s32 $0xF00, s6;
	[dreg:$0x15] =	wrdreg s0  }
0x1b: {  	s26 =	sadd.s32 $0x4B00, s2;
	[dreg:$0x18] =	wrdreg s30;
	s21 =	simm.s32 $0x11  }
0x1c: {  	s24 =	simm.s32 $0x12;
	s2 =	simm.s32 $0x0;
	[dreg:$0x17] =	wrdreg s26  }
.LBB2_1:
0x1d: {  	[dreg:$0x19] =	wrdreg s2  }
0x1e: {  	s0 =	simm.s32 $0x0;
	s3 =	rddreg [dreg:$0x6];
	s15 =	simm.s32 $0x15  }
0x1f: {  	[tilespmem:s0], [sflag:$0x15] =	stream.linear.gather [hbm4b:s3+s0], $0x1900, $0x38;
	[tilespmem:$0x1F900] =	vst v63  }
0x20: {  	_ =	swait.ge [sflag:s15], $0x1900  }
0x21: {  	[sflag:s15] =	ssyncset.done $0x0  }
0x22: {  	s16 =	simm.s32 $0xB900;
	[sflag:s15] =	ssyncadd.s32 $0xFFFFE700  }
0x23: {  	[tilespmem:s16], [sflag:$0x1] =	stream.indirect.gather [hbm4b:s1+s29], $0x80, s0, s29, $0xb8;
	[tilespmem:$0x1F900] =	vst v63  }
0x24: {  	s17 =	simm.s32 $0xE100  }
0x25: {  	[tilespmem:s17], [sflag:$0x2] =	stream.indirect.gather [hbm4b:s1+s29], $0x80, s29, s29, $0xb8;
	[tilespmem:$0x1F900] =	vst v63  }
0x26: {  	s18 =	simm.s32 $0xA0;
	s19 =	simm.s32 $0x10900  }
0x27: {  	[tilespmem:s19], [sflag:$0x3] =	stream.indirect.gather [hbm4b:s1+s29], $0x80, s18, s29, $0xb8;
	[tilespmem:$0x1F900] =	vst v63  }
0x28: {  	s20 =	simm.s32 $0xF0;
	s22 =	simm.s32 $0x13100  }
0x29: {  	[tilespmem:s22], [sflag:$0x4] =	stream.indirect.gather [hbm4b:s1+s29], $0x80, s20, s29, $0xb8;
	[tilespmem:$0x1F900] =	vst v63  }
0x2a: {  	s23 =	simm.s32 $0x140;
	s25 =	simm.s32 $0x15900  }
0x2b: {  	[tilespmem:s25], [sflag:$0x5] =	stream.indirect.gather [hbm4b:s1+s29], $0x80, s23, s29, $0xb8;
	[tilespmem:$0x1F900] =	vst v63  }
0x2c: {  	s26 =	simm.s32 $0x190;
	s30 =	simm.s32 $0x18100  }
0x2d: {  	[tilespmem:s30], [sflag:$0x6] =	stream.indirect.gather [hbm4b:s1+s29], $0x80, s26, s29, $0xb8;
	[tilespmem:$0x1F900] =	vst v63  }
0x2e: {  	s4 =	simm.s32 $0x1A900;
	s3 =	simm.s32 $0x1E0  }
0x2f: {  	[tilespmem:s4], [sflag:$0x7] =	stream.indirect.gather [hbm4b:s1+s29], $0x80, s3, s29, $0xb8;
	[tilespmem:$0x1F900] =	vst v63  }
0x30: {  	s5 =	simm.s32 $0x230;
	s6 =	simm.s32 $0x1D100;
	s16 =	simm.s32 $0x1  }
0x31: {  	[tilespmem:s6], [sflag:$0x8] =	stream.indirect.gather [hbm4b:s1+s29], $0x80, s5, s29, $0xb8;
	[tilespmem:$0x1F900] =	vst v63  }
0x32: {  	_ =	swait.ge [sflag:s16], $0x2800  }
0x33: {  	s8 =	simm.s32 $0xB900;
	[sflag:s16] =	ssyncset.done $0x0  }
0x34: {  	s17 =	simm.s32 $0x9;
	s5 =	rddreg [dreg:$0x5];
	[sflag:s16] =	ssyncadd.s32 $0xFFFFD800  }
0x35: {  	[spmem:s5] =	stream.linear.scatter [tilespmem:s8], [sflag:$0x9], $0x2800, $0x38;
	[tilespmem:$0x1F900] =	vst v63  }
0x36: {  	_ =	swait.ge [sflag:s17], $0x2800  }
0x37: {  	[sflag:s17] =	ssyncset.done $0x0  }
0x38: {  	s10 =	simm.s32 $0x280;
	s12 =	stileid.u32;
	[sflag:s17] =	ssyncadd.s32 $0xFFFFD800  }
0x39: {  	[tilespmem:s8], [sflag:$0x1] =	stream.indirect.gather [hbm4b:s1+s29], $0x80, s10, s29, $0xb8;
	[tilespmem:$0x1F900] =	vst v63  }
0x3a: {  	s26 =	simm.s32 $0x2;
	s8 =	sshll.u32 s12, $0x6  }
0x3b: {  	s13 =	rddreg [dreg:$0x7];
	s10 =	sshrl.u32 s5, $0x3;
	s0 =	sor.u32 $0x1C11, s8  }
0x3c: {  	[hbm:s13], [sflag:s0] =	dma.local [spmem:s10], $0x500  }
0x3d: {  	_ =	swait.ge [sflag:s26], $0x2800  }
0x3e: {  	[sflag:s26] =	ssyncset.done $0x0  }
0x3f: {  	s14 =	simm.s32 $0xE100;
	s30 =	simm.s32 $0xA;
	[sflag:s26] =	ssyncadd.s32 $0xFFFFD800  }
0x40: {  	[spmem:s7] =	stream.linear.scatter [tilespmem:s14], [sflag:$0xA], $0x2800, $0x38;
	[tilespmem:$0x1F900] =	vst v63  }
0x41: {  	s15 =	simm.s32 $0x2D0;
	_ =	swait.ge [sflag:s30], $0x2800  }
0x42: {  	s6 =	simm.s32 $0x3;
	s12 =	sshrl.u32 s7, $0x3;
	[sflag:s30] =	ssyncset.done $0x0  }
0x43: {  	s3 =	sor.u32 $0x1C12, s8;
	s4 =	rddreg [dreg:$0x8];
	[sflag:s30] =	ssyncadd.s32 $0xFFFFD800  }
0x44: {  	[tilespmem:s14], [sflag:$0x2] =	stream.indirect.gather [hbm4b:s1+s29], $0x80, s15, s29, $0xb8;
	[tilespmem:$0x1F900] =	vst v63  }
0x45: {  	[hbm:s4], [sflag:s3] =	dma.local [spmem:s12], $0x500  }
0x46: {  	_ =	swait.ge [sflag:s6], $0x2800  }
0x47: {  	[sflag:s6] =	ssyncset.done $0x0  }
0x48: {  	s18 =	simm.s32 $0x10900;
	s19 =	simm.s32 $0xB;
	[sflag:s6] =	ssyncadd.s32 $0xFFFFD800  }
0x49: {  	[spmem:s9] =	stream.linear.scatter [tilespmem:s18], [sflag:$0xB], $0x2800, $0x38;
	[tilespmem:$0x1F900] =	vst v63  }
0x4a: {  	_ =	swait.ge [sflag:s19], $0x2800  }
0x4b: {  	[sflag:s19] =	ssyncset.done $0x0  }
0x4c: {  	s20 =	simm.s32 $0x320;
	s13 =	sshrl.u32 s9, $0x3;
	[sflag:s19] =	ssyncadd.s32 $0xFFFFD800  }
0x4d: {  	[tilespmem:s18], [sflag:$0x3] =	stream.indirect.gather [hbm4b:s1+s29], $0x80, s20, s29, $0xb8;
	[tilespmem:$0x1F900] =	vst v63  }
0x4e: {  	s4 =	sor.u32 $0x1C13, s8;
	s14 =	rddreg [dreg:$0x9];
	s18 =	simm.s32 $0x4  }
0x4f: {  	[hbm:s14], [sflag:s4] =	dma.local [spmem:s13], $0x500  }
0x50: {  	_ =	swait.ge [sflag:s18], $0x2800  }
0x51: {  	[sflag:s18] =	ssyncset.done $0x0  }
0x52: {  	s22 =	simm.s32 $0x13100;
	s23 =	simm.s32 $0xC;
	[sflag:s18] =	ssyncadd.s32 $0xFFFFD800  }
0x53: {  	[spmem:s11] =	stream.linear.scatter [tilespmem:s22], [sflag:$0xC], $0x2800, $0x38;
	[tilespmem:$0x1F900] =	vst v63  }
0x54: {  	s25 =	simm.s32 $0x370;
	_ =	swait.ge [sflag:s23], $0x2800  }
0x55: {  	s8 =	sor.u32 $0x1C14, s8;
	s20 =	simm.s32 $0x5;
	[sflag:s23] =	ssyncset.done $0x0  }
0x56: {  	s14 =	sshrl.u32 s11, $0x3;
	s15 =	rddreg [dreg:$0x18];
	[sflag:s23] =	ssyncadd.s32 $0xFFFFD800  }
0x57: {  	[tilespmem:s22], [sflag:$0x4] =	stream.indirect.gather [hbm4b:s1+s29], $0x80, s25, s29, $0xb8;
	[tilespmem:$0x1F900] =	vst v63  }
0x58: {  	[hbm:s15], [sflag:s8] =	dma.local [spmem:s14], $0x500  }
0x59: {  	_ =	swait.ge [sflag:s20], $0x2800  }
0x5a: {  	[sflag:s20] =	ssyncset.done $0x0  }
0x5b: {  	[sflag:s20] =	ssyncadd.s32 $0xFFFFD800  }
0x5c: {  	_ =	swait.ge [sflag:s21], $0x500  }
0x5d: {  	[sflag:s21] =	ssyncset.done $0x0  }
0x5e: {  	s22 =	simm.s32 $0xD;
	s15 =	simm.s32 $0x15900;
	[sflag:s21] =	ssyncadd.s32 $0xFFFFFB00  }
0x5f: {  	[spmem:s5] =	stream.linear.scatter [tilespmem:s15], [sflag:$0xD], $0x2800, $0x38;
	[tilespmem:$0x1F900] =	vst v63  }
0x60: {  	_ =	swait.ge [sflag:s22], $0x2800  }
0x61: {  	[sflag:s22] =	ssyncset.done $0x0  }
0x62: {  	s25 =	simm.s32 $0x3C0;
	[sflag:s22] =	ssyncadd.s32 $0xFFFFD800  }
0x63: {  	[tilespmem:s15], [sflag:$0x5] =	stream.indirect.gather [hbm4b:s1+s29], $0x80, s25, s29, $0xb8;
	[tilespmem:$0x1F900] =	vst v63  }
0x64: {  	s2 =	rddreg [dreg:$0xa];
	s25 =	simm.s32 $0x6  }
0x65: {  	[hbm:s2], [sflag:s0] =	dma.local [spmem:s10], $0x500  }
0x66: {  	_ =	swait.ge [sflag:s25], $0x2800  }
0x67: {  	[sflag:s25] =	ssyncset.done $0x0  }
0x68: {  	[sflag:s25] =	ssyncadd.s32 $0xFFFFD800  }
0x69: {  	_ =	swait.ge [sflag:s24], $0x500  }
0x6a: {  	[sflag:s24] =	ssyncset.done $0x0  }
0x6b: {  	s2 =	simm.s32 $0x18100;
	s25 =	simm.s32 $0xE;
	[sflag:s24] =	ssyncadd.s32 $0xFFFFFB00  }
0x6c: {  	[spmem:s7] =	stream.linear.scatter [tilespmem:s2], [sflag:$0xE], $0x2800, $0x38;
	[tilespmem:$0x1F900] =	vst v63  }
0x6d: {  	_ =	swait.ge [sflag:s25], $0x2800  }
0x6e: {  	[sflag:s25] =	ssyncset.done $0x0  }
0x6f: {  	s15 =	simm.s32 $0x410;
	[sflag:s25] =	ssyncadd.s32 $0xFFFFD800  }
0x70: {  	[tilespmem:s2], [sflag:$0x6] =	stream.indirect.gather [hbm4b:s1+s29], $0x80, s15, s29, $0xb8;
	[tilespmem:$0x1F900] =	vst v63  }
0x71: {  	s2 =	rddreg [dreg:$0xb];
	s15 =	simm.s32 $0x7  }
0x72: {  	[hbm:s2], [sflag:s3] =	dma.local [spmem:s12], $0x500  }
0x73: {  	_ =	swait.ge [sflag:s15], $0x2800  }
0x74: {  	[sflag:s15] =	ssyncset.done $0x0  }
0x75: {  	[sflag:s15] =	ssyncadd.s32 $0xFFFFD800  }
0x76: {  	_ =	swait.ge [sflag:s28], $0x500  }
0x77: {  	[sflag:s28] =	ssyncset.done $0x0  }
0x78: {  	s2 =	simm.s32 $0x1A900;
	s15 =	simm.s32 $0xF;
	[sflag:s28] =	ssyncadd.s32 $0xFFFFFB00  }
0x79: {  	[spmem:s9] =	stream.linear.scatter [tilespmem:s2], [sflag:$0xF], $0x2800, $0x38;
	[tilespmem:$0x1F900] =	vst v63  }
0x7a: {  	_ =	swait.ge [sflag:s15], $0x2800  }
0x7b: {  	[sflag:s15] =	ssyncset.done $0x0  }
0x7c: {  	[sflag:s15] =	ssyncadd.s32 $0xFFFFD800;
	s15 =	simm.s32 $0x460  }
0x7d: {  	[tilespmem:s2], [sflag:$0x7] =	stream.indirect.gather [hbm4b:s1+s29], $0x80, s15, s29, $0xb8;
	[tilespmem:$0x1F900] =	vst v63  }
0x7e: {  	s2 =	rddreg [dreg:$0xc];
	s15 =	simm.s32 $0x8  }
0x7f: {  	[hbm:s2], [sflag:s4] =	dma.local [spmem:s13], $0x500  }
0x80: {  	_ =	swait.ge [sflag:s15], $0x2800  }
0x81: {  	[sflag:s15] =	ssyncset.done $0x0  }
0x82: {  	[sflag:s15] =	ssyncadd.s32 $0xFFFFD800  }
0x83: {  	_ =	swait.ge [sflag:s31], $0x500  }
0x84: {  	[sflag:s31] =	ssyncset.done $0x0  }
0x85: {  	s2 =	simm.s32 $0x1D100;
	s15 =	simm.s32 $0x10;
	[sflag:s31] =	ssyncadd.s32 $0xFFFFFB00  }
0x86: {  	[spmem:s11] =	stream.linear.scatter [tilespmem:s2], [sflag:$0x10], $0x2800, $0x38;
	[tilespmem:$0x1F900] =	vst v63  }
0x87: {  	_ =	swait.ge [sflag:s15], $0x2800  }
0x88: {  	[sflag:s15] =	ssyncset.done $0x0  }
0x89: {  	[sflag:s15] =	ssyncadd.s32 $0xFFFFD800;
	s15 =	simm.s32 $0x4B0  }
0x8a: {  	[tilespmem:s2], [sflag:$0x8] =	stream.indirect.gather [hbm4b:s1+s29], $0x80, s15, s29, $0xb8;
	[tilespmem:$0x1F900] =	vst v63  }
0x8b: {  	s2 =	rddreg [dreg:$0xd]  }
0x8c: {  	[hbm:s2], [sflag:s8] =	dma.local [spmem:s14], $0x500  }
0x8d: {  	_ =	swait.ge [sflag:s16], $0x2800  }
0x8e: {  	[sflag:s16] =	ssyncset.done $0x0  }
0x8f: {  	[sflag:s16] =	ssyncadd.s32 $0xFFFFD800  }
0x90: {  	_ =	swait.ge [sflag:s21], $0x500  }
0x91: {  	[sflag:s21] =	ssyncset.done $0x0  }
0x92: {  	s2 =	simm.s32 $0xB900;
	[sflag:s21] =	ssyncadd.s32 $0xFFFFFB00  }
0x93: {  	[spmem:s5] =	stream.linear.scatter [tilespmem:s2], [sflag:$0x9], $0x2800, $0x38;
	[tilespmem:$0x1F900] =	vst v63  }
0x94: {  	_ =	swait.ge [sflag:s17], $0x2800  }
0x95: {  	[sflag:s17] =	ssyncset.done $0x0  }
0x96: {  	[sflag:s17] =	ssyncadd.s32 $0xFFFFD800;
	s17 =	rddreg [dreg:$0x17]  }
0x97: {  	s15 =	simm.s32 $0x500;
	s16 =	sadd.s32 $0xFFFFDD00, s17  }
0x98: {  	[tilespmem:s2], [sflag:$0x1] =	stream.indirect.gather [hbm4b:s1+s29], $0x80, s15, s29, $0xb8;
	[tilespmem:$0x1F900] =	vst v63  }
0x99: {  	[hbm:s16], [sflag:s0] =	dma.local [spmem:s10], $0x500  }
0x9a: {  	_ =	swait.ge [sflag:s26], $0x2800  }
0x9b: {  	[sflag:s26] =	ssyncset.done $0x0  }
0x9c: {  	[sflag:s26] =	ssyncadd.s32 $0xFFFFD800  }
0x9d: {  	_ =	swait.ge [sflag:s24], $0x500  }
0x9e: {  	[sflag:s24] =	ssyncset.done $0x0  }
0x9f: {  	s16 =	simm.s32 $0xE100;
	[sflag:s24] =	ssyncadd.s32 $0xFFFFFB00  }
0xa0: {  	[spmem:s7] =	stream.linear.scatter [tilespmem:s16], [sflag:$0xA], $0x2800, $0x38;
	[tilespmem:$0x1F900] =	vst v63  }
0xa1: {  	_ =	swait.ge [sflag:s30], $0x2800  }
0xa2: {  	[sflag:s30] =	ssyncset.done $0x0  }
0xa3: {  	s2 =	sadd.s32 $0xFFFFE200, s17;
	[sflag:s30] =	ssyncadd.s32 $0xFFFFD800;
	s30 =	simm.s32 $0x550  }
0xa4: {  	[tilespmem:s16], [sflag:$0x2] =	stream.indirect.gather [hbm4b:s1+s29], $0x80, s30, s29, $0xb8;
	[tilespmem:$0x1F900] =	vst v63  }
0xa5: {  	[hbm:s2], [sflag:s3] =	dma.local [spmem:s12], $0x500  }
0xa6: {  	_ =	swait.ge [sflag:s6], $0x2800  }
0xa7: {  	[sflag:s6] =	ssyncset.done $0x0  }
0xa8: {  	[sflag:s6] =	ssyncadd.s32 $0xFFFFD800  }
0xa9: {  	_ =	swait.ge [sflag:s28], $0x500  }
0xaa: {  	[sflag:s28] =	ssyncset.done $0x0  }
0xab: {  	s26 =	simm.s32 $0x10900;
	[sflag:s28] =	ssyncadd.s32 $0xFFFFFB00  }
0xac: {  	[spmem:s9] =	stream.linear.scatter [tilespmem:s26], [sflag:$0xB], $0x2800, $0x38;
	[tilespmem:$0x1F900] =	vst v63  }
0xad: {  	_ =	swait.ge [sflag:s19], $0x2800  }
0xae: {  	[sflag:s19] =	ssyncset.done $0x0  }
0xaf: {  	s30 =	simm.s32 $0x5A0;
	s2 =	sadd.s32 $0xFFFFE700, s17;
	[sflag:s19] =	ssyncadd.s32 $0xFFFFD800  }
0xb0: {  	[tilespmem:s26], [sflag:$0x3] =	stream.indirect.gather [hbm4b:s1+s29], $0x80, s30, s29, $0xb8;
	[tilespmem:$0x1F900] =	vst v63  }
0xb1: {  	[hbm:s2], [sflag:s4] =	dma.local [spmem:s13], $0x500  }
0xb2: {  	_ =	swait.ge [sflag:s18], $0x2800  }
0xb3: {  	[sflag:s18] =	ssyncset.done $0x0  }
0xb4: {  	[sflag:s18] =	ssyncadd.s32 $0xFFFFD800  }
0xb5: {  	_ =	swait.ge [sflag:s31], $0x500  }
0xb6: {  	[sflag:s31] =	ssyncset.done $0x0  }
0xb7: {  	s16 =	simm.s32 $0x13100;
	[sflag:s31] =	ssyncadd.s32 $0xFFFFFB00  }
0xb8: {  	[spmem:s11] =	stream.linear.scatter [tilespmem:s16], [sflag:$0xC], $0x2800, $0x38;
	[tilespmem:$0x1F900] =	vst v63  }
0xb9: {  	_ =	swait.ge [sflag:s23], $0x2800  }
0xba: {  	[sflag:s23] =	ssyncset.done $0x0  }
0xbb: {  	s19 =	sadd.s32 $0xFFFFEC00, s17;
	s18 =	simm.s32 $0x5F0;
	[sflag:s23] =	ssyncadd.s32 $0xFFFFD800  }
0xbc: {  	[tilespmem:s16], [sflag:$0x4] =	stream.indirect.gather [hbm4b:s1+s29], $0x80, s18, s29, $0xb8;
	[tilespmem:$0x1F900] =	vst v63  }
0xbd: {  	[hbm:s19], [sflag:s8] =	dma.local [spmem:s14], $0x500  }
0xbe: {  	_ =	swait.ge [sflag:s20], $0x2800  }
0xbf: {  	[sflag:s20] =	ssyncset.done $0x0  }
0xc0: {  	[sflag:s20] =	ssyncadd.s32 $0xFFFFD800  }
0xc1: {  	_ =	swait.ge [sflag:s21], $0x500  }
0xc2: {  	[sflag:s21] =	ssyncset.done $0x0  }
0xc3: {  	s20 =	simm.s32 $0x15900;
	[sflag:s21] =	ssyncadd.s32 $0xFFFFFB00  }
0xc4: {  	[spmem:s5] =	stream.linear.scatter [tilespmem:s20], [sflag:$0xD], $0x2800, $0x38;
	[tilespmem:$0x1F900] =	vst v63  }
0xc5: {  	_ =	swait.ge [sflag:s22], $0x2800  }
0xc6: {  	s26 =	simm.s32 $0x6;
	[sflag:s22] =	ssyncset.done $0x0  }
0xc7: {  	s23 =	sadd.s32 $0xFFFFF100, s17;
	[sflag:s22] =	ssyncadd.s32 $0xFFFFD800;
	s22 =	simm.s32 $0x640  }
0xc8: {  	[tilespmem:s20], [sflag:$0x5] =	stream.indirect.gather [hbm4b:s1+s29], $0x80, s22, s29, $0xb8;
	[tilespmem:$0x1F900] =	vst v63  }
0xc9: {  	[hbm:s23], [sflag:s0] =	dma.local [spmem:s10], $0x500  }
0xca: {  	_ =	swait.ge [sflag:s26], $0x2800  }
0xcb: {  	[sflag:s26] =	ssyncset.done $0x0  }
0xcc: {  	[sflag:s26] =	ssyncadd.s32 $0xFFFFD800  }
0xcd: {  	_ =	swait.ge [sflag:s24], $0x500  }
0xce: {  	[sflag:s24] =	ssyncset.done $0x0  }
0xcf: {  	s30 =	simm.s32 $0x18100;
	[sflag:s24] =	ssyncadd.s32 $0xFFFFFB00  }
0xd0: {  	[spmem:s7] =	stream.linear.scatter [tilespmem:s30], [sflag:$0xE], $0x2800, $0x38;
	[tilespmem:$0x1F900] =	vst v63  }
0xd1: {  	_ =	swait.ge [sflag:s25], $0x2800  }
0xd2: {  	s6 =	sadd.s32 $0xFFFFF600, s17;
	[sflag:s25] =	ssyncset.done $0x0  }
0xd3: {  	s2 =	simm.s32 $0x690;
	s16 =	simm.s32 $0x7;
	[sflag:s25] =	ssyncadd.s32 $0xFFFFD800  }
0xd4: {  	[tilespmem:s30], [sflag:$0x6] =	stream.indirect.gather [hbm4b:s1+s29], $0x80, s2, s29, $0xb8;
	[tilespmem:$0x1F900] =	vst v63  }
0xd5: {  	[hbm:s6], [sflag:s3] =	dma.local [spmem:s12], $0x500  }
0xd6: {  	_ =	swait.ge [sflag:s16], $0x2800  }
0xd7: {  	[sflag:s16] =	ssyncset.done $0x0  }
0xd8: {  	[sflag:s16] =	ssyncadd.s32 $0xFFFFD800  }
0xd9: {  	_ =	swait.ge [sflag:s28], $0x500  }
0xda: {  	[sflag:s28] =	ssyncset.done $0x0  }
0xdb: {  	s18 =	simm.s32 $0x1A900;
	s19 =	simm.s32 $0xF;
	[sflag:s28] =	ssyncadd.s32 $0xFFFFFB00  }
0xdc: {  	[spmem:s9] =	stream.linear.scatter [tilespmem:s18], [sflag:$0xF], $0x2800, $0x38;
	[tilespmem:$0x1F900] =	vst v63  }
0xdd: {  	_ =	swait.ge [sflag:s19], $0x2800  }
0xde: {  	s20 =	simm.s32 $0x6E0;
	[sflag:s19] =	ssyncset.done $0x0  }
0xdf: {  	s22 =	sadd.s32 $0xFFFFFB00, s17;
	s23 =	simm.s32 $0x8;
	[sflag:s19] =	ssyncadd.s32 $0xFFFFD800  }
0xe0: {  	[tilespmem:s18], [sflag:$0x7] =	stream.indirect.gather [hbm4b:s1+s29], $0x80, s20, s29, $0xb8;
	[tilespmem:$0x1F900] =	vst v63  }
0xe1: {  	[hbm:s22], [sflag:s4] =	dma.local [spmem:s13], $0x500  }
0xe2: {  	_ =	swait.ge [sflag:s23], $0x2800  }
0xe3: {  	[sflag:s23] =	ssyncset.done $0x0  }
0xe4: {  	[sflag:s23] =	ssyncadd.s32 $0xFFFFD800  }
0xe5: {  	_ =	swait.ge [sflag:s31], $0x500  }
0xe6: {  	[sflag:s31] =	ssyncset.done $0x0  }
0xe7: {  	s26 =	simm.s32 $0x10;
	s25 =	simm.s32 $0x1D100;
	[sflag:s31] =	ssyncadd.s32 $0xFFFFFB00  }
0xe8: {  	[spmem:s11] =	stream.linear.scatter [tilespmem:s25], [sflag:$0x10], $0x2800, $0x38;
	[tilespmem:$0x1F900] =	vst v63  }
0xe9: {  	_ =	swait.ge [sflag:s26], $0x2800  }
0xea: {  	s15 =	simm.s32 $0xA00;
	[sflag:s26] =	ssyncset.done $0x0  }
0xeb: {  	s30 =	simm.s32 $0x730;
	s16 =	sadd.s32 $0x2800, s17;
	[sflag:s26] =	ssyncadd.s32 $0xFFFFD800  }
0xec: {  	[tilespmem:s25], [sflag:$0x8] =	stream.indirect.gather [hbm4b:s1+s29], $0x80, s30, s29, $0xb8;
	[tilespmem:$0x1F900] =	vst v63  }
.LBB2_2:
0xed: {  	[hbm:s17], [sflag:s8] =	dma.local [spmem:s14], $0x500  }
0xee: {  	s2 =	simm.s32 $0x1  }
0xef: {  	_ =	swait.ge [sflag:s2], $0x2800  }
0xf0: {  	[sflag:s2] =	ssyncset.done $0x0  }
0xf1: {  	[sflag:s2] =	ssyncadd.s32 $0xFFFFD800  }
0xf2: {  	_ =	swait.ge [sflag:s21], $0x500  }
0xf3: {  	s23 =	simm.s32 $0xB900;
	[sflag:s21] =	ssyncset.done $0x0  }
0xf4: {  	s5 =	simm.s32 $0x9;
	s2 =	rddreg [dreg:$0x5];
	[sflag:s21] =	ssyncadd.s32 $0xFFFFFB00  }
0xf5: {  	[spmem:s2] =	stream.linear.scatter [tilespmem:s23], [sflag:$0x9], $0x2800, $0x38;
	[tilespmem:$0x1F900] =	vst v63  }
0xf6: {  	s18 =	smov.u32 s15;
	_ =	swait.ge [sflag:s5], $0x2800  }
0xf7: {  	s18 =	sshra.s32 s18, $0x2;
	[sflag:s5] =	ssyncset.done $0x0  }
0xf8: {  	s19 =	sadd.s32 $0x500, s18;
	[sflag:s5] =	ssyncadd.s32 $0xFFFFD800  }
0xf9: {  	[tilespmem:s23], [sflag:$0x1] =	stream.indirect.gather [hbm4b:s1+s29], $0x80, s19, s29, $0xb8;
	[tilespmem:$0x1F900] =	vst v63  }
0xfa: {  	s20 =	sadd.s32 $0xFFFFDD00, s16;
	s23 =	simm.s32 $0x2  }
0xfb: {  	[hbm:s20], [sflag:s0] =	dma.local [spmem:s10], $0x500  }
0xfc: {  	_ =	swait.ge [sflag:s23], $0x2800  }
0xfd: {  	[sflag:s23] =	ssyncset.done $0x0  }
0xfe: {  	[sflag:s23] =	ssyncadd.s32 $0xFFFFD800  }
0xff: {  	_ =	swait.ge [sflag:s24], $0x500  }
0x100: {  	[sflag:s24] =	ssyncset.done $0x0  }
0x101: {  	s26 =	simm.s32 $0xE100;
	s25 =	simm.s32 $0xA;
	[sflag:s24] =	ssyncadd.s32 $0xFFFFFB00  }
0x102: {  	[spmem:s7] =	stream.linear.scatter [tilespmem:s26], [sflag:$0xA], $0x2800, $0x38;
	[tilespmem:$0x1F900] =	vst v63  }
0x103: {  	_ =	swait.ge [sflag:s25], $0x2800  }
0x104: {  	s6 =	sadd.s32 $0xFFFFE200, s16;
	[sflag:s25] =	ssyncset.done $0x0  }
0x105: {  	s5 =	sadd.s32 $0x550, s18;
	s19 =	simm.s32 $0x3;
	[sflag:s25] =	ssyncadd.s32 $0xFFFFD800  }
0x106: {  	[tilespmem:s26], [sflag:$0x2] =	stream.indirect.gather [hbm4b:s1+s29], $0x80, s5, s29, $0xb8;
	[tilespmem:$0x1F900] =	vst v63  }
0x107: {  	[hbm:s6], [sflag:s3] =	dma.local [spmem:s12], $0x500  }
0x108: {  	_ =	swait.ge [sflag:s19], $0x2800  }
0x109: {  	[sflag:s19] =	ssyncset.done $0x0  }
0x10a: {  	[sflag:s19] =	ssyncadd.s32 $0xFFFFD800  }
0x10b: {  	_ =	swait.ge [sflag:s28], $0x500  }
0x10c: {  	[sflag:s28] =	ssyncset.done $0x0  }
0x10d: {  	s20 =	simm.s32 $0xB;
	s6 =	simm.s32 $0x10900;
	[sflag:s28] =	ssyncadd.s32 $0xFFFFFB00  }
0x10e: {  	[spmem:s9] =	stream.linear.scatter [tilespmem:s6], [sflag:$0xB], $0x2800, $0x38;
	[tilespmem:$0x1F900] =	vst v63  }
0x10f: {  	_ =	swait.ge [sflag:s20], $0x2800  }
0x110: {  	[sflag:s20] =	ssyncset.done $0x0  }
0x111: {  	s25 =	sadd.s32 $0x5A0, s18;
	[sflag:s20] =	ssyncadd.s32 $0xFFFFD800  }
0x112: {  	[tilespmem:s6], [sflag:$0x3] =	stream.indirect.gather [hbm4b:s1+s29], $0x80, s25, s29, $0xb8;
	[tilespmem:$0x1F900] =	vst v63  }
0x113: {  	s5 =	sadd.s32 $0xFFFFE700, s16;
	s6 =	simm.s32 $0x4  }
0x114: {  	[hbm:s5], [sflag:s4] =	dma.local [spmem:s13], $0x500  }
0x115: {  	_ =	swait.ge [sflag:s6], $0x2800  }
0x116: {  	[sflag:s6] =	ssyncset.done $0x0  }
0x117: {  	[sflag:s6] =	ssyncadd.s32 $0xFFFFD800  }
0x118: {  	_ =	swait.ge [sflag:s31], $0x500  }
0x119: {  	[sflag:s31] =	ssyncset.done $0x0  }
0x11a: {  	s19 =	simm.s32 $0xC;
	s25 =	simm.s32 $0x13100;
	[sflag:s31] =	ssyncadd.s32 $0xFFFFFB00  }
0x11b: {  	[spmem:s11] =	stream.linear.scatter [tilespmem:s25], [sflag:$0xC], $0x2800, $0x38;
	[tilespmem:$0x1F900] =	vst v63  }
0x11c: {  	_ =	swait.ge [sflag:s19], $0x2800  }
0x11d: {  	[sflag:s19] =	ssyncset.done $0x0  }
0x11e: {  	s20 =	sadd.s32 $0x5F0, s18;
	[sflag:s19] =	ssyncadd.s32 $0xFFFFD800  }
0x11f: {  	[tilespmem:s25], [sflag:$0x4] =	stream.indirect.gather [hbm4b:s1+s29], $0x80, s20, s29, $0xb8;
	[tilespmem:$0x1F900] =	vst v63  }
0x120: {  	s5 =	sadd.s32 $0xFFFFEC00, s16;
	s25 =	simm.s32 $0x5  }
0x121: {  	[hbm:s5], [sflag:s8] =	dma.local [spmem:s14], $0x500  }
0x122: {  	_ =	swait.ge [sflag:s25], $0x2800  }
0x123: {  	[sflag:s25] =	ssyncset.done $0x0  }
0x124: {  	[sflag:s25] =	ssyncadd.s32 $0xFFFFD800  }
0x125: {  	_ =	swait.ge [sflag:s21], $0x500  }
0x126: {  	[sflag:s21] =	ssyncset.done $0x0  }
0x127: {  	s30 =	simm.s32 $0x15900;
	s19 =	simm.s32 $0xD;
	[sflag:s21] =	ssyncadd.s32 $0xFFFFFB00  }
0x128: {  	[spmem:s2] =	stream.linear.scatter [tilespmem:s30], [sflag:$0xD], $0x2800, $0x38;
	[tilespmem:$0x1F900] =	vst v63  }
0x129: {  	_ =	swait.ge [sflag:s19], $0x2800  }
0x12a: {  	s20 =	sadd.s32 $0x640, s18;
	[sflag:s19] =	ssyncset.done $0x0  }
0x12b: {  	s5 =	simm.s32 $0x6;
	s2 =	sadd.s32 $0xFFFFF100, s16;
	[sflag:s19] =	ssyncadd.s32 $0xFFFFD800  }
0x12c: {  	[tilespmem:s30], [sflag:$0x5] =	stream.indirect.gather [hbm4b:s1+s29], $0x80, s20, s29, $0xb8;
	[tilespmem:$0x1F900] =	vst v63  }
0x12d: {  	[hbm:s2], [sflag:s0] =	dma.local [spmem:s10], $0x500  }
0x12e: {  	_ =	swait.ge [sflag:s5], $0x2800  }
0x12f: {  	[sflag:s5] =	ssyncset.done $0x0  }
0x130: {  	[sflag:s5] =	ssyncadd.s32 $0xFFFFD800  }
0x131: {  	_ =	swait.ge [sflag:s24], $0x500  }
0x132: {  	[sflag:s24] =	ssyncset.done $0x0  }
0x133: {  	s19 =	simm.s32 $0xE;
	s2 =	simm.s32 $0x18100;
	[sflag:s24] =	ssyncadd.s32 $0xFFFFFB00  }
0x134: {  	[spmem:s7] =	stream.linear.scatter [tilespmem:s2], [sflag:$0xE], $0x2800, $0x38;
	[tilespmem:$0x1F900] =	vst v63  }
0x135: {  	_ =	swait.ge [sflag:s19], $0x2800  }
0x136: {  	s20 =	sadd.s32 $0x690, s18;
	[sflag:s19] =	ssyncset.done $0x0  }
0x137: {  	s5 =	sadd.s32 $0xFFFFF600, s16;
	[sflag:s19] =	ssyncadd.s32 $0xFFFFD800;
	s19 =	simm.s32 $0x7  }
0x138: {  	[tilespmem:s2], [sflag:$0x6] =	stream.indirect.gather [hbm4b:s1+s29], $0x80, s20, s29, $0xb8;
	[tilespmem:$0x1F900] =	vst v63  }
0x139: {  	[hbm:s5], [sflag:s3] =	dma.local [spmem:s12], $0x500  }
0x13a: {  	_ =	swait.ge [sflag:s19], $0x2800  }
0x13b: {  	[sflag:s19] =	ssyncset.done $0x0  }
0x13c: {  	[sflag:s19] =	ssyncadd.s32 $0xFFFFD800  }
0x13d: {  	_ =	swait.ge [sflag:s28], $0x500  }
0x13e: {  	[sflag:s28] =	ssyncset.done $0x0  }
0x13f: {  	s20 =	simm.s32 $0xF;
	s5 =	simm.s32 $0x1A900;
	[sflag:s28] =	ssyncadd.s32 $0xFFFFFB00  }
0x140: {  	[spmem:s9] =	stream.linear.scatter [tilespmem:s5], [sflag:$0xF], $0x2800, $0x38;
	[tilespmem:$0x1F900] =	vst v63  }
0x141: {  	_ =	swait.ge [sflag:s20], $0x2800  }
0x142: {  	[sflag:s20] =	ssyncset.done $0x0  }
0x143: {  	s19 =	sadd.s32 $0x6E0, s18;
	[sflag:s20] =	ssyncadd.s32 $0xFFFFD800  }
0x144: {  	[tilespmem:s5], [sflag:$0x7] =	stream.indirect.gather [hbm4b:s1+s29], $0x80, s19, s29, $0xb8;
	[tilespmem:$0x1F900] =	vst v63  }
0x145: {  	s20 =	sadd.s32 $0xFFFFFB00, s16;
	s19 =	simm.s32 $0x8  }
0x146: {  	[hbm:s20], [sflag:s4] =	dma.local [spmem:s13], $0x500  }
0x147: {  	_ =	swait.ge [sflag:s19], $0x2800  }
0x148: {  	[sflag:s19] =	ssyncset.done $0x0  }
0x149: {  	p0 =	sne.s32 s15, $0x4600;
	[sflag:s19] =	ssyncadd.s32 $0xFFFFD800  }
0x14a: {  	s15 =	sadd.s32 $0xA00, s15;
	s17 =	smov.u32 s16;
	_ =	swait.ge [sflag:s31], $0x500  }
0x14b: {  	s22 =	simm.s32 $0xB900;
	s23 =	simm.s32 $0xE100;
	[sflag:s31] =	ssyncset.done $0x0  }
0x14c: {  	s26 =	simm.s32 $0x10900;
	s5 =	simm.s32 $0x1D100;
	[sflag:s31] =	ssyncadd.s32 $0xFFFFFB00  }
0x14d: {  	[spmem:s11] =	stream.linear.scatter [tilespmem:s5], [sflag:$0x10], $0x2800, $0x38;
	[tilespmem:$0x1F900] =	vst v63  }
.Ltmp0:
0x14e: {  	s6 =	simm.s32 $0x13100;
	s20 =	simm.s32 $0x10;
	(pc) =	sbr.rel @p0 .LBB2_2-.Ltmp0, $4  }
0x14f: {  	s25 =	simm.s32 $0x15900;
	s30 =	simm.s32 $0x18100;
	_ =	swait.ge [sflag:s20], $0x2800  }
0x150: {  	s2 =	simm.s32 $0x1A900;
	s18 =	sadd.s32 $0x730, s18;
	[sflag:s20] =	ssyncset.done $0x0  }
0x151: {  	s16 =	sadd.s32 $0x2800, s16;
	s19 =	simm.s32 $0x1D100;
	[sflag:s20] =	ssyncadd.s32 $0xFFFFD800  }
0x152: {  	[tilespmem:s5], [sflag:$0x8] =	stream.indirect.gather [hbm4b:s1+s29], $0x80, s18, s29, $0xb8;
	[tilespmem:$0x1F900] =	vst v63  }
0x153: {  	[hbm:s17], [sflag:s8] =	dma.local [spmem:s14], $0x500  }
0x154: {  	s5 =	simm.s32 $0x1  }
0x155: {  	_ =	swait.ge [sflag:s5], $0x2800  }
0x156: {  	[sflag:s5] =	ssyncset.done $0x0  }
0x157: {  	[sflag:s5] =	ssyncadd.s32 $0xFFFFD800  }
0x158: {  	_ =	swait.ge [sflag:s21], $0x500  }
0x159: {  	[sflag:s21] =	ssyncset.done $0x0  }
0x15a: {  	s15 =	simm.s32 $0x9;
	s5 =	rddreg [dreg:$0x5];
	[sflag:s21] =	ssyncadd.s32 $0xFFFFFB00  }
0x15b: {  	[spmem:s5] =	stream.linear.scatter [tilespmem:s22], [sflag:$0x9], $0x2800, $0x38;
	[tilespmem:$0x1F900] =	vst v63  }
0x15c: {  	_ =	swait.ge [sflag:s15], $0x2800  }
0x15d: {  	[sflag:s15] =	ssyncset.done $0x0  }
0x15e: {  	s18 =	simm.s32 $0x2;
	s17 =	rddreg [dreg:$0xe];
	[sflag:s15] =	ssyncadd.s32 $0xFFFFD800  }
0x15f: {  	[hbm:s17], [sflag:s0] =	dma.local [spmem:s10], $0x500  }
0x160: {  	_ =	swait.ge [sflag:s18], $0x2800  }
0x161: {  	[sflag:s18] =	ssyncset.done $0x0  }
0x162: {  	[sflag:s18] =	ssyncadd.s32 $0xFFFFD800  }
0x163: {  	_ =	swait.ge [sflag:s24], $0x500  }
0x164: {  	[sflag:s24] =	ssyncset.done $0x0  }
0x165: {  	s20 =	simm.s32 $0xA;
	[sflag:s24] =	ssyncadd.s32 $0xFFFFFB00  }
0x166: {  	[spmem:s7] =	stream.linear.scatter [tilespmem:s23], [sflag:$0xA], $0x2800, $0x38;
	[tilespmem:$0x1F900] =	vst v63  }
0x167: {  	_ =	swait.ge [sflag:s20], $0x2800  }
0x168: {  	[sflag:s20] =	ssyncset.done $0x0  }
0x169: {  	s23 =	simm.s32 $0x3;
	s22 =	rddreg [dreg:$0xf];
	[sflag:s20] =	ssyncadd.s32 $0xFFFFD800  }
0x16a: {  	[hbm:s22], [sflag:s3] =	dma.local [spmem:s12], $0x500  }
0x16b: {  	_ =	swait.ge [sflag:s23], $0x2800  }
0x16c: {  	[sflag:s23] =	ssyncset.done $0x0  }
0x16d: {  	[sflag:s23] =	ssyncadd.s32 $0xFFFFD800  }
0x16e: {  	_ =	swait.ge [sflag:s28], $0x500  }
0x16f: {  	[sflag:s28] =	ssyncset.done $0x0  }
0x170: {  	s16 =	simm.s32 $0xB;
	[sflag:s28] =	ssyncadd.s32 $0xFFFFFB00  }
0x171: {  	[spmem:s9] =	stream.linear.scatter [tilespmem:s26], [sflag:$0xB], $0x2800, $0x38;
	[tilespmem:$0x1F900] =	vst v63  }
0x172: {  	_ =	swait.ge [sflag:s16], $0x2800  }
0x173: {  	[sflag:s16] =	ssyncset.done $0x0  }
0x174: {  	s18 =	simm.s32 $0x4;
	s17 =	rddreg [dreg:$0x10];
	[sflag:s16] =	ssyncadd.s32 $0xFFFFD800  }
0x175: {  	[hbm:s17], [sflag:s4] =	dma.local [spmem:s13], $0x500  }
0x176: {  	_ =	swait.ge [sflag:s18], $0x2800  }
0x177: {  	[sflag:s18] =	ssyncset.done $0x0  }
0x178: {  	[sflag:s18] =	ssyncadd.s32 $0xFFFFD800  }
0x179: {  	_ =	swait.ge [sflag:s31], $0x500  }
0x17a: {  	[sflag:s31] =	ssyncset.done $0x0  }
0x17b: {  	s20 =	simm.s32 $0xC;
	[sflag:s31] =	ssyncadd.s32 $0xFFFFFB00  }
0x17c: {  	[spmem:s11] =	stream.linear.scatter [tilespmem:s6], [sflag:$0xC], $0x2800, $0x38;
	[tilespmem:$0x1F900] =	vst v63  }
0x17d: {  	_ =	swait.ge [sflag:s20], $0x2800  }
0x17e: {  	[sflag:s20] =	ssyncset.done $0x0  }
0x17f: {  	s23 =	simm.s32 $0x5;
	s22 =	rddreg [dreg:$0x11];
	[sflag:s20] =	ssyncadd.s32 $0xFFFFD800  }
0x180: {  	[hbm:s22], [sflag:s8] =	dma.local [spmem:s14], $0x500  }
0x181: {  	_ =	swait.ge [sflag:s23], $0x2800  }
0x182: {  	[sflag:s23] =	ssyncset.done $0x0  }
0x183: {  	[sflag:s23] =	ssyncadd.s32 $0xFFFFD800  }
0x184: {  	_ =	swait.ge [sflag:s21], $0x500  }
0x185: {  	[sflag:s21] =	ssyncset.done $0x0  }
0x186: {  	s26 =	simm.s32 $0xD;
	[sflag:s21] =	ssyncadd.s32 $0xFFFFFB00  }
0x187: {  	[spmem:s5] =	stream.linear.scatter [tilespmem:s25], [sflag:$0xD], $0x2800, $0x38;
	[tilespmem:$0x1F900] =	vst v63  }
0x188: {  	_ =	swait.ge [sflag:s26], $0x2800  }
0x189: {  	[sflag:s26] =	ssyncset.done $0x0  }
0x18a: {  	s6 =	rddreg [dreg:$0x12];
	[sflag:s26] =	ssyncadd.s32 $0xFFFFD800  }
0x18b: {  	[hbm:s6], [sflag:s0] =	dma.local [spmem:s10], $0x500  }
0x18c: {  	s10 =	simm.s32 $0x6  }
0x18d: {  	_ =	swait.ge [sflag:s10], $0x2800  }
0x18e: {  	[sflag:s10] =	ssyncset.done $0x0  }
0x18f: {  	[sflag:s10] =	ssyncadd.s32 $0xFFFFD800  }
0x190: {  	_ =	swait.ge [sflag:s24], $0x500  }
0x191: {  	[sflag:s24] =	ssyncset.done $0x0  }
0x192: {  	s15 =	simm.s32 $0xE;
	[sflag:s24] =	ssyncadd.s32 $0xFFFFFB00  }
0x193: {  	[spmem:s7] =	stream.linear.scatter [tilespmem:s30], [sflag:$0xE], $0x2800, $0x38;
	[tilespmem:$0x1F900] =	vst v63  }
0x194: {  	_ =	swait.ge [sflag:s15], $0x2800  }
0x195: {  	[sflag:s15] =	ssyncset.done $0x0  }
0x196: {  	s17 =	simm.s32 $0x7;
	s16 =	rddreg [dreg:$0x13];
	[sflag:s15] =	ssyncadd.s32 $0xFFFFD800  }
0x197: {  	[hbm:s16], [sflag:s3] =	dma.local [spmem:s12], $0x500  }
0x198: {  	_ =	swait.ge [sflag:s17], $0x2800  }
0x199: {  	[sflag:s17] =	ssyncset.done $0x0  }
0x19a: {  	[sflag:s17] =	ssyncadd.s32 $0xFFFFD800  }
0x19b: {  	_ =	swait.ge [sflag:s28], $0x500  }
0x19c: {  	[sflag:s28] =	ssyncset.done $0x0  }
0x19d: {  	s18 =	simm.s32 $0xF;
	[sflag:s28] =	ssyncadd.s32 $0xFFFFFB00  }
0x19e: {  	[spmem:s9] =	stream.linear.scatter [tilespmem:s2], [sflag:$0xF], $0x2800, $0x38;
	[tilespmem:$0x1F900] =	vst v63  }
0x19f: {  	_ =	swait.ge [sflag:s18], $0x2800  }
0x1a0: {  	[sflag:s18] =	ssyncset.done $0x0  }
0x1a1: {  	s22 =	simm.s32 $0x8;
	s20 =	rddreg [dreg:$0x14];
	[sflag:s18] =	ssyncadd.s32 $0xFFFFD800  }
0x1a2: {  	[hbm:s20], [sflag:s4] =	dma.local [spmem:s13], $0x500  }
0x1a3: {  	_ =	swait.ge [sflag:s22], $0x2800  }
0x1a4: {  	[sflag:s22] =	ssyncset.done $0x0  }
0x1a5: {  	[sflag:s22] =	ssyncadd.s32 $0xFFFFD800  }
0x1a6: {  	_ =	swait.ge [sflag:s31], $0x500  }
0x1a7: {  	[sflag:s31] =	ssyncset.done $0x0  }
0x1a8: {  	s23 =	simm.s32 $0x10;
	[sflag:s31] =	ssyncadd.s32 $0xFFFFFB00  }
0x1a9: {  	[spmem:s11] =	stream.linear.scatter [tilespmem:s19], [sflag:$0x10], $0x2800, $0x38;
	[tilespmem:$0x1F900] =	vst v63  }
0x1aa: {  	_ =	swait.ge [sflag:s23], $0x2800  }
0x1ab: {  	[sflag:s23] =	ssyncset.done $0x0  }
0x1ac: {  	s25 =	rddreg [dreg:$0x15];
	[sflag:s23] =	ssyncadd.s32 $0xFFFFD800  }
0x1ad: {  	[hbm:s25], [sflag:s8] =	dma.local [spmem:s14], $0x500  }
0x1ae: {  	_ =	swait.ge [sflag:s21], $0x500  }
0x1af: {  	[sflag:s21] =	ssyncset.done $0x0  }
0x1b0: {  	[sflag:s21] =	ssyncadd.s32 $0xFFFFFB00  }
0x1b1: {  	_ =	swait.ge [sflag:s24], $0x500  }
0x1b2: {  	[sflag:s24] =	ssyncset.done $0x0  }
0x1b3: {  	[sflag:s24] =	ssyncadd.s32 $0xFFFFFB00  }
0x1b4: {  	_ =	swait.ge [sflag:s28], $0x500  }
0x1b5: {  	[sflag:s28] =	ssyncset.done $0x0  }
0x1b6: {  	[sflag:s28] =	ssyncadd.s32 $0xFFFFFB00  }
0x1b7: {  	_ =	swait.ge [sflag:s31], $0x500  }
0x1b8: {  	s26 =	rddreg [dreg:$0x19]  }
0x1b9: {  	s30 =	rddreg [dreg:$0x16];
	s2 =	sadd.s32 $0x1, s26  }
0x1ba: {  	p0 =	sne.s32 s2, s30  }
.Ltmp1:
0x1bb: {  	_ = 	snop;
	(pc) =	sbr.rel @p0 .LBB2_1-.Ltmp1, $3  }
0x1bc: {  	_ =	sdelay $0x1  }
0x1bd: {  	[sflag:s31] =	ssyncset.done $0x0  }
0x1be: {  	[sflag:s31] =	ssyncadd.s32 $0xFFFFFB00  }
0x1bf: {  	_ =	sfence.sel $0x180000  }
0x1c0: {  	[bflag:$0x0] =	sbarrier.arrive $0xFFFF  }
0x1c1: {  	_ =	strace $0x90000047  }
0x1c2: {  	s0 =	stileid.u32;
	[bflag:$0x2] =	sbarrier.arrive $0xFFFF  }
0x1c3: {  	p0 =	sne.s32 s0, $0x0;
	s0 =	rddreg [dreg:$0x4]  }
0x1c4: {  	s0 =	sadd.s32 @!p0 $0x100000, s0  }
0x1c5: {  	[sflag:s0] =	ssyncadd.tile.s32 @!p0 $0x1;
	_ =	shalt  }
.Lfunc_end2:
_tile_overlayer_lowered:
.L_overlay_start_2:
0x1c6: {  	(tag) =	ssettag $0x2  }
0x1c7: {  	s0 =	rddreg [dreg:$0x0];
	s2 =	stileid.u32  }
0x1c8: {  	s1 =	rddreg [dreg:$0x1];
	p0 =	sne.s32 s2, $0x0  }
0x1c9: {  	s3 =	rddreg [dreg:$0x2];
	[bflag:$0x3] =	sbarrier.arrive $0xFFFF;
	s2 =	simm.s32 @!p0 $0x1C15  }
0x1ca: {  	[timem:s3], [sflag:s2] =	dma.local @!p0 [hbm:s0], s1  }
0x1cb: {  	s0 =	simm.s32 @!p0 $0x15  }
0x1cc: {  	_ =	swait.ge @!p0 [sflag:s0], s1  }
0x1cd: {  	s1 =	ssub.s32 @!p0 $0x0, s1;
	[sflag:s0] =	ssyncset.done @!p0 $0x0  }
0x1ce: {  	[sflag:s0] =	ssyncadd.s32 @!p0 s1  }
0x1cf: {  	[bflag:$0x3] =	sbarrier.arrive $0xFFFF  }
0x1d0: {  	_ =	shalt  }

</sc_bundles>
